<compile_context>
chip_gen: v7x
topology: tpu7x:2x2x1
jax: 0.10.2.dev20260603
libtpu: 0.0.44.dev20260713+nightly
codegen_flags: <defaults>
</compile_context>

<pallas_src>
import functools

import jax
import jax.numpy as jnp
from jax import lax
from jax.experimental import pallas as pl
from jax.experimental.pallas import tpu as pltpu
from jax.experimental.pallas import tpu_sc as plsc

B = 16384
D_NODE, D_FIN, D_NFIN, D_BERT = 128, 84, 11, 768
PAD = 128
V1 = 50001
NC, NS = 2, 16
NW = NC * NS
BPW = B // NW
CH = 128
CHB = 32
EPS = 1e-4


def _pipeline(table, out, idx, bufs, sems, ch, base):
    n = BPW // ch
    nb = len(bufs)
    cps = [None] * nb
    depth = min(nb - 1, n)
    for c in range(depth):
        cps[c] = pltpu.async_copy(table.at[idx.at[pl.ds(c * ch, ch)]],
                                  bufs[c], sems[c % len(sems)])
    for c in range(n):
        p = c % nb
        nxt = c + depth
        if nxt < n:
            q = nxt % nb
            cps[q] = pltpu.async_copy(
                table.at[idx.at[pl.ds(nxt * ch, ch)]], bufs[q],
                sems[q % len(sems)])
        cps[p].wait()
        pltpu.sync_copy(bufs[p], out.at[pl.ds(base + c * ch, ch)])


def _wide_body(node_idx, mda_idx, node_table, bert_table,
               out_node, out_bert,
               idx_n, idx_m, buf_n0, buf_n1, buf_b0, buf_b1, buf_b2,
               sem0, sem1, sem2):
    wid = lax.axis_index("s") * NC + lax.axis_index("c")
    base = wid * BPW
    pltpu.sync_copy(node_idx.at[pl.ds(base, BPW)], idx_n)
    pltpu.sync_copy(mda_idx.at[pl.ds(base, BPW)], idx_m)
    _pipeline(node_table, out_node, idx_n, (buf_n0, buf_n1),
              (sem0, sem1), CH, base)
    _pipeline(bert_table, out_bert, idx_m, (buf_b0, buf_b1, buf_b2),
              (sem0, sem1, sem2), CHB, base)


def _narrow_body(fin_idx, nfin_idx, packed,
                 out_fin, out_nfin,
                 idx_f, idx_nf, buf_f0, buf_f1, buf_nf0, buf_nf1,
                 sem0, sem1):
    wid = lax.axis_index("s") * NC + lax.axis_index("c")
    base = wid * BPW
    pltpu.sync_copy(fin_idx.at[pl.ds(base, BPW)], idx_f)
    pltpu.sync_copy(nfin_idx.at[pl.ds(base, BPW)], idx_nf)
    _pipeline(packed, out_fin, idx_f, (buf_f0, buf_f1), (sem0, sem1),
              CH, base)
    _pipeline(packed, out_nfin, idx_nf, (buf_nf0, buf_nf1), (sem0, sem1),
              CH, base)


@functools.cache
def _build_gathers():
    mesh = plsc.VectorSubcoreMesh(core_axis_name="c", subcore_axis_name="s",
                                  num_cores=NC, num_subcores=NS)
    wide = pl.kernel(
        _wide_body,
        out_type=(
            jax.ShapeDtypeStruct((B, D_NODE), jnp.float32),
            jax.ShapeDtypeStruct((B, D_BERT), jnp.float32),
        ),
        mesh=mesh,
        scratch_types=[
            pltpu.VMEM((BPW,), jnp.int32),
            pltpu.VMEM((BPW,), jnp.int32),
            pltpu.VMEM((CH, D_NODE), jnp.float32),
            pltpu.VMEM((CH, D_NODE), jnp.float32),
            pltpu.VMEM((CHB, D_BERT), jnp.float32),
            pltpu.VMEM((CHB, D_BERT), jnp.float32),
            pltpu.VMEM((CHB, D_BERT), jnp.float32),
            pltpu.SemaphoreType.DMA,
            pltpu.SemaphoreType.DMA,
            pltpu.SemaphoreType.DMA,
        ],
    )
    narrow = pl.kernel(
        _narrow_body,
        out_type=(
            jax.ShapeDtypeStruct((B, PAD), jnp.float32),
            jax.ShapeDtypeStruct((B, PAD), jnp.float32),
        ),

        mesh=mesh,
        scratch_types=[
            pltpu.VMEM((BPW,), jnp.int32),
            pltpu.VMEM((BPW,), jnp.int32),
            pltpu.VMEM((CH, PAD), jnp.float32),
            pltpu.VMEM((CH, PAD), jnp.float32),
            pltpu.VMEM((CH, PAD), jnp.float32),
            pltpu.VMEM((CH, PAD), jnp.float32),
            pltpu.SemaphoreType.DMA,
            pltpu.SemaphoreType.DMA,
        ],
    )
    return wide, narrow


PROWS = 2048


def _pad_kernel(fT_in, nfT_in, out):
    z = jnp.zeros((PROWS, PAD - D_FIN - D_NFIN), jnp.float32)
    out[...] = jnp.concatenate([fT_in[...].T, nfT_in[...].T, z], axis=1)


def _pad_tables(fin_tableT, nfin_tableT):
    grid = (pl.cdiv(V1, PROWS),)
    return pl.pallas_call(
        _pad_kernel,
        grid=grid,
        in_specs=[pl.BlockSpec((D_FIN, PROWS), lambda i: (0, i)),
                  pl.BlockSpec((D_NFIN, PROWS), lambda i: (0, i))],
        out_specs=pl.BlockSpec((PROWS, PAD), lambda i: (i, 0)),
        out_shape=jax.ShapeDtypeStruct((V1, PAD), jnp.float32),
    )(fin_tableT, nfin_tableT)


ROWS = 2048
WIDTHS = (D_NODE, PAD, PAD, D_BERT)
SPLITS = (0, D_NODE, D_NODE + D_FIN, D_NODE + D_FIN + D_NFIN,
          D_NODE + D_FIN + D_NFIN + D_BERT)
OFFS = (0, 0, D_FIN, 0)


def _stats2_kernel(xa, xb, oa, ob):
    @pl.when(pl.program_id(0) == 0)
    def _():
        oa[...] = jnp.zeros_like(oa)
        ob[...] = jnp.zeros_like(ob)

    for x, o in ((xa, oa), (xb, ob)):
        v = x[...]
        s = jnp.sum(v, axis=0, keepdims=True)
        q = jnp.sum(v * v, axis=0, keepdims=True)
        o[...] += jnp.concatenate([s, q], axis=0)


def _stats2(xa, xb):
    wa, wb = xa.shape[1], xb.shape[1]
    grid = (B // ROWS,)
    return pl.pallas_call(
        _stats2_kernel,
        grid=grid,
        in_specs=[pl.BlockSpec((ROWS, wa), lambda i: (i, 0)),
                  pl.BlockSpec((ROWS, wb), lambda i: (i, 0))],
        out_specs=(pl.BlockSpec((2, wa), lambda i: (0, 0)),
                   pl.BlockSpec((2, wb), lambda i: (0, 0))),
        out_shape=(jax.ShapeDtypeStruct((2, wa), jnp.float32),
                   jax.ShapeDtypeStruct((2, wb), jnp.float32)),
    )(xa, xb)


def _matvec_kernel(xn, xf, xnf, xb,
                   stn, stf, stnf, stb,
                   gamma, beta, w1, w2t, b1, b2,
                   out,
                   s_n, s_f, s_nf, s_b,
                   wc_n, wc_f, wc_nf, wc_b, cst):
    dg = lambda a, bm, dims: lax.dot_general(
        a, bm, (dims, ((), ())), preferred_element_type=jnp.float32)

    @pl.when(pl.program_id(0) == 0)
    def _():
        const = dg(b1[...], w2t[...], ((1,), (1,))) + b2[...]
        wc_full = dg(w1[...], w2t[...], ((1,), (1,)))
        for p, (st, s_scr, wc_scr) in enumerate((
                (stn, s_n, wc_n), (stf, s_f, wc_f),
                (stnf, s_nf, wc_nf), (stb, s_b, wc_b))):
            lo, hi = SPLITS[p], SPLITS[p + 1]
            wreal, wpad, off = hi - lo, WIDTHS[p], OFFS[p]
            g = gamma[:, lo:hi]
            bt = beta[:, lo:hi]
            wc = wc_full[lo:hi, :]
            if wpad > wreal:
                npost = wpad - wreal - off
                cat = lambda parts, ax: jnp.concatenate(
                    [p for p in parts if p.shape[ax] > 0], axis=ax)
                zpre = jnp.zeros((1, off), jnp.float32)
                zpost = jnp.zeros((1, npost), jnp.float32)
                g = cat([zpre, g, zpost], 1)
                bt = cat([zpre, bt, zpost], 1)
                wc = cat([jnp.zeros((off, 2), jnp.float32), wc,
                          jnp.zeros((npost, 2), jnp.float32)], 0)
            mean = st[0:1, :] * (1.0 / B)
            ex2 = st[1:2, :] * (1.0 / B)
            var = ex2 - mean * mean
            inv = lax.rsqrt(var + EPS)
            s = g * inv
            c = bt - mean * s
            s_scr[...] = s
            wc_scr[...] = wc
            const = const + jnp.dot(c, wc,
                                    preferred_element_type=jnp.float32)
        cst[...] = const.T

    acc = jnp.broadcast_to(cst[...], (2, ROWS))
    for x, s_scr, wc_scr in ((xn, s_n, wc_n), (xf, s_f, wc_f),
                             (xnf, s_nf, wc_nf), (xb, s_b, wc_b)):
        acc = acc + dg(wc_scr[...], x[...] * s_scr[...], ((0,), (1,)))
    out[...] = acc


def _matvec(xn, xf, xnf, xb, stats, gamma, beta, W1, W2T, b1, b2):
    grid = (B // ROWS,)
    blk = lambda w: pl.BlockSpec((ROWS, w), lambda i: (i, 0))
    full = lambda a: pl.BlockSpec(a.shape, lambda i: tuple(0 for _ in a.shape))
    in_specs = (
        [blk(w) for w in WIDTHS]
        + [full(s) for s in stats]
        + [full(gamma), full(beta), full(W1), full(W2T), full(b1), full(b2)]
    )
    scratch = ([pltpu.VMEM((1, w), jnp.float32) for w in WIDTHS]
               + [pltpu.VMEM((w, 2), jnp.float32) for w in WIDTHS]
               + [pltpu.VMEM((2, 1), jnp.float32)])
    return pl.pallas_call(
        _matvec_kernel,
        grid=grid,
        in_specs=in_specs,
        out_specs=pl.BlockSpec((2, ROWS), lambda i: (0, i)),
        out_shape=jax.ShapeDtypeStruct((2, B), jnp.float32),
        scratch_shapes=scratch,
    )(xn, xf, xnf, xb, *stats, gamma, beta, W1, W2T, b1, b2)


def kernel(node_seq, fin_seq, nfin_seq, mda_seq, seq_len,
           node_table, fin_table, nfin_table, bert_table,
           bn_gamma, bn_beta, W1, b1, W2, b2):
    ni = node_seq.reshape(B).astype(jnp.int32)
    fi = fin_seq.reshape(B).astype(jnp.int32)
    nfi = nfin_seq.reshape(B).astype(jnp.int32)
    mi = mda_seq.reshape(B).astype(jnp.int32)

    wide, narrow = _build_gathers()
    packed = _pad_tables(fin_table.T, nfin_table.T)
    xf, xnf = narrow(fi, nfi, packed)
    stf, stnf = _stats2(xf, xnf)
    xn, xb = wide(ni, mi, node_table, bert_table)
    stn, stb = _stats2(xn, xb)
    stats = (stn, stf, stnf, stb)

    logits_t = _matvec(xn, xf, xnf, xb, stats,
                       bn_gamma.reshape(1, -1), bn_beta.reshape(1, -1),
                       W1, W2.T, b1.reshape(1, -1), b2.reshape(1, -1))
    return logits_t.T

# --- scband reference (transcript-rebuilt; emitter-appended) ---
"""Pipeline reference for scband-model-42082089566245 (READ-ONLY COPY).

The authoritative reference and input builder live on the scoring server;
editing this copy changes nothing except your own understanding.
"""

import jax, jax.numpy as jnp
import numpy as np

B = 16384
IN_SIZE = 128
N_GRAPH = 4
N_ENT = 50000
VOCAB = 50000
FIN = 84
NFIN = 11
BERT = 768
D = IN_SIZE + FIN + NFIN + BERT  # 991
OUT = 2


def setup_inputs(seed: int = 0) -> dict:
    key = jax.random.key(seed)
    ks = jax.random.split(key, 12)
    node_seq = jax.random.randint(ks[0], (B, 1), 0, N_GRAPH * N_ENT)
    fin_seq = jax.random.randint(ks[1], (B, 1), 0, VOCAB)
    nfin_seq = jax.random.randint(ks[2], (B, 1), 0, VOCAB)
    mda_seq = jax.random.randint(ks[3], (B, 1), 0, VOCAB)
    seq_len = jnp.ones((B,), dtype=jnp.int32)
    node_table = jax.random.normal(ks[4], (N_GRAPH * N_ENT + 1, IN_SIZE), dtype=jnp.float32) * 0.02
    fin_table = jax.random.normal(ks[5], (VOCAB + 1, FIN), dtype=jnp.float32) * 0.02
    nfin_table = jax.random.normal(ks[6], (VOCAB + 1, NFIN), dtype=jnp.float32) * 0.02
    bert_table = jax.random.normal(ks[7], (VOCAB + 1, BERT), dtype=jnp.float32) * 0.02
    bn_gamma = jnp.ones((D,), dtype=jnp.float32)
    bn_beta = jnp.zeros((D,), dtype=jnp.float32)
    W1 = jax.random.normal(ks[8], (D, 2 * D), dtype=jnp.float32) * 0.02
    b1 = jnp.zeros((2 * D,), dtype=jnp.float32)
    W2 = jax.random.normal(ks[9], (2 * D, OUT), dtype=jnp.float32) * 0.02
    b2 = jnp.zeros((OUT,), dtype=jnp.float32)
    return {
        'node_seq': node_seq, 'fin_seq': fin_seq, 'nfin_seq': nfin_seq,
        'mda_seq': mda_seq, 'seq_len': seq_len,
        'node_table': node_table, 'fin_table': fin_table,
        'nfin_table': nfin_table, 'bert_table': bert_table,
        'bn_gamma': bn_gamma, 'bn_beta': bn_beta,
        'W1': W1, 'b1': b1, 'W2': W2, 'b2': b2,
    }


def reference(node_seq, fin_seq, nfin_seq, mda_seq, seq_len,
              node_table, fin_table, nfin_table, bert_table,
              bn_gamma, bn_beta, W1, b1, W2, b2):
    # use_kge=True -> node embedding lookup (SparseCore gather)
    node_emb = jnp.take(node_table, node_seq, axis=0)      # [B, 1, 128]
    # use_conven_feat=True -> three more embedding gathers
    fin_emb = jnp.take(fin_table, fin_seq, axis=0)          # [B, 1, 84]
    nfin_emb = jnp.take(nfin_table, nfin_seq, axis=0)       # [B, 1, 11]
    bert_emb = jnp.take(bert_table, mda_seq, axis=0)        # [B, 1, 768]
    x = jnp.concatenate([node_emb, fin_emb, nfin_emb, bert_emb], axis=-1)  # [B, 1, 991]
    # IS_SEQ=False -> squeeze(1)
    x = jnp.squeeze(x, axis=1)                               # [B, 991]
    # BatchNorm1d (training-mode batch stats, eps=1e-4, biased variance)
    mean = jnp.mean(x, axis=0)
    var = jnp.var(x, axis=0)
    x = (x - mean) / jnp.sqrt(var + 1e-4) * bn_gamma + bn_beta
    # mlp: Linear(D, 2D) -> Linear(2D, out_size), no nonlinearity between
    h = x @ W1 + b1
    logits = h @ W2 + b2
    return logits

if __name__ == "__main__":
    import jax
    _d = setup_inputs()
    print(jax.jit(kernel)(*tuple(_d.values())))

</pallas_src>

<mosaic_0001>
#map = affine_map<(d0, d1) -> (0)>
#map1 = affine_map<(d0, d1) -> (0, 0)>
module attributes {stable_mosaic.version = 14 : i64} {
  func.func @_wide_body(%arg0: i32, %arg1: i32, %arg2: memref<16384xi32, #tpu.memory_space<hbm>>, %arg3: memref<16384xi32, #tpu.memory_space<hbm>>, %arg4: memref<200001x128xf32, #tpu.memory_space<hbm>>, %arg5: memref<50001x768xf32, #tpu.memory_space<hbm>>, %arg6: memref<16384x128xf32, #tpu.memory_space<hbm>>, %arg7: memref<16384x768xf32, #tpu.memory_space<hbm>>, %arg8: memref<512xi32, #tpu.memory_space<vmem>>, %arg9: memref<512xi32, #tpu.memory_space<vmem>>, %arg10: memref<128x128xf32, #tpu.memory_space<vmem>>, %arg11: memref<128x128xf32, #tpu.memory_space<vmem>>, %arg12: memref<32x768xf32, #tpu.memory_space<vmem>>, %arg13: memref<32x768xf32, #tpu.memory_space<vmem>>, %arg14: memref<32x768xf32, #tpu.memory_space<vmem>>, %arg15: memref<!tpu.dma_semaphore, #tpu.memory_space<semaphore_mem>>, %arg16: memref<!tpu.dma_semaphore, #tpu.memory_space<semaphore_mem>>, %arg17: memref<!tpu.dma_semaphore, #tpu.memory_space<semaphore_mem>>) attributes {dimension_semantics = [#tpu.dimension_semantics<core_parallel>, #tpu.dimension_semantics<subcore_parallel>], iteration_bounds = array<i64: 2, 16>, scalar_prefetch = 0 : i64, scratch_operands = 10 : i64, tpu.core_type = #tpu.core_type<sc_vector_subcore>, window_params = [{transform_indices = #map}, {transform_indices = #map}, {transform_indices = #map1}, {transform_indices = #map1}, {transform_indices = #map1}, {transform_indices = #map1}]} {
    %mul3A = arith.constant 2 : i32
    %mul3A_0 = arith.muli %arg1, %mul3A : i32
    %add3A = arith.addi %mul3A_0, %arg0 : i32
    %mul3A_1 = arith.constant 512 : i32
    %mul3A_2 = arith.muli %add3A, %mul3A_1 : i32
    "tpu.region"() ({
      %run_scoped3A = tpu.sem_alloc : memref<!tpu.dma_semaphore, #tpu.memory_space<semaphore_mem>>
      %dma_start3A_241 = tpu.memref_slice %arg2[%mul3A_2] : memref<16384xi32, #tpu.memory_space<hbm>> -> memref<512xi32, #tpu.memory_space<hbm>>
      %dma_start3A_242 = tpu.memref_slice %arg2[%mul3A_2] : memref<16384xi32, #tpu.memory_space<hbm>> -> memref<512xi32, #tpu.memory_space<hbm>>
      tpu.enqueue_dma source(%dma_start3A_242 : memref<512xi32, #tpu.memory_space<hbm>>) target(%arg8 : memref<512xi32, #tpu.memory_space<vmem>>) target_semaphore(%run_scoped3A : memref<!tpu.dma_semaphore, #tpu.memory_space<semaphore_mem>>)
      %dma_wait3A_243 = tpu.memref_slice %arg2[%mul3A_2] : memref<16384xi32, #tpu.memory_space<hbm>> -> memref<512xi32, #tpu.memory_space<hbm>>
      %dma_wait3A_244 = tpu.memref_slice %arg2[%mul3A_2] : memref<16384xi32, #tpu.memory_space<hbm>> -> memref<512xi32, #tpu.memory_space<hbm>>
      tpu.wait_dma2 semaphore(%run_scoped3A : memref<!tpu.dma_semaphore, #tpu.memory_space<semaphore_mem>>) src(%dma_wait3A_244 : memref<512xi32, #tpu.memory_space<hbm>>) dst(%arg8 : memref<512xi32, #tpu.memory_space<vmem>>)
      tpu.yield
    }) : () -> ()
    "tpu.region"() ({
      %run_scoped3A = tpu.sem_alloc : memref<!tpu.dma_semaphore, #tpu.memory_space<semaphore_mem>>
      %dma_start3A_241 = tpu.memref_slice %arg3[%mul3A_2] : memref<16384xi32, #tpu.memory_space<hbm>> -> memref<512xi32, #tpu.memory_space<hbm>>
      %dma_start3A_242 = tpu.memref_slice %arg3[%mul3A_2] : memref<16384xi32, #tpu.memory_space<hbm>> -> memref<512xi32, #tpu.memory_space<hbm>>
      tpu.enqueue_dma source(%dma_start3A_242 : memref<512xi32, #tpu.memory_space<hbm>>) target(%arg9 : memref<512xi32, #tpu.memory_space<vmem>>) target_semaphore(%run_scoped3A : memref<!tpu.dma_semaphore, #tpu.memory_space<semaphore_mem>>)
      %dma_wait3A_243 = tpu.memref_slice %arg3[%mul3A_2] : memref<16384xi32, #tpu.memory_space<hbm>> -> memref<512xi32, #tpu.memory_space<hbm>>
      %dma_wait3A_244 = tpu.memref_slice %arg3[%mul3A_2] : memref<16384xi32, #tpu.memory_space<hbm>> -> memref<512xi32, #tpu.memory_space<hbm>>
      tpu.wait_dma2 semaphore(%run_scoped3A : memref<!tpu.dma_semaphore, #tpu.memory_space<semaphore_mem>>) src(%dma_wait3A_244 : memref<512xi32, #tpu.memory_space<hbm>>) dst(%arg9 : memref<512xi32, #tpu.memory_space<vmem>>)
      tpu.yield
    }) : () -> ()
    %dma_start3A = arith.constant 0 : i32
    %dma_start3A_3 = tpu.memref_slice %arg8[%dma_start3A] : memref<512xi32, #tpu.memory_space<vmem>> -> memref<128xi32, #tpu.memory_space<vmem>>
    %dma_start3A_4 = arith.constant 0 : i32
    %dma_start3A_5 = arith.constant 0 : i32
    %dma_start3A_6 = tpu.memref_slice %arg4[%dma_start3A_4, %dma_start3A_5] : memref<200001x128xf32, #tpu.memory_space<hbm>> -> memref<200001x128xf32, #tpu.memory_space<hbm>>
    tpu.enqueue_indirect_dma source(%dma_start3A_6 : memref<200001x128xf32, #tpu.memory_space<hbm>>) target(%arg10 : memref<128x128xf32, #tpu.memory_space<vmem>>) offsets(%dma_start3A_3 : memref<128xi32, #tpu.memory_space<vmem>>) semaphore(%arg15 : memref<!tpu.dma_semaphore, #tpu.memory_space<semaphore_mem>>)
    %dma_start3A_7 = arith.constant 128 : i32
    %dma_start3A_8 = tpu.memref_slice %arg8[%dma_start3A_7] : memref<512xi32, #tpu.memory_space<vmem>> -> memref<128xi32, #tpu.memory_space<vmem>>
    %dma_start3A_9 = arith.constant 0 : i32
    %dma_start3A_10 = arith.constant 0 : i32
    %dma_start3A_11 = tpu.memref_slice %arg4[%dma_start3A_9, %dma_start3A_10] : memref<200001x128xf32, #tpu.memory_space<hbm>> -> memref<200001x128xf32, #tpu.memory_space<hbm>>
    tpu.enqueue_indirect_dma source(%dma_start3A_11 : memref<200001x128xf32, #tpu.memory_space<hbm>>) target(%arg11 : memref<128x128xf32, #tpu.memory_space<vmem>>) offsets(%dma_start3A_8 : memref<128xi32, #tpu.memory_space<vmem>>) semaphore(%arg16 : memref<!tpu.dma_semaphore, #tpu.memory_space<semaphore_mem>>)
    %dma_wait3A = arith.constant 0 : i32
    %dma_wait3A_12 = tpu.memref_slice %arg8[%dma_wait3A] : memref<512xi32, #tpu.memory_space<vmem>> -> memref<128xi32, #tpu.memory_space<vmem>>
    %dma_wait3A_13 = arith.constant 0 : i32
    %dma_wait3A_14 = arith.constant 0 : i32
    %dma_wait3A_15 = tpu.memref_slice %arg4[%dma_wait3A_13, %dma_wait3A_14] : memref<200001x128xf32, #tpu.memory_space<hbm>> -> memref<200001x128xf32, #tpu.memory_space<hbm>>
    tpu.wait_indirect_dma semaphore(%arg15 : memref<!tpu.dma_semaphore, #tpu.memory_space<semaphore_mem>>) src(%dma_wait3A_15 : memref<200001x128xf32, #tpu.memory_space<hbm>>) dst(%arg10 : memref<128x128xf32, #tpu.memory_space<vmem>>)
    %add3A_16 = arith.constant 0 : i32
    %add3A_17 = arith.addi %mul3A_2, %add3A_16 : i32
    "tpu.region"() ({
      %run_scoped3A = tpu.sem_alloc : memref<!tpu.dma_semaphore, #tpu.memory_space<semaphore_mem>>
      %dma_start3A_241 = arith.constant 0 : i32
      %dma_start3A_242 = tpu.memref_slice %arg6[%add3A_17, %dma_start3A_241] : memref<16384x128xf32, #tpu.memory_space<hbm>> -> memref<128x128xf32, #tpu.memory_space<hbm>>
      %dma_start3A_243 = arith.constant 0 : i32
      %dma_start3A_244 = tpu.memref_slice %arg6[%add3A_17, %dma_start3A_243] : memref<16384x128xf32, #tpu.memory_space<hbm>> -> memref<128x128xf32, #tpu.memory_space<hbm>>
      tpu.enqueue_dma source(%arg10 : memref<128x128xf32, #tpu.memory_space<vmem>>) target(%dma_start3A_244 : memref<128x128xf32, #tpu.memory_space<hbm>>) target_semaphore(%run_scoped3A : memref<!tpu.dma_semaphore, #tpu.memory_space<semaphore_mem>>)
      %dma_wait3A_245 = arith.constant 0 : i32
      %dma_wait3A_246 = tpu.memref_slice %arg6[%add3A_17, %dma_wait3A_245] : memref<16384x128xf32, #tpu.memory_space<hbm>> -> memref<128x128xf32, #tpu.memory_space<hbm>>
      %dma_wait3A_247 = arith.constant 0 : i32
      %dma_wait3A_248 = tpu.memref_slice %arg6[%add3A_17, %dma_wait3A_247] : memref<16384x128xf32, #tpu.memory_space<hbm>> -> memref<128x128xf32, #tpu.memory_space<hbm>>
      tpu.wait_dma2 semaphore(%run_scoped3A : memref<!tpu.dma_semaphore, #tpu.memory_space<semaphore_mem>>) src(%arg10 : memref<128x128xf32, #tpu.memory_space<vmem>>) dst(%dma_wait3A_248 : memref<128x128xf32, #tpu.memory_space<hbm>>)
      tpu.yield
    }) : () -> ()
    %dma_start3A_18 = arith.constant 256 : i32
    %dma_start3A_19 = tpu.memref_slice %arg8[%dma_start3A_18] : memref<512xi32, #tpu.memory_space<vmem>> -> memref<128xi32, #tpu.memory_space<vmem>>
    %dma_start3A_20 = arith.constant 0 : i32
    %dma_start3A_21 = arith.constant 0 : i32
    %dma_start3A_22 = tpu.memref_slice %arg4[%dma_start3A_20, %dma_start3A_21] : memref<200001x128xf32, #tpu.memory_space<hbm>> -> memref<200001x128xf32, #tpu.memory_space<hbm>>
    tpu.enqueue_indirect_dma source(%dma_start3A_22 : memref<200001x128xf32, #tpu.memory_space<hbm>>) target(%arg10 : memref<128x128xf32, #tpu.memory_space<vmem>>) offsets(%dma_start3A_19 : memref<128xi32, #tpu.memory_space<vmem>>) semaphore(%arg15 : memref<!tpu.dma_semaphore, #tpu.memory_space<semaphore_mem>>)
    %dma_wait3A_23 = arith.constant 128 : i32
    %dma_wait3A_24 = tpu.memref_slice %arg8[%dma_wait3A_23] : memref<512xi32, #tpu.memory_space<vmem>> -> memref<128xi32, #tpu.memory_space<vmem>>
    %dma_wait3A_25 = arith.constant 0 : i32
    %dma_wait3A_26 = arith.constant 0 : i32
    %dma_wait3A_27 = tpu.memref_slice %arg4[%dma_wait3A_25, %dma_wait3A_26] : memref<200001x128xf32, #tpu.memory_space<hbm>> -> memref<200001x128xf32, #tpu.memory_space<hbm>>
    tpu.wait_indirect_dma semaphore(%arg16 : memref<!tpu.dma_semaphore, #tpu.memory_space<semaphore_mem>>) src(%dma_wait3A_27 : memref<200001x128xf32, #tpu.memory_space<hbm>>) dst(%arg11 : memref<128x128xf32, #tpu.memory_space<vmem>>)
    %add3A_28 = arith.constant 128 : i32
    %add3A_29 = arith.addi %mul3A_2, %add3A_28 : i32
    "tpu.region"() ({
      %run_scoped3A = tpu.sem_alloc : memref<!tpu.dma_semaphore, #tpu.memory_space<semaphore_mem>>
      %dma_start3A_241 = arith.constant 0 : i32
      %dma_start3A_242 = tpu.memref_slice %arg6[%add3A_29, %dma_start3A_241] : memref<16384x128xf32, #tpu.memory_space<hbm>> -> memref<128x128xf32, #tpu.memory_space<hbm>>
      %dma_start3A_243 = arith.constant 0 : i32
      %dma_start3A_244 = tpu.memref_slice %arg6[%add3A_29, %dma_start3A_243] : memref<16384x128xf32, #tpu.memory_space<hbm>> -> memref<128x128xf32, #tpu.memory_space<hbm>>
      tpu.enqueue_dma source(%arg11 : memref<128x128xf32, #tpu.memory_space<vmem>>) target(%dma_start3A_244 : memref<128x128xf32, #tpu.memory_space<hbm>>) target_semaphore(%run_scoped3A : memref<!tpu.dma_semaphore, #tpu.memory_space<semaphore_mem>>)
      %dma_wait3A_245 = arith.constant 0 : i32
      %dma_wait3A_246 = tpu.memref_slice %arg6[%add3A_29, %dma_wait3A_245] : memref<16384x128xf32, #tpu.memory_space<hbm>> -> memref<128x128xf32, #tpu.memory_space<hbm>>
      %dma_wait3A_247 = arith.constant 0 : i32
      %dma_wait3A_248 = tpu.memref_slice %arg6[%add3A_29, %dma_wait3A_247] : memref<16384x128xf32, #tpu.memory_space<hbm>> -> memref<128x128xf32, #tpu.memory_space<hbm>>
      tpu.wait_dma2 semaphore(%run_scoped3A : memref<!tpu.dma_semaphore, #tpu.memory_space<semaphore_mem>>) src(%arg11 : memref<128x128xf32, #tpu.memory_space<vmem>>) dst(%dma_wait3A_248 : memref<128x128xf32, #tpu.memory_space<hbm>>)
      tpu.yield
    }) : () -> ()
    %dma_start3A_30 = arith.constant 384 : i32
    %dma_start3A_31 = tpu.memref_slice %arg8[%dma_start3A_30] : memref<512xi32, #tpu.memory_space<vmem>> -> memref<128xi32, #tpu.memory_space<vmem>>
    %dma_start3A_32 = arith.constant 0 : i32
    %dma_start3A_33 = arith.constant 0 : i32
    %dma_start3A_34 = tpu.memref_slice %arg4[%dma_start3A_32, %dma_start3A_33] : memref<200001x128xf32, #tpu.memory_space<hbm>> -> memref<200001x128xf32, #tpu.memory_space<hbm>>
    tpu.enqueue_indirect_dma source(%dma_start3A_34 : memref<200001x128xf32, #tpu.memory_space<hbm>>) target(%arg11 : memref<128x128xf32, #tpu.memory_space<vmem>>) offsets(%dma_start3A_31 : memref<128xi32, #tpu.memory_space<vmem>>) semaphore(%arg16 : memref<!tpu.dma_semaphore, #tpu.memory_space<semaphore_mem>>)
    %dma_wait3A_35 = arith.constant 256 : i32
    %dma_wait3A_36 = tpu.memref_slice %arg8[%dma_wait3A_35] : memref<512xi32, #tpu.memory_space<vmem>> -> memref<128xi32, #tpu.memory_space<vmem>>
    %dma_wait3A_37 = arith.constant 0 : i32
    %dma_wait3A_38 = arith.constant 0 : i32
    %dma_wait3A_39 = tpu.memref_slice %arg4[%dma_wait3A_37, %dma_wait3A_38] : memref<200001x128xf32, #tpu.memory_space<hbm>> -> memref<200001x128xf32, #tpu.memory_space<hbm>>
    tpu.wait_indirect_dma semaphore(%arg15 : memref<!tpu.dma_semaphore, #tpu.memory_space<semaphore_mem>>) src(%dma_wait3A_39 : memref<200001x128xf32, #tpu.memory_space<hbm>>) dst(%arg10 : memref<128x128xf32, #tpu.memory_space<vmem>>)
    %add3A_40 = arith.constant 256 : i32
    %add3A_41 = arith.addi %mul3A_2, %add3A_40 : i32
    "tpu.region"() ({
      %run_scoped3A = tpu.sem_alloc : memref<!tpu.dma_semaphore, #tpu.memory_space<semaphore_mem>>
      %dma_start3A_241 = arith.constant 0 : i32
      %dma_start3A_242 = tpu.memref_slice %arg6[%add3A_41, %dma_start3A_241] : memref<16384x128xf32, #tpu.memory_space<hbm>> -> memref<128x128xf32, #tpu.memory_space<hbm>>
      %dma_start3A_243 = arith.constant 0 : i32
      %dma_start3A_244 = tpu.memref_slice %arg6[%add3A_41, %dma_start3A_243] : memref<16384x128xf32, #tpu.memory_space<hbm>> -> memref<128x128xf32, #tpu.memory_space<hbm>>
      tpu.enqueue_dma source(%arg10 : memref<128x128xf32, #tpu.memory_space<vmem>>) target(%dma_start3A_244 : memref<128x128xf32, #tpu.memory_space<hbm>>) target_semaphore(%run_scoped3A : memref<!tpu.dma_semaphore, #tpu.memory_space<semaphore_mem>>)
      %dma_wait3A_245 = arith.constant 0 : i32
      %dma_wait3A_246 = tpu.memref_slice %arg6[%add3A_41, %dma_wait3A_245] : memref<16384x128xf32, #tpu.memory_space<hbm>> -> memref<128x128xf32, #tpu.memory_space<hbm>>
      %dma_wait3A_247 = arith.constant 0 : i32
      %dma_wait3A_248 = tpu.memref_slice %arg6[%add3A_41, %dma_wait3A_247] : memref<16384x128xf32, #tpu.memory_space<hbm>> -> memref<128x128xf32, #tpu.memory_space<hbm>>
      tpu.wait_dma2 semaphore(%run_scoped3A : memref<!tpu.dma_semaphore, #tpu.memory_space<semaphore_mem>>) src(%arg10 : memref<128x128xf32, #tpu.memory_space<vmem>>) dst(%dma_wait3A_248 : memref<128x128xf32, #tpu.memory_space<hbm>>)
      tpu.yield
    }) : () -> ()
    %dma_wait3A_42 = arith.constant 384 : i32
    %dma_wait3A_43 = tpu.memref_slice %arg8[%dma_wait3A_42] : memref<512xi32, #tpu.memory_space<vmem>> -> memref<128xi32, #tpu.memory_space<vmem>>
    %dma_wait3A_44 = arith.constant 0 : i32
    %dma_wait3A_45 = arith.constant 0 : i32
    %dma_wait3A_46 = tpu.memref_slice %arg4[%dma_wait3A_44, %dma_wait3A_45] : memref<200001x128xf32, #tpu.memory_space<hbm>> -> memref<200001x128xf32, #tpu.memory_space<hbm>>
    tpu.wait_indirect_dma semaphore(%arg16 : memref<!tpu.dma_semaphore, #tpu.memory_space<semaphore_mem>>) src(%dma_wait3A_46 : memref<200001x128xf32, #tpu.memory_space<hbm>>) dst(%arg11 : memref<128x128xf32, #tpu.memory_space<vmem>>)
    %add3A_47 = arith.constant 384 : i32
    %add3A_48 = arith.addi %mul3A_2, %add3A_47 : i32
    "tpu.region"() ({
      %run_scoped3A = tpu.sem_alloc : memref<!tpu.dma_semaphore, #tpu.memory_space<semaphore_mem>>
      %dma_start3A_241 = arith.constant 0 : i32
      %dma_start3A_242 = tpu.memref_slice %arg6[%add3A_48, %dma_start3A_241] : memref<16384x128xf32, #tpu.memory_space<hbm>> -> memref<128x128xf32, #tpu.memory_space<hbm>>
      %dma_start3A_243 = arith.constant 0 : i32
      %dma_start3A_244 = tpu.memref_slice %arg6[%add3A_48, %dma_start3A_243] : memref<16384x128xf32, #tpu.memory_space<hbm>> -> memref<128x128xf32, #tpu.memory_space<hbm>>
      tpu.enqueue_dma source(%arg11 : memref<128x128xf32, #tpu.memory_space<vmem>>) target(%dma_start3A_244 : memref<128x128xf32, #tpu.memory_space<hbm>>) target_semaphore(%run_scoped3A : memref<!tpu.dma_semaphore, #tpu.memory_space<semaphore_mem>>)
      %dma_wait3A_245 = arith.constant 0 : i32
      %dma_wait3A_246 = tpu.memref_slice %arg6[%add3A_48, %dma_wait3A_245] : memref<16384x128xf32, #tpu.memory_space<hbm>> -> memref<128x128xf32, #tpu.memory_space<hbm>>
      %dma_wait3A_247 = arith.constant 0 : i32
      %dma_wait3A_248 = tpu.memref_slice %arg6[%add3A_48, %dma_wait3A_247] : memref<16384x128xf32, #tpu.memory_space<hbm>> -> memref<128x128xf32, #tpu.memory_space<hbm>>
      tpu.wait_dma2 semaphore(%run_scoped3A : memref<!tpu.dma_semaphore, #tpu.memory_space<semaphore_mem>>) src(%arg11 : memref<128x128xf32, #tpu.memory_space<vmem>>) dst(%dma_wait3A_248 : memref<128x128xf32, #tpu.memory_space<hbm>>)
      tpu.yield
    }) : () -> ()
    %dma_start3A_49 = arith.constant 0 : i32
    %dma_start3A_50 = tpu.memref_slice %arg9[%dma_start3A_49] : memref<512xi32, #tpu.memory_space<vmem>> -> memref<32xi32, #tpu.memory_space<vmem>>
    %dma_start3A_51 = arith.constant 0 : i32
    %dma_start3A_52 = arith.constant 0 : i32
    %dma_start3A_53 = tpu.memref_slice %arg5[%dma_start3A_51, %dma_start3A_52] : memref<50001x768xf32, #tpu.memory_space<hbm>> -> memref<50001x768xf32, #tpu.memory_space<hbm>>
    tpu.enqueue_indirect_dma source(%dma_start3A_53 : memref<50001x768xf32, #tpu.memory_space<hbm>>) target(%arg12 : memref<32x768xf32, #tpu.memory_space<vmem>>) offsets(%dma_start3A_50 : memref<32xi32, #tpu.memory_space<vmem>>) semaphore(%arg15 : memref<!tpu.dma_semaphore, #tpu.memory_space<semaphore_mem>>)
    %dma_start3A_54 = arith.constant 32 : i32
    %dma_start3A_55 = tpu.memref_slice %arg9[%dma_start3A_54] : memref<512xi32, #tpu.memory_space<vmem>> -> memref<32xi32, #tpu.memory_space<vmem>>
    %dma_start3A_56 = arith.constant 0 : i32
    %dma_start3A_57 = arith.constant 0 : i32
    %dma_start3A_58 = tpu.memref_slice %arg5[%dma_start3A_56, %dma_start3A_57] : memref<50001x768xf32, #tpu.memory_space<hbm>> -> memref<50001x768xf32, #tpu.memory_space<hbm>>
    tpu.enqueue_indirect_dma source(%dma_start3A_58 : memref<50001x768xf32, #tpu.memory_space<hbm>>) target(%arg13 : memref<32x768xf32, #tpu.memory_space<vmem>>) offsets(%dma_start3A_55 : memref<32xi32, #tpu.memory_space<vmem>>) semaphore(%arg16 : memref<!tpu.dma_semaphore, #tpu.memory_space<semaphore_mem>>)
    %dma_start3A_59 = arith.constant 64 : i32
    %dma_start3A_60 = tpu.memref_slice %arg9[%dma_start3A_59] : memref<512xi32, #tpu.memory_space<vmem>> -> memref<32xi32, #tpu.memory_space<vmem>>
    %dma_start3A_61 = arith.constant 0 : i32
    %dma_start3A_62 = arith.constant 0 : i32
    %dma_start3A_63 = tpu.memref_slice %arg5[%dma_start3A_61, %dma_start3A_62] : memref<50001x768xf32, #tpu.memory_space<hbm>> -> memref<50001x768xf32, #tpu.memory_space<hbm>>
    tpu.enqueue_indirect_dma source(%dma_start3A_63 : memref<50001x768xf32, #tpu.memory_space<hbm>>) target(%arg14 : memref<32x768xf32, #tpu.memory_space<vmem>>) offsets(%dma_start3A_60 : memref<32xi32, #tpu.memory_space<vmem>>) semaphore(%arg17 : memref<!tpu.dma_semaphore, #tpu.memory_space<semaphore_mem>>)
    %dma_wait3A_64 = arith.constant 0 : i32
    %dma_wait3A_65 = tpu.memref_slice %arg9[%dma_wait3A_64] : memref<512xi32, #tpu.memory_space<vmem>> -> memref<32xi32, #tpu.memory_space<vmem>>
    %dma_wait3A_66 = arith.constant 0 : i32
    %dma_wait3A_67 = arith.constant 0 : i32
    %dma_wait3A_68 = tpu.memref_slice %arg5[%dma_wait3A_66, %dma_wait3A_67] : memref<50001x768xf32, #tpu.memory_space<hbm>> -> memref<50001x768xf32, #tpu.memory_space<hbm>>
    tpu.wait_indirect_dma semaphore(%arg15 : memref<!tpu.dma_semaphore, #tpu.memory_space<semaphore_mem>>) src(%dma_wait3A_68 : memref<50001x768xf32, #tpu.memory_space<hbm>>) dst(%arg12 : memref<32x768xf32, #tpu.memory_space<vmem>>)
    %add3A_69 = arith.constant 0 : i32
    %add3A_70 = arith.addi %mul3A_2, %add3A_69 : i32
    "tpu.region"() ({
      %run_scoped3A = tpu.sem_alloc : memref<!tpu.dma_semaphore, #tpu.memory_space<semaphore_mem>>
      %dma_start3A_241 = arith.constant 0 : i32
      %dma_start3A_242 = tpu.memref_slice %arg7[%add3A_70, %dma_start3A_241] : memref<16384x768xf32, #tpu.memory_space<hbm>> -> memref<32x768xf32, #tpu.memory_space<hbm>>
      %dma_start3A_243 = arith.constant 0 : i32
      %dma_start3A_244 = tpu.memref_slice %arg7[%add3A_70, %dma_start3A_243] : memref<16384x768xf32, #tpu.memory_space<hbm>> -> memref<32x768xf32, #tpu.memory_space<hbm>>
      tpu.enqueue_dma source(%arg12 : memref<32x768xf32, #tpu.memory_space<vmem>>) target(%dma_start3A_244 : memref<32x768xf32, #tpu.memory_space<hbm>>) target_semaphore(%run_scoped3A : memref<!tpu.dma_semaphore, #tpu.memory_space<semaphore_mem>>)
      %dma_wait3A_245 = arith.constant 0 : i32
      %dma_wait3A_246 = tpu.memref_slice %arg7[%add3A_70, %dma_wait3A_245] : memref<16384x768xf32, #tpu.memory_space<hbm>> -> memref<32x768xf32, #tpu.memory_space<hbm>>
      %dma_wait3A_247 = arith.constant 0 : i32
      %dma_wait3A_248 = tpu.memref_slice %arg7[%add3A_70, %dma_wait3A_247] : memref<16384x768xf32, #tpu.memory_space<hbm>> -> memref<32x768xf32, #tpu.memory_space<hbm>>
      tpu.wait_dma2 semaphore(%run_scoped3A : memref<!tpu.dma_semaphore, #tpu.memory_space<semaphore_mem>>) src(%arg12 : memref<32x768xf32, #tpu.memory_space<vmem>>) dst(%dma_wait3A_248 : memref<32x768xf32, #tpu.memory_space<hbm>>)
      tpu.yield
    }) : () -> ()
    %dma_start3A_71 = arith.constant 96 : i32
    %dma_start3A_72 = tpu.memref_slice %arg9[%dma_start3A_71] : memref<512xi32, #tpu.memory_space<vmem>> -> memref<32xi32, #tpu.memory_space<vmem>>
    %dma_start3A_73 = arith.constant 0 : i32
    %dma_start3A_74 = arith.constant 0 : i32
    %dma_start3A_75 = tpu.memref_slice %arg5[%dma_start3A_73, %dma_start3A_74] : memref<50001x768xf32, #tpu.memory_space<hbm>> -> memref<50001x768xf32, #tpu.memory_space<hbm>>
    tpu.enqueue_indirect_dma source(%dma_start3A_75 : memref<50001x768xf32, #tpu.memory_space<hbm>>) target(%arg12 : memref<32x768xf32, #tpu.memory_space<vmem>>) offsets(%dma_start3A_72 : memref<32xi32, #tpu.memory_space<vmem>>) semaphore(%arg15 : memref<!tpu.dma_semaphore, #tpu.memory_space<semaphore_mem>>)
    %dma_wait3A_76 = arith.constant 32 : i32
    %dma_wait3A_77 = tpu.memref_slice %arg9[%dma_wait3A_76] : memref<512xi32, #tpu.memory_space<vmem>> -> memref<32xi32, #tpu.memory_space<vmem>>
    %dma_wait3A_78 = arith.constant 0 : i32
    %dma_wait3A_79 = arith.constant 0 : i32
    %dma_wait3A_80 = tpu.memref_slice %arg5[%dma_wait3A_78, %dma_wait3A_79] : memref<50001x768xf32, #tpu.memory_space<hbm>> -> memref<50001x768xf32, #tpu.memory_space<hbm>>
    tpu.wait_indirect_dma semaphore(%arg16 : memref<!tpu.dma_semaphore, #tpu.memory_space<semaphore_mem>>) src(%dma_wait3A_80 : memref<50001x768xf32, #tpu.memory_space<hbm>>) dst(%arg13 : memref<32x768xf32, #tpu.memory_space<vmem>>)
    %add3A_81 = arith.constant 32 : i32
    %add3A_82 = arith.addi %mul3A_2, %add3A_81 : i32
    "tpu.region"() ({
      %run_scoped3A = tpu.sem_alloc : memref<!tpu.dma_semaphore, #tpu.memory_space<semaphore_mem>>
      %dma_start3A_241 = arith.constant 0 : i32
      %dma_start3A_242 = tpu.memref_slice %arg7[%add3A_82, %dma_start3A_241] : memref<16384x768xf32, #tpu.memory_space<hbm>> -> memref<32x768xf32, #tpu.memory_space<hbm>>
      %dma_start3A_243 = arith.constant 0 : i32
      %dma_start3A_244 = tpu.memref_slice %arg7[%add3A_82, %dma_start3A_243] : memref<16384x768xf32, #tpu.memory_space<hbm>> -> memref<32x768xf32, #tpu.memory_space<hbm>>
      tpu.enqueue_dma source(%arg13 : memref<32x768xf32, #tpu.memory_space<vmem>>) target(%dma_start3A_244 : memref<32x768xf32, #tpu.memory_space<hbm>>) target_semaphore(%run_scoped3A : memref<!tpu.dma_semaphore, #tpu.memory_space<semaphore_mem>>)
      %dma_wait3A_245 = arith.constant 0 : i32
      %dma_wait3A_246 = tpu.memref_slice %arg7[%add3A_82, %dma_wait3A_245] : memref<16384x768xf32, #tpu.memory_space<hbm>> -> memref<32x768xf32, #tpu.memory_space<hbm>>
      %dma_wait3A_247 = arith.constant 0 : i32
      %dma_wait3A_248 = tpu.memref_slice %arg7[%add3A_82, %dma_wait3A_247] : memref<16384x768xf32, #tpu.memory_space<hbm>> -> memref<32x768xf32, #tpu.memory_space<hbm>>
      tpu.wait_dma2 semaphore(%run_scoped3A : memref<!tpu.dma_semaphore, #tpu.memory_space<semaphore_mem>>) src(%arg13 : memref<32x768xf32, #tpu.memory_space<vmem>>) dst(%dma_wait3A_248 : memref<32x768xf32, #tpu.memory_space<hbm>>)
      tpu.yield
    }) : () -> ()
    %dma_start3A_83 = arith.constant 128 : i32
    %dma_start3A_84 = tpu.memref_slice %arg9[%dma_start3A_83] : memref<512xi32, #tpu.memory_space<vmem>> -> memref<32xi32, #tpu.memory_space<vmem>>
    %dma_start3A_85 = arith.constant 0 : i32
    %dma_start3A_86 = arith.constant 0 : i32
    %dma_start3A_87 = tpu.memref_slice %arg5[%dma_start3A_85, %dma_start3A_86] : memref<50001x768xf32, #tpu.memory_space<hbm>> -> memref<50001x768xf32, #tpu.memory_space<hbm>>
    tpu.enqueue_indirect_dma source(%dma_start3A_87 : memref<50001x768xf32, #tpu.memory_space<hbm>>) target(%arg13 : memref<32x768xf32, #tpu.memory_space<vmem>>) offsets(%dma_start3A_84 : memref<32xi32, #tpu.memory_space<vmem>>) semaphore(%arg16 : memref<!tpu.dma_semaphore, #tpu.memory_space<semaphore_mem>>)
    %dma_wait3A_88 = arith.constant 64 : i32
    %dma_wait3A_89 = tpu.memref_slice %arg9[%dma_wait3A_88] : memref<512xi32, #tpu.memory_space<vmem>> -> memref<32xi32, #tpu.memory_space<vmem>>
    %dma_wait3A_90 = arith.constant 0 : i32
    %dma_wait3A_91 = arith.constant 0 : i32
    %dma_wait3A_92 = tpu.memref_slice %arg5[%dma_wait3A_90, %dma_wait3A_91] : memref<50001x768xf32, #tpu.memory_space<hbm>> -> memref<50001x768xf32, #tpu.memory_space<hbm>>
    tpu.wait_indirect_dma semaphore(%arg17 : memref<!tpu.dma_semaphore, #tpu.memory_space<semaphore_mem>>) src(%dma_wait3A_92 : memref<50001x768xf32, #tpu.memory_space<hbm>>) dst(%arg14 : memref<32x768xf32, #tpu.memory_space<vmem>>)
    %add3A_93 = arith.constant 64 : i32
    %add3A_94 = arith.addi %mul3A_2, %add3A_93 : i32
    "tpu.region"() ({
      %run_scoped3A = tpu.sem_alloc : memref<!tpu.dma_semaphore, #tpu.memory_space<semaphore_mem>>
      %dma_start3A_241 = arith.constant 0 : i32
      %dma_start3A_242 = tpu.memref_slice %arg7[%add3A_94, %dma_start3A_241] : memref<16384x768xf32, #tpu.memory_space<hbm>> -> memref<32x768xf32, #tpu.memory_space<hbm>>
      %dma_start3A_243 = arith.constant 0 : i32
      %dma_start3A_244 = tpu.memref_slice %arg7[%add3A_94, %dma_start3A_243] : memref<16384x768xf32, #tpu.memory_space<hbm>> -> memref<32x768xf32, #tpu.memory_space<hbm>>
      tpu.enqueue_dma source(%arg14 : memref<32x768xf32, #tpu.memory_space<vmem>>) target(%dma_start3A_244 : memref<32x768xf32, #tpu.memory_space<hbm>>) target_semaphore(%run_scoped3A : memref<!tpu.dma_semaphore, #tpu.memory_space<semaphore_mem>>)
      %dma_wait3A_245 = arith.constant 0 : i32
      %dma_wait3A_246 = tpu.memref_slice %arg7[%add3A_94, %dma_wait3A_245] : memref<16384x768xf32, #tpu.memory_space<hbm>> -> memref<32x768xf32, #tpu.memory_space<hbm>>
      %dma_wait3A_247 = arith.constant 0 : i32
      %dma_wait3A_248 = tpu.memref_slice %arg7[%add3A_94, %dma_wait3A_247] : memref<16384x768xf32, #tpu.memory_space<hbm>> -> memref<32x768xf32, #tpu.memory_space<hbm>>
      tpu.wait_dma2 semaphore(%run_scoped3A : memref<!tpu.dma_semaphore, #tpu.memory_space<semaphore_mem>>) src(%arg14 : memref<32x768xf32, #tpu.memory_space<vmem>>) dst(%dma_wait3A_248 : memref<32x768xf32, #tpu.memory_space<hbm>>)
      tpu.yield
    }) : () -> ()
    %dma_start3A_95 = arith.constant 160 : i32
    %dma_start3A_96 = tpu.memref_slice %arg9[%dma_start3A_95] : memref<512xi32, #tpu.memory_space<vmem>> -> memref<32xi32, #tpu.memory_space<vmem>>
    %dma_start3A_97 = arith.constant 0 : i32
    %dma_start3A_98 = arith.constant 0 : i32
    %dma_start3A_99 = tpu.memref_slice %arg5[%dma_start3A_97, %dma_start3A_98] : memref<50001x768xf32, #tpu.memory_space<hbm>> -> memref<50001x768xf32, #tpu.memory_space<hbm>>
    tpu.enqueue_indirect_dma source(%dma_start3A_99 : memref<50001x768xf32, #tpu.memory_space<hbm>>) target(%arg14 : memref<32x768xf32, #tpu.memory_space<vmem>>) offsets(%dma_start3A_96 : memref<32xi32, #tpu.memory_space<vmem>>) semaphore(%arg17 : memref<!tpu.dma_semaphore, #tpu.memory_space<semaphore_mem>>)
    %dma_wait3A_100 = arith.constant 96 : i32
    %dma_wait3A_101 = tpu.memref_slice %arg9[%dma_wait3A_100] : memref<512xi32, #tpu.memory_space<vmem>> -> memref<32xi32, #tpu.memory_space<vmem>>
    %dma_wait3A_102 = arith.constant 0 : i32
    %dma_wait3A_103 = arith.constant 0 : i32
    %dma_wait3A_104 = tpu.memref_slice %arg5[%dma_wait3A_102, %dma_wait3A_103] : memref<50001x768xf32, #tpu.memory_space<hbm>> -> memref<50001x768xf32, #tpu.memory_space<hbm>>
    tpu.wait_indirect_dma semaphore(%arg15 : memref<!tpu.dma_semaphore, #tpu.memory_space<semaphore_mem>>) src(%dma_wait3A_104 : memref<50001x768xf32, #tpu.memory_space<hbm>>) dst(%arg12 : memref<32x768xf32, #tpu.memory_space<vmem>>)
    %add3A_105 = arith.constant 96 : i32
    %add3A_106 = arith.addi %mul3A_2, %add3A_105 : i32
    "tpu.region"() ({
      %run_scoped3A = tpu.sem_alloc : memref<!tpu.dma_semaphore, #tpu.memory_space<semaphore_mem>>
      %dma_start3A_241 = arith.constant 0 : i32
      %dma_start3A_242 = tpu.memref_slice %arg7[%add3A_106, %dma_start3A_241] : memref<16384x768xf32, #tpu.memory_space<hbm>> -> memref<32x768xf32, #tpu.memory_space<hbm>>
      %dma_start3A_243 = arith.constant 0 : i32
      %dma_start3A_244 = tpu.memref_slice %arg7[%add3A_106, %dma_start3A_243] : memref<16384x768xf32, #tpu.memory_space<hbm>> -> memref<32x768xf32, #tpu.memory_space<hbm>>
      tpu.enqueue_dma source(%arg12 : memref<32x768xf32, #tpu.memory_space<vmem>>) target(%dma_start3A_244 : memref<32x768xf32, #tpu.memory_space<hbm>>) target_semaphore(%run_scoped3A : memref<!tpu.dma_semaphore, #tpu.memory_space<semaphore_mem>>)
      %dma_wait3A_245 = arith.constant 0 : i32
      %dma_wait3A_246 = tpu.memref_slice %arg7[%add3A_106, %dma_wait3A_245] : memref<16384x768xf32, #tpu.memory_space<hbm>> -> memref<32x768xf32, #tpu.memory_space<hbm>>
      %dma_wait3A_247 = arith.constant 0 : i32
      %dma_wait3A_248 = tpu.memref_slice %arg7[%add3A_106, %dma_wait3A_247] : memref<16384x768xf32, #tpu.memory_space<hbm>> -> memref<32x768xf32, #tpu.memory_space<hbm>>
      tpu.wait_dma2 semaphore(%run_scoped3A : memref<!tpu.dma_semaphore, #tpu.memory_space<semaphore_mem>>) src(%arg12 : memref<32x768xf32, #tpu.memory_space<vmem>>) dst(%dma_wait3A_248 : memref<32x768xf32, #tpu.memory_space<hbm>>)
      tpu.yield
    }) : () -> ()
    %dma_start3A_107 = arith.constant 192 : i32
    %dma_start3A_108 = tpu.memref_slice %arg9[%dma_start3A_107] : memref<512xi32, #tpu.memory_space<vmem>> -> memref<32xi32, #tpu.memory_space<vmem>>
    %dma_start3A_109 = arith.constant 0 : i32
    %dma_start3A_110 = arith.constant 0 : i32
    %dma_start3A_111 = tpu.memref_slice %arg5[%dma_start3A_109, %dma_start3A_110] : memref<50001x768xf32, #tpu.memory_space<hbm>> -> memref<50001x768xf32, #tpu.memory_space<hbm>>
    tpu.enqueue_indirect_dma source(%dma_start3A_111 : memref<50001x768xf32, #tpu.memory_space<hbm>>) target(%arg12 : memref<32x768xf32, #tpu.memory_space<vmem>>) offsets(%dma_start3A_108 : memref<32xi32, #tpu.memory_space<vmem>>) semaphore(%arg15 : memref<!tpu.dma_semaphore, #tpu.memory_space<semaphore_mem>>)
    %dma_wait3A_112 = arith.constant 128 : i32
    %dma_wait3A_113 = tpu.memref_slice %arg9[%dma_wait3A_112] : memref<512xi32, #tpu.memory_space<vmem>> -> memref<32xi32, #tpu.memory_space<vmem>>
    %dma_wait3A_114 = arith.constant 0 : i32
    %dma_wait3A_115 = arith.constant 0 : i32
    %dma_wait3A_116 = tpu.memref_slice %arg5[%dma_wait3A_114, %dma_wait3A_115] : memref<50001x768xf32, #tpu.memory_space<hbm>> -> memref<50001x768xf32, #tpu.memory_space<hbm>>
    tpu.wait_indirect_dma semaphore(%arg16 : memref<!tpu.dma_semaphore, #tpu.memory_space<semaphore_mem>>) src(%dma_wait3A_116 : memref<50001x768xf32, #tpu.memory_space<hbm>>) dst(%arg13 : memref<32x768xf32, #tpu.memory_space<vmem>>)
    %add3A_117 = arith.constant 128 : i32
    %add3A_118 = arith.addi %mul3A_2, %add3A_117 : i32
    "tpu.region"() ({
      %run_scoped3A = tpu.sem_alloc : memref<!tpu.dma_semaphore, #tpu.memory_space<semaphore_mem>>
      %dma_start3A_241 = arith.constant 0 : i32
      %dma_start3A_242 = tpu.memref_slice %arg7[%add3A_118, %dma_start3A_241] : memref<16384x768xf32, #tpu.memory_space<hbm>> -> memref<32x768xf32, #tpu.memory_space<hbm>>
      %dma_start3A_243 = arith.constant 0 : i32
      %dma_start3A_244 = tpu.memref_slice %arg7[%add3A_118, %dma_start3A_243] : memref<16384x768xf32, #tpu.memory_space<hbm>> -> memref<32x768xf32, #tpu.memory_space<hbm>>
      tpu.enqueue_dma source(%arg13 : memref<32x768xf32, #tpu.memory_space<vmem>>) target(%dma_start3A_244 : memref<32x768xf32, #tpu.memory_space<hbm>>) target_semaphore(%run_scoped3A : memref<!tpu.dma_semaphore, #tpu.memory_space<semaphore_mem>>)
      %dma_wait3A_245 = arith.constant 0 : i32
      %dma_wait3A_246 = tpu.memref_slice %arg7[%add3A_118, %dma_wait3A_245] : memref<16384x768xf32, #tpu.memory_space<hbm>> -> memref<32x768xf32, #tpu.memory_space<hbm>>
      %dma_wait3A_247 = arith.constant 0 : i32
      %dma_wait3A_248 = tpu.memref_slice %arg7[%add3A_118, %dma_wait3A_247] : memref<16384x768xf32, #tpu.memory_space<hbm>> -> memref<32x768xf32, #tpu.memory_space<hbm>>
      tpu.wait_dma2 semaphore(%run_scoped3A : memref<!tpu.dma_semaphore, #tpu.memory_space<semaphore_mem>>) src(%arg13 : memref<32x768xf32, #tpu.memory_space<vmem>>) dst(%dma_wait3A_248 : memref<32x768xf32, #tpu.memory_space<hbm>>)
      tpu.yield
    }) : () -> ()
    %dma_start3A_119 = arith.constant 224 : i32
    %dma_start3A_120 = tpu.memref_slice %arg9[%dma_start3A_119] : memref<512xi32, #tpu.memory_space<vmem>> -> memref<32xi32, #tpu.memory_space<vmem>>
    %dma_start3A_121 = arith.constant 0 : i32
    %dma_start3A_122 = arith.constant 0 : i32
    %dma_start3A_123 = tpu.memref_slice %arg5[%dma_start3A_121, %dma_start3A_122] : memref<50001x768xf32, #tpu.memory_space<hbm>> -> memref<50001x768xf32, #tpu.memory_space<hbm>>
    tpu.enqueue_indirect_dma source(%dma_start3A_123 : memref<50001x768xf32, #tpu.memory_space<hbm>>) target(%arg13 : memref<32x768xf32, #tpu.memory_space<vmem>>) offsets(%dma_start3A_120 : memref<32xi32, #tpu.memory_space<vmem>>) semaphore(%arg16 : memref<!tpu.dma_semaphore, #tpu.memory_space<semaphore_mem>>)
    %dma_wait3A_124 = arith.constant 160 : i32
    %dma_wait3A_125 = tpu.memref_slice %arg9[%dma_wait3A_124] : memref<512xi32, #tpu.memory_space<vmem>> -> memref<32xi32, #tpu.memory_space<vmem>>
    %dma_wait3A_126 = arith.constant 0 : i32
    %dma_wait3A_127 = arith.constant 0 : i32
    %dma_wait3A_128 = tpu.memref_slice %arg5[%dma_wait3A_126, %dma_wait3A_127] : memref<50001x768xf32, #tpu.memory_space<hbm>> -> memref<50001x768xf32, #tpu.memory_space<hbm>>
    tpu.wait_indirect_dma semaphore(%arg17 : memref<!tpu.dma_semaphore, #tpu.memory_space<semaphore_mem>>) src(%dma_wait3A_128 : memref<50001x768xf32, #tpu.memory_space<hbm>>) dst(%arg14 : memref<32x768xf32, #tpu.memory_space<vmem>>)
    %add3A_129 = arith.constant 160 : i32
    %add3A_130 = arith.addi %mul3A_2, %add3A_129 : i32
    "tpu.region"() ({
      %run_scoped3A = tpu.sem_alloc : memref<!tpu.dma_semaphore, #tpu.memory_space<semaphore_mem>>
      %dma_start3A_241 = arith.constant 0 : i32
      %dma_start3A_242 = tpu.memref_slice %arg7[%add3A_130, %dma_start3A_241] : memref<16384x768xf32, #tpu.memory_space<hbm>> -> memref<32x768xf32, #tpu.memory_space<hbm>>
      %dma_start3A_243 = arith.constant 0 : i32
      %dma_start3A_244 = tpu.memref_slice %arg7[%add3A_130, %dma_start3A_243] : memref<16384x768xf32, #tpu.memory_space<hbm>> -> memref<32x768xf32, #tpu.memory_space<hbm>>
      tpu.enqueue_dma source(%arg14 : memref<32x768xf32, #tpu.memory_space<vmem>>) target(%dma_start3A_244 : memref<32x768xf32, #tpu.memory_space<hbm>>) target_semaphore(%run_scoped3A : memref<!tpu.dma_semaphore, #tpu.memory_space<semaphore_mem>>)
      %dma_wait3A_245 = arith.constant 0 : i32
      %dma_wait3A_246 = tpu.memref_slice %arg7[%add3A_130, %dma_wait3A_245] : memref<16384x768xf32, #tpu.memory_space<hbm>> -> memref<32x768xf32, #tpu.memory_space<hbm>>
      %dma_wait3A_247 = arith.constant 0 : i32
      %dma_wait3A_248 = tpu.memref_slice %arg7[%add3A_130, %dma_wait3A_247] : memref<16384x768xf32, #tpu.memory_space<hbm>> -> memref<32x768xf32, #tpu.memory_space<hbm>>
      tpu.wait_dma2 semaphore(%run_scoped3A : memref<!tpu.dma_semaphore, #tpu.memory_space<semaphore_mem>>) src(%arg14 : memref<32x768xf32, #tpu.memory_space<vmem>>) dst(%dma_wait3A_248 : memref<32x768xf32, #tpu.memory_space<hbm>>)
      tpu.yield
    }) : () -> ()
    %dma_start3A_131 = arith.constant 256 : i32
    %dma_start3A_132 = tpu.memref_slice %arg9[%dma_start3A_131] : memref<512xi32, #tpu.memory_space<vmem>> -> memref<32xi32, #tpu.memory_space<vmem>>
    %dma_start3A_133 = arith.constant 0 : i32
    %dma_start3A_134 = arith.constant 0 : i32
    %dma_start3A_135 = tpu.memref_slice %arg5[%dma_start3A_133, %dma_start3A_134] : memref<50001x768xf32, #tpu.memory_space<hbm>> -> memref<50001x768xf32, #tpu.memory_space<hbm>>
    tpu.enqueue_indirect_dma source(%dma_start3A_135 : memref<50001x768xf32, #tpu.memory_space<hbm>>) target(%arg14 : memref<32x768xf32, #tpu.memory_space<vmem>>) offsets(%dma_start3A_132 : memref<32xi32, #tpu.memory_space<vmem>>) semaphore(%arg17 : memref<!tpu.dma_semaphore, #tpu.memory_space<semaphore_mem>>)
    %dma_wait3A_136 = arith.constant 192 : i32
    %dma_wait3A_137 = tpu.memref_slice %arg9[%dma_wait3A_136] : memref<512xi32, #tpu.memory_space<vmem>> -> memref<32xi32, #tpu.memory_space<vmem>>
    %dma_wait3A_138 = arith.constant 0 : i32
    %dma_wait3A_139 = arith.constant 0 : i32
    %dma_wait3A_140 = tpu.memref_slice %arg5[%dma_wait3A_138, %dma_wait3A_139] : memref<50001x768xf32, #tpu.memory_space<hbm>> -> memref<50001x768xf32, #tpu.memory_space<hbm>>
    tpu.wait_indirect_dma semaphore(%arg15 : memref<!tpu.dma_semaphore, #tpu.memory_space<semaphore_mem>>) src(%dma_wait3A_140 : memref<50001x768xf32, #tpu.memory_space<hbm>>) dst(%arg12 : memref<32x768xf32, #tpu.memory_space<vmem>>)
    %add3A_141 = arith.constant 192 : i32
    %add3A_142 = arith.addi %mul3A_2, %add3A_141 : i32
    "tpu.region"() ({
      %run_scoped3A = tpu.sem_alloc : memref<!tpu.dma_semaphore, #tpu.memory_space<semaphore_mem>>
      %dma_start3A_241 = arith.constant 0 : i32
      %dma_start3A_242 = tpu.memref_slice %arg7[%add3A_142, %dma_start3A_241] : memref<16384x768xf32, #tpu.memory_space<hbm>> -> memref<32x768xf32, #tpu.memory_space<hbm>>
      %dma_start3A_243 = arith.constant 0 : i32
      %dma_start3A_244 = tpu.memref_slice %arg7[%add3A_142, %dma_start3A_243] : memref<16384x768xf32, #tpu.memory_space<hbm>> -> memref<32x768xf32, #tpu.memory_space<hbm>>
      tpu.enqueue_dma source(%arg12 : memref<32x768xf32, #tpu.memory_space<vmem>>) target(%dma_start3A_244 : memref<32x768xf32, #tpu.memory_space<hbm>>) target_semaphore(%run_scoped3A : memref<!tpu.dma_semaphore, #tpu.memory_space<semaphore_mem>>)
      %dma_wait3A_245 = arith.constant 0 : i32
      %dma_wait3A_246 = tpu.memref_slice %arg7[%add3A_142, %dma_wait3A_245] : memref<16384x768xf32, #tpu.memory_space<hbm>> -> memref<32x768xf32, #tpu.memory_space<hbm>>
      %dma_wait3A_247 = arith.constant 0 : i32
      %dma_wait3A_248 = tpu.memref_slice %arg7[%add3A_142, %dma_wait3A_247] : memref<16384x768xf32, #tpu.memory_space<hbm>> -> memref<32x768xf32, #tpu.memory_space<hbm>>
      tpu.wait_dma2 semaphore(%run_scoped3A : memref<!tpu.dma_semaphore, #tpu.memory_space<semaphore_mem>>) src(%arg12 : memref<32x768xf32, #tpu.memory_space<vmem>>) dst(%dma_wait3A_248 : memref<32x768xf32, #tpu.memory_space<hbm>>)
      tpu.yield
    }) : () -> ()
    %dma_start3A_143 = arith.constant 288 : i32
    %dma_start3A_144 = tpu.memref_slice %arg9[%dma_start3A_143] : memref<512xi32, #tpu.memory_space<vmem>> -> memref<32xi32, #tpu.memory_space<vmem>>
    %dma_start3A_145 = arith.constant 0 : i32
    %dma_start3A_146 = arith.constant 0 : i32
    %dma_start3A_147 = tpu.memref_slice %arg5[%dma_start3A_145, %dma_start3A_146] : memref<50001x768xf32, #tpu.memory_space<hbm>> -> memref<50001x768xf32, #tpu.memory_space<hbm>>
    tpu.enqueue_indirect_dma source(%dma_start3A_147 : memref<50001x768xf32, #tpu.memory_space<hbm>>) target(%arg12 : memref<32x768xf32, #tpu.memory_space<vmem>>) offsets(%dma_start3A_144 : memref<32xi32, #tpu.memory_space<vmem>>) semaphore(%arg15 : memref<!tpu.dma_semaphore, #tpu.memory_space<semaphore_mem>>)
    %dma_wait3A_148 = arith.constant 224 : i32
    %dma_wait3A_149 = tpu.memref_slice %arg9[%dma_wait3A_148] : memref<512xi32, #tpu.memory_space<vmem>> -> memref<32xi32, #tpu.memory_space<vmem>>
    %dma_wait3A_150 = arith.constant 0 : i32
    %dma_wait3A_151 = arith.constant 0 : i32
    %dma_wait3A_152 = tpu.memref_slice %arg5[%dma_wait3A_150, %dma_wait3A_151] : memref<50001x768xf32, #tpu.memory_space<hbm>> -> memref<50001x768xf32, #tpu.memory_space<hbm>>
    tpu.wait_indirect_dma semaphore(%arg16 : memref<!tpu.dma_semaphore, #tpu.memory_space<semaphore_mem>>) src(%dma_wait3A_152 : memref<50001x768xf32, #tpu.memory_space<hbm>>) dst(%arg13 : memref<32x768xf32, #tpu.memory_space<vmem>>)
    %add3A_153 = arith.constant 224 : i32
    %add3A_154 = arith.addi %mul3A_2, %add3A_153 : i32
    "tpu.region"() ({
      %run_scoped3A = tpu.sem_alloc : memref<!tpu.dma_semaphore, #tpu.memory_space<semaphore_mem>>
      %dma_start3A_241 = arith.constant 0 : i32
      %dma_start3A_242 = tpu.memref_slice %arg7[%add3A_154, %dma_start3A_241] : memref<16384x768xf32, #tpu.memory_space<hbm>> -> memref<32x768xf32, #tpu.memory_space<hbm>>
      %dma_start3A_243 = arith.constant 0 : i32
      %dma_start3A_244 = tpu.memref_slice %arg7[%add3A_154, %dma_start3A_243] : memref<16384x768xf32, #tpu.memory_space<hbm>> -> memref<32x768xf32, #tpu.memory_space<hbm>>
      tpu.enqueue_dma source(%arg13 : memref<32x768xf32, #tpu.memory_space<vmem>>) target(%dma_start3A_244 : memref<32x768xf32, #tpu.memory_space<hbm>>) target_semaphore(%run_scoped3A : memref<!tpu.dma_semaphore, #tpu.memory_space<semaphore_mem>>)
      %dma_wait3A_245 = arith.constant 0 : i32
      %dma_wait3A_246 = tpu.memref_slice %arg7[%add3A_154, %dma_wait3A_245] : memref<16384x768xf32, #tpu.memory_space<hbm>> -> memref<32x768xf32, #tpu.memory_space<hbm>>
      %dma_wait3A_247 = arith.constant 0 : i32
      %dma_wait3A_248 = tpu.memref_slice %arg7[%add3A_154, %dma_wait3A_247] : memref<16384x768xf32, #tpu.memory_space<hbm>> -> memref<32x768xf32, #tpu.memory_space<hbm>>
      tpu.wait_dma2 semaphore(%run_scoped3A : memref<!tpu.dma_semaphore, #tpu.memory_space<semaphore_mem>>) src(%arg13 : memref<32x768xf32, #tpu.memory_space<vmem>>) dst(%dma_wait3A_248 : memref<32x768xf32, #tpu.memory_space<hbm>>)
      tpu.yield
    }) : () -> ()
    %dma_start3A_155 = arith.constant 320 : i32
    %dma_start3A_156 = tpu.memref_slice %arg9[%dma_start3A_155] : memref<512xi32, #tpu.memory_space<vmem>> -> memref<32xi32, #tpu.memory_space<vmem>>
    %dma_start3A_157 = arith.constant 0 : i32
    %dma_start3A_158 = arith.constant 0 : i32
    %dma_start3A_159 = tpu.memref_slice %arg5[%dma_start3A_157, %dma_start3A_158] : memref<50001x768xf32, #tpu.memory_space<hbm>> -> memref<50001x768xf32, #tpu.memory_space<hbm>>
    tpu.enqueue_indirect_dma source(%dma_start3A_159 : memref<50001x768xf32, #tpu.memory_space<hbm>>) target(%arg13 : memref<32x768xf32, #tpu.memory_space<vmem>>) offsets(%dma_start3A_156 : memref<32xi32, #tpu.memory_space<vmem>>) semaphore(%arg16 : memref<!tpu.dma_semaphore, #tpu.memory_space<semaphore_mem>>)
    %dma_wait3A_160 = arith.constant 256 : i32
    %dma_wait3A_161 = tpu.memref_slice %arg9[%dma_wait3A_160] : memref<512xi32, #tpu.memory_space<vmem>> -> memref<32xi32, #tpu.memory_space<vmem>>
    %dma_wait3A_162 = arith.constant 0 : i32
    %dma_wait3A_163 = arith.constant 0 : i32
    %dma_wait3A_164 = tpu.memref_slice %arg5[%dma_wait3A_162, %dma_wait3A_163] : memref<50001x768xf32, #tpu.memory_space<hbm>> -> memref<50001x768xf32, #tpu.memory_space<hbm>>
    tpu.wait_indirect_dma semaphore(%arg17 : memref<!tpu.dma_semaphore, #tpu.memory_space<semaphore_mem>>) src(%dma_wait3A_164 : memref<50001x768xf32, #tpu.memory_space<hbm>>) dst(%arg14 : memref<32x768xf32, #tpu.memory_space<vmem>>)
    %add3A_165 = arith.constant 256 : i32
    %add3A_166 = arith.addi %mul3A_2, %add3A_165 : i32
    "tpu.region"() ({
      %run_scoped3A = tpu.sem_alloc : memref<!tpu.dma_semaphore, #tpu.memory_space<semaphore_mem>>
      %dma_start3A_241 = arith.constant 0 : i32
      %dma_start3A_242 = tpu.memref_slice %arg7[%add3A_166, %dma_start3A_241] : memref<16384x768xf32, #tpu.memory_space<hbm>> -> memref<32x768xf32, #tpu.memory_space<hbm>>
      %dma_start3A_243 = arith.constant 0 : i32
      %dma_start3A_244 = tpu.memref_slice %arg7[%add3A_166, %dma_start3A_243] : memref<16384x768xf32, #tpu.memory_space<hbm>> -> memref<32x768xf32, #tpu.memory_space<hbm>>
      tpu.enqueue_dma source(%arg14 : memref<32x768xf32, #tpu.memory_space<vmem>>) target(%dma_start3A_244 : memref<32x768xf32, #tpu.memory_space<hbm>>) target_semaphore(%run_scoped3A : memref<!tpu.dma_semaphore, #tpu.memory_space<semaphore_mem>>)
      %dma_wait3A_245 = arith.constant 0 : i32
      %dma_wait3A_246 = tpu.memref_slice %arg7[%add3A_166, %dma_wait3A_245] : memref<16384x768xf32, #tpu.memory_space<hbm>> -> memref<32x768xf32, #tpu.memory_space<hbm>>
      %dma_wait3A_247 = arith.constant 0 : i32
      %dma_wait3A_248 = tpu.memref_slice %arg7[%add3A_166, %dma_wait3A_247] : memref<16384x768xf32, #tpu.memory_space<hbm>> -> memref<32x768xf32, #tpu.memory_space<hbm>>
      tpu.wait_dma2 semaphore(%run_scoped3A : memref<!tpu.dma_semaphore, #tpu.memory_space<semaphore_mem>>) src(%arg14 : memref<32x768xf32, #tpu.memory_space<vmem>>) dst(%dma_wait3A_248 : memref<32x768xf32, #tpu.memory_space<hbm>>)
      tpu.yield
    }) : () -> ()
    %dma_start3A_167 = arith.constant 352 : i32
    %dma_start3A_168 = tpu.memref_slice %arg9[%dma_start3A_167] : memref<512xi32, #tpu.memory_space<vmem>> -> memref<32xi32, #tpu.memory_space<vmem>>
    %dma_start3A_169 = arith.constant 0 : i32
    %dma_start3A_170 = arith.constant 0 : i32
    %dma_start3A_171 = tpu.memref_slice %arg5[%dma_start3A_169, %dma_start3A_170] : memref<50001x768xf32, #tpu.memory_space<hbm>> -> memref<50001x768xf32, #tpu.memory_space<hbm>>
    tpu.enqueue_indirect_dma source(%dma_start3A_171 : memref<50001x768xf32, #tpu.memory_space<hbm>>) target(%arg14 : memref<32x768xf32, #tpu.memory_space<vmem>>) offsets(%dma_start3A_168 : memref<32xi32, #tpu.memory_space<vmem>>) semaphore(%arg17 : memref<!tpu.dma_semaphore, #tpu.memory_space<semaphore_mem>>)
    %dma_wait3A_172 = arith.constant 288 : i32
    %dma_wait3A_173 = tpu.memref_slice %arg9[%dma_wait3A_172] : memref<512xi32, #tpu.memory_space<vmem>> -> memref<32xi32, #tpu.memory_space<vmem>>
    %dma_wait3A_174 = arith.constant 0 : i32
    %dma_wait3A_175 = arith.constant 0 : i32
    %dma_wait3A_176 = tpu.memref_slice %arg5[%dma_wait3A_174, %dma_wait3A_175] : memref<50001x768xf32, #tpu.memory_space<hbm>> -> memref<50001x768xf32, #tpu.memory_space<hbm>>
    tpu.wait_indirect_dma semaphore(%arg15 : memref<!tpu.dma_semaphore, #tpu.memory_space<semaphore_mem>>) src(%dma_wait3A_176 : memref<50001x768xf32, #tpu.memory_space<hbm>>) dst(%arg12 : memref<32x768xf32, #tpu.memory_space<vmem>>)
    %add3A_177 = arith.constant 288 : i32
    %add3A_178 = arith.addi %mul3A_2, %add3A_177 : i32
    "tpu.region"() ({
      %run_scoped3A = tpu.sem_alloc : memref<!tpu.dma_semaphore, #tpu.memory_space<semaphore_mem>>
      %dma_start3A_241 = arith.constant 0 : i32
      %dma_start3A_242 = tpu.memref_slice %arg7[%add3A_178, %dma_start3A_241] : memref<16384x768xf32, #tpu.memory_space<hbm>> -> memref<32x768xf32, #tpu.memory_space<hbm>>
      %dma_start3A_243 = arith.constant 0 : i32
      %dma_start3A_244 = tpu.memref_slice %arg7[%add3A_178, %dma_start3A_243] : memref<16384x768xf32, #tpu.memory_space<hbm>> -> memref<32x768xf32, #tpu.memory_space<hbm>>
      tpu.enqueue_dma source(%arg12 : memref<32x768xf32, #tpu.memory_space<vmem>>) target(%dma_start3A_244 : memref<32x768xf32, #tpu.memory_space<hbm>>) target_semaphore(%run_scoped3A : memref<!tpu.dma_semaphore, #tpu.memory_space<semaphore_mem>>)
      %dma_wait3A_245 = arith.constant 0 : i32
      %dma_wait3A_246 = tpu.memref_slice %arg7[%add3A_178, %dma_wait3A_245] : memref<16384x768xf32, #tpu.memory_space<hbm>> -> memref<32x768xf32, #tpu.memory_space<hbm>>
      %dma_wait3A_247 = arith.constant 0 : i32
      %dma_wait3A_248 = tpu.memref_slice %arg7[%add3A_178, %dma_wait3A_247] : memref<16384x768xf32, #tpu.memory_space<hbm>> -> memref<32x768xf32, #tpu.memory_space<hbm>>
      tpu.wait_dma2 semaphore(%run_scoped3A : memref<!tpu.dma_semaphore, #tpu.memory_space<semaphore_mem>>) src(%arg12 : memref<32x768xf32, #tpu.memory_space<vmem>>) dst(%dma_wait3A_248 : memref<32x768xf32, #tpu.memory_space<hbm>>)
      tpu.yield
    }) : () -> ()
    %dma_start3A_179 = arith.constant 384 : i32
    %dma_start3A_180 = tpu.memref_slice %arg9[%dma_start3A_179] : memref<512xi32, #tpu.memory_space<vmem>> -> memref<32xi32, #tpu.memory_space<vmem>>
    %dma_start3A_181 = arith.constant 0 : i32
    %dma_start3A_182 = arith.constant 0 : i32
    %dma_start3A_183 = tpu.memref_slice %arg5[%dma_start3A_181, %dma_start3A_182] : memref<50001x768xf32, #tpu.memory_space<hbm>> -> memref<50001x768xf32, #tpu.memory_space<hbm>>
    tpu.enqueue_indirect_dma source(%dma_start3A_183 : memref<50001x768xf32, #tpu.memory_space<hbm>>) target(%arg12 : memref<32x768xf32, #tpu.memory_space<vmem>>) offsets(%dma_start3A_180 : memref<32xi32, #tpu.memory_space<vmem>>) semaphore(%arg15 : memref<!tpu.dma_semaphore, #tpu.memory_space<semaphore_mem>>)
    %dma_wait3A_184 = arith.constant 320 : i32
    %dma_wait3A_185 = tpu.memref_slice %arg9[%dma_wait3A_184] : memref<512xi32, #tpu.memory_space<vmem>> -> memref<32xi32, #tpu.memory_space<vmem>>
    %dma_wait3A_186 = arith.constant 0 : i32
    %dma_wait3A_187 = arith.constant 0 : i32
    %dma_wait3A_188 = tpu.memref_slice %arg5[%dma_wait3A_186, %dma_wait3A_187] : memref<50001x768xf32, #tpu.memory_space<hbm>> -> memref<50001x768xf32, #tpu.memory_space<hbm>>
    tpu.wait_indirect_dma semaphore(%arg16 : memref<!tpu.dma_semaphore, #tpu.memory_space<semaphore_mem>>) src(%dma_wait3A_188 : memref<50001x768xf32, #tpu.memory_space<hbm>>) dst(%arg13 : memref<32x768xf32, #tpu.memory_space<vmem>>)
    %add3A_189 = arith.constant 320 : i32
    %add3A_190 = arith.addi %mul3A_2, %add3A_189 : i32
    "tpu.region"() ({
      %run_scoped3A = tpu.sem_alloc : memref<!tpu.dma_semaphore, #tpu.memory_space<semaphore_mem>>
      %dma_start3A_241 = arith.constant 0 : i32
      %dma_start3A_242 = tpu.memref_slice %arg7[%add3A_190, %dma_start3A_241] : memref<16384x768xf32, #tpu.memory_space<hbm>> -> memref<32x768xf32, #tpu.memory_space<hbm>>
      %dma_start3A_243 = arith.constant 0 : i32
      %dma_start3A_244 = tpu.memref_slice %arg7[%add3A_190, %dma_start3A_243] : memref<16384x768xf32, #tpu.memory_space<hbm>> -> memref<32x768xf32, #tpu.memory_space<hbm>>
      tpu.enqueue_dma source(%arg13 : memref<32x768xf32, #tpu.memory_space<vmem>>) target(%dma_start3A_244 : memref<32x768xf32, #tpu.memory_space<hbm>>) target_semaphore(%run_scoped3A : memref<!tpu.dma_semaphore, #tpu.memory_space<semaphore_mem>>)
      %dma_wait3A_245 = arith.constant 0 : i32
      %dma_wait3A_246 = tpu.memref_slice %arg7[%add3A_190, %dma_wait3A_245] : memref<16384x768xf32, #tpu.memory_space<hbm>> -> memref<32x768xf32, #tpu.memory_space<hbm>>
      %dma_wait3A_247 = arith.constant 0 : i32
      %dma_wait3A_248 = tpu.memref_slice %arg7[%add3A_190, %dma_wait3A_247] : memref<16384x768xf32, #tpu.memory_space<hbm>> -> memref<32x768xf32, #tpu.memory_space<hbm>>
      tpu.wait_dma2 semaphore(%run_scoped3A : memref<!tpu.dma_semaphore, #tpu.memory_space<semaphore_mem>>) src(%arg13 : memref<32x768xf32, #tpu.memory_space<vmem>>) dst(%dma_wait3A_248 : memref<32x768xf32, #tpu.memory_space<hbm>>)
      tpu.yield
    }) : () -> ()
    %dma_start3A_191 = arith.constant 416 : i32
    %dma_start3A_192 = tpu.memref_slice %arg9[%dma_start3A_191] : memref<512xi32, #tpu.memory_space<vmem>> -> memref<32xi32, #tpu.memory_space<vmem>>
    %dma_start3A_193 = arith.constant 0 : i32
    %dma_start3A_194 = arith.constant 0 : i32
    %dma_start3A_195 = tpu.memref_slice %arg5[%dma_start3A_193, %dma_start3A_194] : memref<50001x768xf32, #tpu.memory_space<hbm>> -> memref<50001x768xf32, #tpu.memory_space<hbm>>
    tpu.enqueue_indirect_dma source(%dma_start3A_195 : memref<50001x768xf32, #tpu.memory_space<hbm>>) target(%arg13 : memref<32x768xf32, #tpu.memory_space<vmem>>) offsets(%dma_start3A_192 : memref<32xi32, #tpu.memory_space<vmem>>) semaphore(%arg16 : memref<!tpu.dma_semaphore, #tpu.memory_space<semaphore_mem>>)
    %dma_wait3A_196 = arith.constant 352 : i32
    %dma_wait3A_197 = tpu.memref_slice %arg9[%dma_wait3A_196] : memref<512xi32, #tpu.memory_space<vmem>> -> memref<32xi32, #tpu.memory_space<vmem>>
    %dma_wait3A_198 = arith.constant 0 : i32
    %dma_wait3A_199 = arith.constant 0 : i32
    %dma_wait3A_200 = tpu.memref_slice %arg5[%dma_wait3A_198, %dma_wait3A_199] : memref<50001x768xf32, #tpu.memory_space<hbm>> -> memref<50001x768xf32, #tpu.memory_space<hbm>>
    tpu.wait_indirect_dma semaphore(%arg17 : memref<!tpu.dma_semaphore, #tpu.memory_space<semaphore_mem>>) src(%dma_wait3A_200 : memref<50001x768xf32, #tpu.memory_space<hbm>>) dst(%arg14 : memref<32x768xf32, #tpu.memory_space<vmem>>)
    %add3A_201 = arith.constant 352 : i32
    %add3A_202 = arith.addi %mul3A_2, %add3A_201 : i32
    "tpu.region"() ({
      %run_scoped3A = tpu.sem_alloc : memref<!tpu.dma_semaphore, #tpu.memory_space<semaphore_mem>>
      %dma_start3A_241 = arith.constant 0 : i32
      %dma_start3A_242 = tpu.memref_slice %arg7[%add3A_202, %dma_start3A_241] : memref<16384x768xf32, #tpu.memory_space<hbm>> -> memref<32x768xf32, #tpu.memory_space<hbm>>
      %dma_start3A_243 = arith.constant 0 : i32
      %dma_start3A_244 = tpu.memref_slice %arg7[%add3A_202, %dma_start3A_243] : memref<16384x768xf32, #tpu.memory_space<hbm>> -> memref<32x768xf32, #tpu.memory_space<hbm>>
      tpu.enqueue_dma source(%arg14 : memref<32x768xf32, #tpu.memory_space<vmem>>) target(%dma_start3A_244 : memref<32x768xf32, #tpu.memory_space<hbm>>) target_semaphore(%run_scoped3A : memref<!tpu.dma_semaphore, #tpu.memory_space<semaphore_mem>>)
      %dma_wait3A_245 = arith.constant 0 : i32
      %dma_wait3A_246 = tpu.memref_slice %arg7[%add3A_202, %dma_wait3A_245] : memref<16384x768xf32, #tpu.memory_space<hbm>> -> memref<32x768xf32, #tpu.memory_space<hbm>>
      %dma_wait3A_247 = arith.constant 0 : i32
      %dma_wait3A_248 = tpu.memref_slice %arg7[%add3A_202, %dma_wait3A_247] : memref<16384x768xf32, #tpu.memory_space<hbm>> -> memref<32x768xf32, #tpu.memory_space<hbm>>
      tpu.wait_dma2 semaphore(%run_scoped3A : memref<!tpu.dma_semaphore, #tpu.memory_space<semaphore_mem>>) src(%arg14 : memref<32x768xf32, #tpu.memory_space<vmem>>) dst(%dma_wait3A_248 : memref<32x768xf32, #tpu.memory_space<hbm>>)
      tpu.yield
    }) : () -> ()
    %dma_start3A_203 = arith.constant 448 : i32
    %dma_start3A_204 = tpu.memref_slice %arg9[%dma_start3A_203] : memref<512xi32, #tpu.memory_space<vmem>> -> memref<32xi32, #tpu.memory_space<vmem>>
    %dma_start3A_205 = arith.constant 0 : i32
    %dma_start3A_206 = arith.constant 0 : i32
    %dma_start3A_207 = tpu.memref_slice %arg5[%dma_start3A_205, %dma_start3A_206] : memref<50001x768xf32, #tpu.memory_space<hbm>> -> memref<50001x768xf32, #tpu.memory_space<hbm>>
    tpu.enqueue_indirect_dma source(%dma_start3A_207 : memref<50001x768xf32, #tpu.memory_space<hbm>>) target(%arg14 : memref<32x768xf32, #tpu.memory_space<vmem>>) offsets(%dma_start3A_204 : memref<32xi32, #tpu.memory_space<vmem>>) semaphore(%arg17 : memref<!tpu.dma_semaphore, #tpu.memory_space<semaphore_mem>>)
    %dma_wait3A_208 = arith.constant 384 : i32
    %dma_wait3A_209 = tpu.memref_slice %arg9[%dma_wait3A_208] : memref<512xi32, #tpu.memory_space<vmem>> -> memref<32xi32, #tpu.memory_space<vmem>>
    %dma_wait3A_210 = arith.constant 0 : i32
    %dma_wait3A_211 = arith.constant 0 : i32
    %dma_wait3A_212 = tpu.memref_slice %arg5[%dma_wait3A_210, %dma_wait3A_211] : memref<50001x768xf32, #tpu.memory_space<hbm>> -> memref<50001x768xf32, #tpu.memory_space<hbm>>
    tpu.wait_indirect_dma semaphore(%arg15 : memref<!tpu.dma_semaphore, #tpu.memory_space<semaphore_mem>>) src(%dma_wait3A_212 : memref<50001x768xf32, #tpu.memory_space<hbm>>) dst(%arg12 : memref<32x768xf32, #tpu.memory_space<vmem>>)
    %add3A_213 = arith.constant 384 : i32
    %add3A_214 = arith.addi %mul3A_2, %add3A_213 : i32
    "tpu.region"() ({
      %run_scoped3A = tpu.sem_alloc : memref<!tpu.dma_semaphore, #tpu.memory_space<semaphore_mem>>
      %dma_start3A_241 = arith.constant 0 : i32
      %dma_start3A_242 = tpu.memref_slice %arg7[%add3A_214, %dma_start3A_241] : memref<16384x768xf32, #tpu.memory_space<hbm>> -> memref<32x768xf32, #tpu.memory_space<hbm>>
      %dma_start3A_243 = arith.constant 0 : i32
      %dma_start3A_244 = tpu.memref_slice %arg7[%add3A_214, %dma_start3A_243] : memref<16384x768xf32, #tpu.memory_space<hbm>> -> memref<32x768xf32, #tpu.memory_space<hbm>>
      tpu.enqueue_dma source(%arg12 : memref<32x768xf32, #tpu.memory_space<vmem>>) target(%dma_start3A_244 : memref<32x768xf32, #tpu.memory_space<hbm>>) target_semaphore(%run_scoped3A : memref<!tpu.dma_semaphore, #tpu.memory_space<semaphore_mem>>)
      %dma_wait3A_245 = arith.constant 0 : i32
      %dma_wait3A_246 = tpu.memref_slice %arg7[%add3A_214, %dma_wait3A_245] : memref<16384x768xf32, #tpu.memory_space<hbm>> -> memref<32x768xf32, #tpu.memory_space<hbm>>
      %dma_wait3A_247 = arith.constant 0 : i32
      %dma_wait3A_248 = tpu.memref_slice %arg7[%add3A_214, %dma_wait3A_247] : memref<16384x768xf32, #tpu.memory_space<hbm>> -> memref<32x768xf32, #tpu.memory_space<hbm>>
      tpu.wait_dma2 semaphore(%run_scoped3A : memref<!tpu.dma_semaphore, #tpu.memory_space<semaphore_mem>>) src(%arg12 : memref<32x768xf32, #tpu.memory_space<vmem>>) dst(%dma_wait3A_248 : memref<32x768xf32, #tpu.memory_space<hbm>>)
      tpu.yield
    }) : () -> ()
    %dma_start3A_215 = arith.constant 480 : i32
    %dma_start3A_216 = tpu.memref_slice %arg9[%dma_start3A_215] : memref<512xi32, #tpu.memory_space<vmem>> -> memref<32xi32, #tpu.memory_space<vmem>>
    %dma_start3A_217 = arith.constant 0 : i32
    %dma_start3A_218 = arith.constant 0 : i32
    %dma_start3A_219 = tpu.memref_slice %arg5[%dma_start3A_217, %dma_start3A_218] : memref<50001x768xf32, #tpu.memory_space<hbm>> -> memref<50001x768xf32, #tpu.memory_space<hbm>>
    tpu.enqueue_indirect_dma source(%dma_start3A_219 : memref<50001x768xf32, #tpu.memory_space<hbm>>) target(%arg12 : memref<32x768xf32, #tpu.memory_space<vmem>>) offsets(%dma_start3A_216 : memref<32xi32, #tpu.memory_space<vmem>>) semaphore(%arg15 : memref<!tpu.dma_semaphore, #tpu.memory_space<semaphore_mem>>)
    %dma_wait3A_220 = arith.constant 416 : i32
    %dma_wait3A_221 = tpu.memref_slice %arg9[%dma_wait3A_220] : memref<512xi32, #tpu.memory_space<vmem>> -> memref<32xi32, #tpu.memory_space<vmem>>
    %dma_wait3A_222 = arith.constant 0 : i32
    %dma_wait3A_223 = arith.constant 0 : i32
    %dma_wait3A_224 = tpu.memref_slice %arg5[%dma_wait3A_222, %dma_wait3A_223] : memref<50001x768xf32, #tpu.memory_space<hbm>> -> memref<50001x768xf32, #tpu.memory_space<hbm>>
    tpu.wait_indirect_dma semaphore(%arg16 : memref<!tpu.dma_semaphore, #tpu.memory_space<semaphore_mem>>) src(%dma_wait3A_224 : memref<50001x768xf32, #tpu.memory_space<hbm>>) dst(%arg13 : memref<32x768xf32, #tpu.memory_space<vmem>>)
    %add3A_225 = arith.constant 416 : i32
    %add3A_226 = arith.addi %mul3A_2, %add3A_225 : i32
    "tpu.region"() ({
      %run_scoped3A = tpu.sem_alloc : memref<!tpu.dma_semaphore, #tpu.memory_space<semaphore_mem>>
      %dma_start3A_241 = arith.constant 0 : i32
      %dma_start3A_242 = tpu.memref_slice %arg7[%add3A_226, %dma_start3A_241] : memref<16384x768xf32, #tpu.memory_space<hbm>> -> memref<32x768xf32, #tpu.memory_space<hbm>>
      %dma_start3A_243 = arith.constant 0 : i32
      %dma_start3A_244 = tpu.memref_slice %arg7[%add3A_226, %dma_start3A_243] : memref<16384x768xf32, #tpu.memory_space<hbm>> -> memref<32x768xf32, #tpu.memory_space<hbm>>
      tpu.enqueue_dma source(%arg13 : memref<32x768xf32, #tpu.memory_space<vmem>>) target(%dma_start3A_244 : memref<32x768xf32, #tpu.memory_space<hbm>>) target_semaphore(%run_scoped3A : memref<!tpu.dma_semaphore, #tpu.memory_space<semaphore_mem>>)
      %dma_wait3A_245 = arith.constant 0 : i32
      %dma_wait3A_246 = tpu.memref_slice %arg7[%add3A_226, %dma_wait3A_245] : memref<16384x768xf32, #tpu.memory_space<hbm>> -> memref<32x768xf32, #tpu.memory_space<hbm>>
      %dma_wait3A_247 = arith.constant 0 : i32
      %dma_wait3A_248 = tpu.memref_slice %arg7[%add3A_226, %dma_wait3A_247] : memref<16384x768xf32, #tpu.memory_space<hbm>> -> memref<32x768xf32, #tpu.memory_space<hbm>>
      tpu.wait_dma2 semaphore(%run_scoped3A : memref<!tpu.dma_semaphore, #tpu.memory_space<semaphore_mem>>) src(%arg13 : memref<32x768xf32, #tpu.memory_space<vmem>>) dst(%dma_wait3A_248 : memref<32x768xf32, #tpu.memory_space<hbm>>)
      tpu.yield
    }) : () -> ()
    %dma_wait3A_227 = arith.constant 448 : i32
    %dma_wait3A_228 = tpu.memref_slice %arg9[%dma_wait3A_227] : memref<512xi32, #tpu.memory_space<vmem>> -> memref<32xi32, #tpu.memory_space<vmem>>
    %dma_wait3A_229 = arith.constant 0 : i32
    %dma_wait3A_230 = arith.constant 0 : i32
    %dma_wait3A_231 = tpu.memref_slice %arg5[%dma_wait3A_229, %dma_wait3A_230] : memref<50001x768xf32, #tpu.memory_space<hbm>> -> memref<50001x768xf32, #tpu.memory_space<hbm>>
    tpu.wait_indirect_dma semaphore(%arg17 : memref<!tpu.dma_semaphore, #tpu.memory_space<semaphore_mem>>) src(%dma_wait3A_231 : memref<50001x768xf32, #tpu.memory_space<hbm>>) dst(%arg14 : memref<32x768xf32, #tpu.memory_space<vmem>>)
    %add3A_232 = arith.constant 448 : i32
    %add3A_233 = arith.addi %mul3A_2, %add3A_232 : i32
    "tpu.region"() ({
      %run_scoped3A = tpu.sem_alloc : memref<!tpu.dma_semaphore, #tpu.memory_space<semaphore_mem>>
      %dma_start3A_241 = arith.constant 0 : i32
      %dma_start3A_242 = tpu.memref_slice %arg7[%add3A_233, %dma_start3A_241] : memref<16384x768xf32, #tpu.memory_space<hbm>> -> memref<32x768xf32, #tpu.memory_space<hbm>>
      %dma_start3A_243 = arith.constant 0 : i32
      %dma_start3A_244 = tpu.memref_slice %arg7[%add3A_233, %dma_start3A_243] : memref<16384x768xf32, #tpu.memory_space<hbm>> -> memref<32x768xf32, #tpu.memory_space<hbm>>
      tpu.enqueue_dma source(%arg14 : memref<32x768xf32, #tpu.memory_space<vmem>>) target(%dma_start3A_244 : memref<32x768xf32, #tpu.memory_space<hbm>>) target_semaphore(%run_scoped3A : memref<!tpu.dma_semaphore, #tpu.memory_space<semaphore_mem>>)
      %dma_wait3A_245 = arith.constant 0 : i32
      %dma_wait3A_246 = tpu.memref_slice %arg7[%add3A_233, %dma_wait3A_245] : memref<16384x768xf32, #tpu.memory_space<hbm>> -> memref<32x768xf32, #tpu.memory_space<hbm>>
      %dma_wait3A_247 = arith.constant 0 : i32
      %dma_wait3A_248 = tpu.memref_slice %arg7[%add3A_233, %dma_wait3A_247] : memref<16384x768xf32, #tpu.memory_space<hbm>> -> memref<32x768xf32, #tpu.memory_space<hbm>>
      tpu.wait_dma2 semaphore(%run_scoped3A : memref<!tpu.dma_semaphore, #tpu.memory_space<semaphore_mem>>) src(%arg14 : memref<32x768xf32, #tpu.memory_space<vmem>>) dst(%dma_wait3A_248 : memref<32x768xf32, #tpu.memory_space<hbm>>)
      tpu.yield
    }) : () -> ()
    %dma_wait3A_234 = arith.constant 480 : i32
    %dma_wait3A_235 = tpu.memref_slice %arg9[%dma_wait3A_234] : memref<512xi32, #tpu.memory_space<vmem>> -> memref<32xi32, #tpu.memory_space<vmem>>
    %dma_wait3A_236 = arith.constant 0 : i32
    %dma_wait3A_237 = arith.constant 0 : i32
    %dma_wait3A_238 = tpu.memref_slice %arg5[%dma_wait3A_236, %dma_wait3A_237] : memref<50001x768xf32, #tpu.memory_space<hbm>> -> memref<50001x768xf32, #tpu.memory_space<hbm>>
    tpu.wait_indirect_dma semaphore(%arg15 : memref<!tpu.dma_semaphore, #tpu.memory_space<semaphore_mem>>) src(%dma_wait3A_238 : memref<50001x768xf32, #tpu.memory_space<hbm>>) dst(%arg12 : memref<32x768xf32, #tpu.memory_space<vmem>>)
    %add3A_239 = arith.constant 480 : i32
    %add3A_240 = arith.addi %mul3A_2, %add3A_239 : i32
    "tpu.region"() ({
      %run_scoped3A = tpu.sem_alloc : memref<!tpu.dma_semaphore, #tpu.memory_space<semaphore_mem>>
      %dma_start3A_241 = arith.constant 0 : i32
      %dma_start3A_242 = tpu.memref_slice %arg7[%add3A_240, %dma_start3A_241] : memref<16384x768xf32, #tpu.memory_space<hbm>> -> memref<32x768xf32, #tpu.memory_space<hbm>>
      %dma_start3A_243 = arith.constant 0 : i32
      %dma_start3A_244 = tpu.memref_slice %arg7[%add3A_240, %dma_start3A_243] : memref<16384x768xf32, #tpu.memory_space<hbm>> -> memref<32x768xf32, #tpu.memory_space<hbm>>
      tpu.enqueue_dma source(%arg12 : memref<32x768xf32, #tpu.memory_space<vmem>>) target(%dma_start3A_244 : memref<32x768xf32, #tpu.memory_space<hbm>>) target_semaphore(%run_scoped3A : memref<!tpu.dma_semaphore, #tpu.memory_space<semaphore_mem>>)
      %dma_wait3A_245 = arith.constant 0 : i32
      %dma_wait3A_246 = tpu.memref_slice %arg7[%add3A_240, %dma_wait3A_245] : memref<16384x768xf32, #tpu.memory_space<hbm>> -> memref<32x768xf32, #tpu.memory_space<hbm>>
      %dma_wait3A_247 = arith.constant 0 : i32
      %dma_wait3A_248 = tpu.memref_slice %arg7[%add3A_240, %dma_wait3A_247] : memref<16384x768xf32, #tpu.memory_space<hbm>> -> memref<32x768xf32, #tpu.memory_space<hbm>>
      tpu.wait_dma2 semaphore(%run_scoped3A : memref<!tpu.dma_semaphore, #tpu.memory_space<semaphore_mem>>) src(%arg12 : memref<32x768xf32, #tpu.memory_space<vmem>>) dst(%dma_wait3A_248 : memref<32x768xf32, #tpu.memory_space<hbm>>)
      tpu.yield
    }) : () -> ()
    return
  }
}

#map = affine_map<(d0, d1) -> (0)>
#map1 = affine_map<(d0, d1) -> (0, 0)>
module attributes {stable_mosaic.version = 14 : i64} {
  func.func @_narrow_body(%arg0: i32, %arg1: i32, %arg2: memref<16384xi32, #tpu.memory_space<hbm>>, %arg3: memref<16384xi32, #tpu.memory_space<hbm>>, %arg4: memref<50001x128xf32, #tpu.memory_space<hbm>>, %arg5: memref<16384x128xf32, #tpu.memory_space<hbm>>, %arg6: memref<16384x128xf32, #tpu.memory_space<hbm>>, %arg7: memref<512xi32, #tpu.memory_space<vmem>>, %arg8: memref<512xi32, #tpu.memory_space<vmem>>, %arg9: memref<128x128xf32, #tpu.memory_space<vmem>>, %arg10: memref<128x128xf32, #tpu.memory_space<vmem>>, %arg11: memref<128x128xf32, #tpu.memory_space<vmem>>, %arg12: memref<128x128xf32, #tpu.memory_space<vmem>>, %arg13: memref<!tpu.dma_semaphore, #tpu.memory_space<semaphore_mem>>, %arg14: memref<!tpu.dma_semaphore, #tpu.memory_space<semaphore_mem>>) attributes {dimension_semantics = [#tpu.dimension_semantics<core_parallel>, #tpu.dimension_semantics<subcore_parallel>], iteration_bounds = array<i64: 2, 16>, scalar_prefetch = 0 : i64, scratch_operands = 8 : i64, tpu.core_type = #tpu.core_type<sc_vector_subcore>, window_params = [{transform_indices = #map}, {transform_indices = #map}, {transform_indices = #map1}, {transform_indices = #map1}, {transform_indices = #map1}]} {
    %mul3A = arith.constant 2 : i32
    %mul3A_0 = arith.muli %arg1, %mul3A : i32
    %add3A = arith.addi %mul3A_0, %arg0 : i32
    %mul3A_1 = arith.constant 512 : i32
    %mul3A_2 = arith.muli %add3A, %mul3A_1 : i32
    "tpu.region"() ({
      %run_scoped3A = tpu.sem_alloc : memref<!tpu.dma_semaphore, #tpu.memory_space<semaphore_mem>>
      %dma_start3A_97 = tpu.memref_slice %arg2[%mul3A_2] : memref<16384xi32, #tpu.memory_space<hbm>> -> memref<512xi32, #tpu.memory_space<hbm>>
      %dma_start3A_98 = tpu.memref_slice %arg2[%mul3A_2] : memref<16384xi32, #tpu.memory_space<hbm>> -> memref<512xi32, #tpu.memory_space<hbm>>
      tpu.enqueue_dma source(%dma_start3A_98 : memref<512xi32, #tpu.memory_space<hbm>>) target(%arg7 : memref<512xi32, #tpu.memory_space<vmem>>) target_semaphore(%run_scoped3A : memref<!tpu.dma_semaphore, #tpu.memory_space<semaphore_mem>>)
      %dma_wait3A_99 = tpu.memref_slice %arg2[%mul3A_2] : memref<16384xi32, #tpu.memory_space<hbm>> -> memref<512xi32, #tpu.memory_space<hbm>>
      %dma_wait3A_100 = tpu.memref_slice %arg2[%mul3A_2] : memref<16384xi32, #tpu.memory_space<hbm>> -> memref<512xi32, #tpu.memory_space<hbm>>
      tpu.wait_dma2 semaphore(%run_scoped3A : memref<!tpu.dma_semaphore, #tpu.memory_space<semaphore_mem>>) src(%dma_wait3A_100 : memref<512xi32, #tpu.memory_space<hbm>>) dst(%arg7 : memref<512xi32, #tpu.memory_space<vmem>>)
      tpu.yield
    }) : () -> ()
    "tpu.region"() ({
      %run_scoped3A = tpu.sem_alloc : memref<!tpu.dma_semaphore, #tpu.memory_space<semaphore_mem>>
      %dma_start3A_97 = tpu.memref_slice %arg3[%mul3A_2] : memref<16384xi32, #tpu.memory_space<hbm>> -> memref<512xi32, #tpu.memory_space<hbm>>
      %dma_start3A_98 = tpu.memref_slice %arg3[%mul3A_2] : memref<16384xi32, #tpu.memory_space<hbm>> -> memref<512xi32, #tpu.memory_space<hbm>>
      tpu.enqueue_dma source(%dma_start3A_98 : memref<512xi32, #tpu.memory_space<hbm>>) target(%arg8 : memref<512xi32, #tpu.memory_space<vmem>>) target_semaphore(%run_scoped3A : memref<!tpu.dma_semaphore, #tpu.memory_space<semaphore_mem>>)
      %dma_wait3A_99 = tpu.memref_slice %arg3[%mul3A_2] : memref<16384xi32, #tpu.memory_space<hbm>> -> memref<512xi32, #tpu.memory_space<hbm>>
      %dma_wait3A_100 = tpu.memref_slice %arg3[%mul3A_2] : memref<16384xi32, #tpu.memory_space<hbm>> -> memref<512xi32, #tpu.memory_space<hbm>>
      tpu.wait_dma2 semaphore(%run_scoped3A : memref<!tpu.dma_semaphore, #tpu.memory_space<semaphore_mem>>) src(%dma_wait3A_100 : memref<512xi32, #tpu.memory_space<hbm>>) dst(%arg8 : memref<512xi32, #tpu.memory_space<vmem>>)
      tpu.yield
    }) : () -> ()
    %dma_start3A = arith.constant 0 : i32
    %dma_start3A_3 = tpu.memref_slice %arg7[%dma_start3A] : memref<512xi32, #tpu.memory_space<vmem>> -> memref<128xi32, #tpu.memory_space<vmem>>
    %dma_start3A_4 = arith.constant 0 : i32
    %dma_start3A_5 = arith.constant 0 : i32
    %dma_start3A_6 = tpu.memref_slice %arg4[%dma_start3A_4, %dma_start3A_5] : memref<50001x128xf32, #tpu.memory_space<hbm>> -> memref<50001x128xf32, #tpu.memory_space<hbm>>
    tpu.enqueue_indirect_dma source(%dma_start3A_6 : memref<50001x128xf32, #tpu.memory_space<hbm>>) target(%arg9 : memref<128x128xf32, #tpu.memory_space<vmem>>) offsets(%dma_start3A_3 : memref<128xi32, #tpu.memory_space<vmem>>) semaphore(%arg13 : memref<!tpu.dma_semaphore, #tpu.memory_space<semaphore_mem>>)
    %dma_start3A_7 = arith.constant 128 : i32
    %dma_start3A_8 = tpu.memref_slice %arg7[%dma_start3A_7] : memref<512xi32, #tpu.memory_space<vmem>> -> memref<128xi32, #tpu.memory_space<vmem>>
    %dma_start3A_9 = arith.constant 0 : i32
    %dma_start3A_10 = arith.constant 0 : i32
    %dma_start3A_11 = tpu.memref_slice %arg4[%dma_start3A_9, %dma_start3A_10] : memref<50001x128xf32, #tpu.memory_space<hbm>> -> memref<50001x128xf32, #tpu.memory_space<hbm>>
    tpu.enqueue_indirect_dma source(%dma_start3A_11 : memref<50001x128xf32, #tpu.memory_space<hbm>>) target(%arg10 : memref<128x128xf32, #tpu.memory_space<vmem>>) offsets(%dma_start3A_8 : memref<128xi32, #tpu.memory_space<vmem>>) semaphore(%arg14 : memref<!tpu.dma_semaphore, #tpu.memory_space<semaphore_mem>>)
    %dma_wait3A = arith.constant 0 : i32
    %dma_wait3A_12 = tpu.memref_slice %arg7[%dma_wait3A] : memref<512xi32, #tpu.memory_space<vmem>> -> memref<128xi32, #tpu.memory_space<vmem>>
    %dma_wait3A_13 = arith.constant 0 : i32
    %dma_wait3A_14 = arith.constant 0 : i32
    %dma_wait3A_15 = tpu.memref_slice %arg4[%dma_wait3A_13, %dma_wait3A_14] : memref<50001x128xf32, #tpu.memory_space<hbm>> -> memref<50001x128xf32, #tpu.memory_space<hbm>>
    tpu.wait_indirect_dma semaphore(%arg13 : memref<!tpu.dma_semaphore, #tpu.memory_space<semaphore_mem>>) src(%dma_wait3A_15 : memref<50001x128xf32, #tpu.memory_space<hbm>>) dst(%arg9 : memref<128x128xf32, #tpu.memory_space<vmem>>)
    %add3A_16 = arith.constant 0 : i32
    %add3A_17 = arith.addi %mul3A_2, %add3A_16 : i32
    "tpu.region"() ({
      %run_scoped3A = tpu.sem_alloc : memref<!tpu.dma_semaphore, #tpu.memory_space<semaphore_mem>>
      %dma_start3A_97 = arith.constant 0 : i32
      %dma_start3A_98 = tpu.memref_slice %arg5[%add3A_17, %dma_start3A_97] : memref<16384x128xf32, #tpu.memory_space<hbm>> -> memref<128x128xf32, #tpu.memory_space<hbm>>
      %dma_start3A_99 = arith.constant 0 : i32
      %dma_start3A_100 = tpu.memref_slice %arg5[%add3A_17, %dma_start3A_99] : memref<16384x128xf32, #tpu.memory_space<hbm>> -> memref<128x128xf32, #tpu.memory_space<hbm>>
      tpu.enqueue_dma source(%arg9 : memref<128x128xf32, #tpu.memory_space<vmem>>) target(%dma_start3A_100 : memref<128x128xf32, #tpu.memory_space<hbm>>) target_semaphore(%run_scoped3A : memref<!tpu.dma_semaphore, #tpu.memory_space<semaphore_mem>>)
      %dma_wait3A_101 = arith.constant 0 : i32
      %dma_wait3A_102 = tpu.memref_slice %arg5[%add3A_17, %dma_wait3A_101] : memref<16384x128xf32, #tpu.memory_space<hbm>> -> memref<128x128xf32, #tpu.memory_space<hbm>>
      %dma_wait3A_103 = arith.constant 0 : i32
      %dma_wait3A_104 = tpu.memref_slice %arg5[%add3A_17, %dma_wait3A_103] : memref<16384x128xf32, #tpu.memory_space<hbm>> -> memref<128x128xf32, #tpu.memory_space<hbm>>
      tpu.wait_dma2 semaphore(%run_scoped3A : memref<!tpu.dma_semaphore, #tpu.memory_space<semaphore_mem>>) src(%arg9 : memref<128x128xf32, #tpu.memory_space<vmem>>) dst(%dma_wait3A_104 : memref<128x128xf32, #tpu.memory_space<hbm>>)
      tpu.yield
    }) : () -> ()
    %dma_start3A_18 = arith.constant 256 : i32
    %dma_start3A_19 = tpu.memref_slice %arg7[%dma_start3A_18] : memref<512xi32, #tpu.memory_space<vmem>> -> memref<128xi32, #tpu.memory_space<vmem>>
    %dma_start3A_20 = arith.constant 0 : i32
    %dma_start3A_21 = arith.constant 0 : i32
    %dma_start3A_22 = tpu.memref_slice %arg4[%dma_start3A_20, %dma_start3A_21] : memref<50001x128xf32, #tpu.memory_space<hbm>> -> memref<50001x128xf32, #tpu.memory_space<hbm>>
    tpu.enqueue_indirect_dma source(%dma_start3A_22 : memref<50001x128xf32, #tpu.memory_space<hbm>>) target(%arg9 : memref<128x128xf32, #tpu.memory_space<vmem>>) offsets(%dma_start3A_19 : memref<128xi32, #tpu.memory_space<vmem>>) semaphore(%arg13 : memref<!tpu.dma_semaphore, #tpu.memory_space<semaphore_mem>>)
    %dma_wait3A_23 = arith.constant 128 : i32
    %dma_wait3A_24 = tpu.memref_slice %arg7[%dma_wait3A_23] : memref<512xi32, #tpu.memory_space<vmem>> -> memref<128xi32, #tpu.memory_space<vmem>>
    %dma_wait3A_25 = arith.constant 0 : i32
    %dma_wait3A_26 = arith.constant 0 : i32
    %dma_wait3A_27 = tpu.memref_slice %arg4[%dma_wait3A_25, %dma_wait3A_26] : memref<50001x128xf32, #tpu.memory_space<hbm>> -> memref<50001x128xf32, #tpu.memory_space<hbm>>
    tpu.wait_indirect_dma semaphore(%arg14 : memref<!tpu.dma_semaphore, #tpu.memory_space<semaphore_mem>>) src(%dma_wait3A_27 : memref<50001x128xf32, #tpu.memory_space<hbm>>) dst(%arg10 : memref<128x128xf32, #tpu.memory_space<vmem>>)
    %add3A_28 = arith.constant 128 : i32
    %add3A_29 = arith.addi %mul3A_2, %add3A_28 : i32
    "tpu.region"() ({
      %run_scoped3A = tpu.sem_alloc : memref<!tpu.dma_semaphore, #tpu.memory_space<semaphore_mem>>
      %dma_start3A_97 = arith.constant 0 : i32
      %dma_start3A_98 = tpu.memref_slice %arg5[%add3A_29, %dma_start3A_97] : memref<16384x128xf32, #tpu.memory_space<hbm>> -> memref<128x128xf32, #tpu.memory_space<hbm>>
      %dma_start3A_99 = arith.constant 0 : i32
      %dma_start3A_100 = tpu.memref_slice %arg5[%add3A_29, %dma_start3A_99] : memref<16384x128xf32, #tpu.memory_space<hbm>> -> memref<128x128xf32, #tpu.memory_space<hbm>>
      tpu.enqueue_dma source(%arg10 : memref<128x128xf32, #tpu.memory_space<vmem>>) target(%dma_start3A_100 : memref<128x128xf32, #tpu.memory_space<hbm>>) target_semaphore(%run_scoped3A : memref<!tpu.dma_semaphore, #tpu.memory_space<semaphore_mem>>)
      %dma_wait3A_101 = arith.constant 0 : i32
      %dma_wait3A_102 = tpu.memref_slice %arg5[%add3A_29, %dma_wait3A_101] : memref<16384x128xf32, #tpu.memory_space<hbm>> -> memref<128x128xf32, #tpu.memory_space<hbm>>
      %dma_wait3A_103 = arith.constant 0 : i32
      %dma_wait3A_104 = tpu.memref_slice %arg5[%add3A_29, %dma_wait3A_103] : memref<16384x128xf32, #tpu.memory_space<hbm>> -> memref<128x128xf32, #tpu.memory_space<hbm>>
      tpu.wait_dma2 semaphore(%run_scoped3A : memref<!tpu.dma_semaphore, #tpu.memory_space<semaphore_mem>>) src(%arg10 : memref<128x128xf32, #tpu.memory_space<vmem>>) dst(%dma_wait3A_104 : memref<128x128xf32, #tpu.memory_space<hbm>>)
      tpu.yield
    }) : () -> ()
    %dma_start3A_30 = arith.constant 384 : i32
    %dma_start3A_31 = tpu.memref_slice %arg7[%dma_start3A_30] : memref<512xi32, #tpu.memory_space<vmem>> -> memref<128xi32, #tpu.memory_space<vmem>>
    %dma_start3A_32 = arith.constant 0 : i32
    %dma_start3A_33 = arith.constant 0 : i32
    %dma_start3A_34 = tpu.memref_slice %arg4[%dma_start3A_32, %dma_start3A_33] : memref<50001x128xf32, #tpu.memory_space<hbm>> -> memref<50001x128xf32, #tpu.memory_space<hbm>>
    tpu.enqueue_indirect_dma source(%dma_start3A_34 : memref<50001x128xf32, #tpu.memory_space<hbm>>) target(%arg10 : memref<128x128xf32, #tpu.memory_space<vmem>>) offsets(%dma_start3A_31 : memref<128xi32, #tpu.memory_space<vmem>>) semaphore(%arg14 : memref<!tpu.dma_semaphore, #tpu.memory_space<semaphore_mem>>)
    %dma_wait3A_35 = arith.constant 256 : i32
    %dma_wait3A_36 = tpu.memref_slice %arg7[%dma_wait3A_35] : memref<512xi32, #tpu.memory_space<vmem>> -> memref<128xi32, #tpu.memory_space<vmem>>
    %dma_wait3A_37 = arith.constant 0 : i32
    %dma_wait3A_38 = arith.constant 0 : i32
    %dma_wait3A_39 = tpu.memref_slice %arg4[%dma_wait3A_37, %dma_wait3A_38] : memref<50001x128xf32, #tpu.memory_space<hbm>> -> memref<50001x128xf32, #tpu.memory_space<hbm>>
    tpu.wait_indirect_dma semaphore(%arg13 : memref<!tpu.dma_semaphore, #tpu.memory_space<semaphore_mem>>) src(%dma_wait3A_39 : memref<50001x128xf32, #tpu.memory_space<hbm>>) dst(%arg9 : memref<128x128xf32, #tpu.memory_space<vmem>>)
    %add3A_40 = arith.constant 256 : i32
    %add3A_41 = arith.addi %mul3A_2, %add3A_40 : i32
    "tpu.region"() ({
      %run_scoped3A = tpu.sem_alloc : memref<!tpu.dma_semaphore, #tpu.memory_space<semaphore_mem>>
      %dma_start3A_97 = arith.constant 0 : i32
      %dma_start3A_98 = tpu.memref_slice %arg5[%add3A_41, %dma_start3A_97] : memref<16384x128xf32, #tpu.memory_space<hbm>> -> memref<128x128xf32, #tpu.memory_space<hbm>>
      %dma_start3A_99 = arith.constant 0 : i32
      %dma_start3A_100 = tpu.memref_slice %arg5[%add3A_41, %dma_start3A_99] : memref<16384x128xf32, #tpu.memory_space<hbm>> -> memref<128x128xf32, #tpu.memory_space<hbm>>
      tpu.enqueue_dma source(%arg9 : memref<128x128xf32, #tpu.memory_space<vmem>>) target(%dma_start3A_100 : memref<128x128xf32, #tpu.memory_space<hbm>>) target_semaphore(%run_scoped3A : memref<!tpu.dma_semaphore, #tpu.memory_space<semaphore_mem>>)
      %dma_wait3A_101 = arith.constant 0 : i32
      %dma_wait3A_102 = tpu.memref_slice %arg5[%add3A_41, %dma_wait3A_101] : memref<16384x128xf32, #tpu.memory_space<hbm>> -> memref<128x128xf32, #tpu.memory_space<hbm>>
      %dma_wait3A_103 = arith.constant 0 : i32
      %dma_wait3A_104 = tpu.memref_slice %arg5[%add3A_41, %dma_wait3A_103] : memref<16384x128xf32, #tpu.memory_space<hbm>> -> memref<128x128xf32, #tpu.memory_space<hbm>>
      tpu.wait_dma2 semaphore(%run_scoped3A : memref<!tpu.dma_semaphore, #tpu.memory_space<semaphore_mem>>) src(%arg9 : memref<128x128xf32, #tpu.memory_space<vmem>>) dst(%dma_wait3A_104 : memref<128x128xf32, #tpu.memory_space<hbm>>)
      tpu.yield
    }) : () -> ()
    %dma_wait3A_42 = arith.constant 384 : i32
    %dma_wait3A_43 = tpu.memref_slice %arg7[%dma_wait3A_42] : memref<512xi32, #tpu.memory_space<vmem>> -> memref<128xi32, #tpu.memory_space<vmem>>
    %dma_wait3A_44 = arith.constant 0 : i32
    %dma_wait3A_45 = arith.constant 0 : i32
    %dma_wait3A_46 = tpu.memref_slice %arg4[%dma_wait3A_44, %dma_wait3A_45] : memref<50001x128xf32, #tpu.memory_space<hbm>> -> memref<50001x128xf32, #tpu.memory_space<hbm>>
    tpu.wait_indirect_dma semaphore(%arg14 : memref<!tpu.dma_semaphore, #tpu.memory_space<semaphore_mem>>) src(%dma_wait3A_46 : memref<50001x128xf32, #tpu.memory_space<hbm>>) dst(%arg10 : memref<128x128xf32, #tpu.memory_space<vmem>>)
    %add3A_47 = arith.constant 384 : i32
    %add3A_48 = arith.addi %mul3A_2, %add3A_47 : i32
    "tpu.region"() ({
      %run_scoped3A = tpu.sem_alloc : memref<!tpu.dma_semaphore, #tpu.memory_space<semaphore_mem>>
      %dma_start3A_97 = arith.constant 0 : i32
      %dma_start3A_98 = tpu.memref_slice %arg5[%add3A_48, %dma_start3A_97] : memref<16384x128xf32, #tpu.memory_space<hbm>> -> memref<128x128xf32, #tpu.memory_space<hbm>>
      %dma_start3A_99 = arith.constant 0 : i32
      %dma_start3A_100 = tpu.memref_slice %arg5[%add3A_48, %dma_start3A_99] : memref<16384x128xf32, #tpu.memory_space<hbm>> -> memref<128x128xf32, #tpu.memory_space<hbm>>
      tpu.enqueue_dma source(%arg10 : memref<128x128xf32, #tpu.memory_space<vmem>>) target(%dma_start3A_100 : memref<128x128xf32, #tpu.memory_space<hbm>>) target_semaphore(%run_scoped3A : memref<!tpu.dma_semaphore, #tpu.memory_space<semaphore_mem>>)
      %dma_wait3A_101 = arith.constant 0 : i32
      %dma_wait3A_102 = tpu.memref_slice %arg5[%add3A_48, %dma_wait3A_101] : memref<16384x128xf32, #tpu.memory_space<hbm>> -> memref<128x128xf32, #tpu.memory_space<hbm>>
      %dma_wait3A_103 = arith.constant 0 : i32
      %dma_wait3A_104 = tpu.memref_slice %arg5[%add3A_48, %dma_wait3A_103] : memref<16384x128xf32, #tpu.memory_space<hbm>> -> memref<128x128xf32, #tpu.memory_space<hbm>>
      tpu.wait_dma2 semaphore(%run_scoped3A : memref<!tpu.dma_semaphore, #tpu.memory_space<semaphore_mem>>) src(%arg10 : memref<128x128xf32, #tpu.memory_space<vmem>>) dst(%dma_wait3A_104 : memref<128x128xf32, #tpu.memory_space<hbm>>)
      tpu.yield
    }) : () -> ()
    %dma_start3A_49 = arith.constant 0 : i32
    %dma_start3A_50 = tpu.memref_slice %arg8[%dma_start3A_49] : memref<512xi32, #tpu.memory_space<vmem>> -> memref<128xi32, #tpu.memory_space<vmem>>
    %dma_start3A_51 = arith.constant 0 : i32
    %dma_start3A_52 = arith.constant 0 : i32
    %dma_start3A_53 = tpu.memref_slice %arg4[%dma_start3A_51, %dma_start3A_52] : memref<50001x128xf32, #tpu.memory_space<hbm>> -> memref<50001x128xf32, #tpu.memory_space<hbm>>
    tpu.enqueue_indirect_dma source(%dma_start3A_53 : memref<50001x128xf32, #tpu.memory_space<hbm>>) target(%arg11 : memref<128x128xf32, #tpu.memory_space<vmem>>) offsets(%dma_start3A_50 : memref<128xi32, #tpu.memory_space<vmem>>) semaphore(%arg13 : memref<!tpu.dma_semaphore, #tpu.memory_space<semaphore_mem>>)
    %dma_start3A_54 = arith.constant 128 : i32
    %dma_start3A_55 = tpu.memref_slice %arg8[%dma_start3A_54] : memref<512xi32, #tpu.memory_space<vmem>> -> memref<128xi32, #tpu.memory_space<vmem>>
    %dma_start3A_56 = arith.constant 0 : i32
    %dma_start3A_57 = arith.constant 0 : i32
    %dma_start3A_58 = tpu.memref_slice %arg4[%dma_start3A_56, %dma_start3A_57] : memref<50001x128xf32, #tpu.memory_space<hbm>> -> memref<50001x128xf32, #tpu.memory_space<hbm>>
    tpu.enqueue_indirect_dma source(%dma_start3A_58 : memref<50001x128xf32, #tpu.memory_space<hbm>>) target(%arg12 : memref<128x128xf32, #tpu.memory_space<vmem>>) offsets(%dma_start3A_55 : memref<128xi32, #tpu.memory_space<vmem>>) semaphore(%arg14 : memref<!tpu.dma_semaphore, #tpu.memory_space<semaphore_mem>>)
    %dma_wait3A_59 = arith.constant 0 : i32
    %dma_wait3A_60 = tpu.memref_slice %arg8[%dma_wait3A_59] : memref<512xi32, #tpu.memory_space<vmem>> -> memref<128xi32, #tpu.memory_space<vmem>>
    %dma_wait3A_61 = arith.constant 0 : i32
    %dma_wait3A_62 = arith.constant 0 : i32
    %dma_wait3A_63 = tpu.memref_slice %arg4[%dma_wait3A_61, %dma_wait3A_62] : memref<50001x128xf32, #tpu.memory_space<hbm>> -> memref<50001x128xf32, #tpu.memory_space<hbm>>
    tpu.wait_indirect_dma semaphore(%arg13 : memref<!tpu.dma_semaphore, #tpu.memory_space<semaphore_mem>>) src(%dma_wait3A_63 : memref<50001x128xf32, #tpu.memory_space<hbm>>) dst(%arg11 : memref<128x128xf32, #tpu.memory_space<vmem>>)
    %add3A_64 = arith.constant 0 : i32
    %add3A_65 = arith.addi %mul3A_2, %add3A_64 : i32
    "tpu.region"() ({
      %run_scoped3A = tpu.sem_alloc : memref<!tpu.dma_semaphore, #tpu.memory_space<semaphore_mem>>
      %dma_start3A_97 = arith.constant 0 : i32
      %dma_start3A_98 = tpu.memref_slice %arg6[%add3A_65, %dma_start3A_97] : memref<16384x128xf32, #tpu.memory_space<hbm>> -> memref<128x128xf32, #tpu.memory_space<hbm>>
      %dma_start3A_99 = arith.constant 0 : i32
      %dma_start3A_100 = tpu.memref_slice %arg6[%add3A_65, %dma_start3A_99] : memref<16384x128xf32, #tpu.memory_space<hbm>> -> memref<128x128xf32, #tpu.memory_space<hbm>>
      tpu.enqueue_dma source(%arg11 : memref<128x128xf32, #tpu.memory_space<vmem>>) target(%dma_start3A_100 : memref<128x128xf32, #tpu.memory_space<hbm>>) target_semaphore(%run_scoped3A : memref<!tpu.dma_semaphore, #tpu.memory_space<semaphore_mem>>)
      %dma_wait3A_101 = arith.constant 0 : i32
      %dma_wait3A_102 = tpu.memref_slice %arg6[%add3A_65, %dma_wait3A_101] : memref<16384x128xf32, #tpu.memory_space<hbm>> -> memref<128x128xf32, #tpu.memory_space<hbm>>
      %dma_wait3A_103 = arith.constant 0 : i32
      %dma_wait3A_104 = tpu.memref_slice %arg6[%add3A_65, %dma_wait3A_103] : memref<16384x128xf32, #tpu.memory_space<hbm>> -> memref<128x128xf32, #tpu.memory_space<hbm>>
      tpu.wait_dma2 semaphore(%run_scoped3A : memref<!tpu.dma_semaphore, #tpu.memory_space<semaphore_mem>>) src(%arg11 : memref<128x128xf32, #tpu.memory_space<vmem>>) dst(%dma_wait3A_104 : memref<128x128xf32, #tpu.memory_space<hbm>>)
      tpu.yield
    }) : () -> ()
    %dma_start3A_66 = arith.constant 256 : i32
    %dma_start3A_67 = tpu.memref_slice %arg8[%dma_start3A_66] : memref<512xi32, #tpu.memory_space<vmem>> -> memref<128xi32, #tpu.memory_space<vmem>>
    %dma_start3A_68 = arith.constant 0 : i32
    %dma_start3A_69 = arith.constant 0 : i32
    %dma_start3A_70 = tpu.memref_slice %arg4[%dma_start3A_68, %dma_start3A_69] : memref<50001x128xf32, #tpu.memory_space<hbm>> -> memref<50001x128xf32, #tpu.memory_space<hbm>>
    tpu.enqueue_indirect_dma source(%dma_start3A_70 : memref<50001x128xf32, #tpu.memory_space<hbm>>) target(%arg11 : memref<128x128xf32, #tpu.memory_space<vmem>>) offsets(%dma_start3A_67 : memref<128xi32, #tpu.memory_space<vmem>>) semaphore(%arg13 : memref<!tpu.dma_semaphore, #tpu.memory_space<semaphore_mem>>)
    %dma_wait3A_71 = arith.constant 128 : i32
    %dma_wait3A_72 = tpu.memref_slice %arg8[%dma_wait3A_71] : memref<512xi32, #tpu.memory_space<vmem>> -> memref<128xi32, #tpu.memory_space<vmem>>
    %dma_wait3A_73 = arith.constant 0 : i32
    %dma_wait3A_74 = arith.constant 0 : i32
    %dma_wait3A_75 = tpu.memref_slice %arg4[%dma_wait3A_73, %dma_wait3A_74] : memref<50001x128xf32, #tpu.memory_space<hbm>> -> memref<50001x128xf32, #tpu.memory_space<hbm>>
    tpu.wait_indirect_dma semaphore(%arg14 : memref<!tpu.dma_semaphore, #tpu.memory_space<semaphore_mem>>) src(%dma_wait3A_75 : memref<50001x128xf32, #tpu.memory_space<hbm>>) dst(%arg12 : memref<128x128xf32, #tpu.memory_space<vmem>>)
    %add3A_76 = arith.constant 128 : i32
    %add3A_77 = arith.addi %mul3A_2, %add3A_76 : i32
    "tpu.region"() ({
      %run_scoped3A = tpu.sem_alloc : memref<!tpu.dma_semaphore, #tpu.memory_space<semaphore_mem>>
      %dma_start3A_97 = arith.constant 0 : i32
      %dma_start3A_98 = tpu.memref_slice %arg6[%add3A_77, %dma_start3A_97] : memref<16384x128xf32, #tpu.memory_space<hbm>> -> memref<128x128xf32, #tpu.memory_space<hbm>>
      %dma_start3A_99 = arith.constant 0 : i32
      %dma_start3A_100 = tpu.memref_slice %arg6[%add3A_77, %dma_start3A_99] : memref<16384x128xf32, #tpu.memory_space<hbm>> -> memref<128x128xf32, #tpu.memory_space<hbm>>
      tpu.enqueue_dma source(%arg12 : memref<128x128xf32, #tpu.memory_space<vmem>>) target(%dma_start3A_100 : memref<128x128xf32, #tpu.memory_space<hbm>>) target_semaphore(%run_scoped3A : memref<!tpu.dma_semaphore, #tpu.memory_space<semaphore_mem>>)
      %dma_wait3A_101 = arith.constant 0 : i32
      %dma_wait3A_102 = tpu.memref_slice %arg6[%add3A_77, %dma_wait3A_101] : memref<16384x128xf32, #tpu.memory_space<hbm>> -> memref<128x128xf32, #tpu.memory_space<hbm>>
      %dma_wait3A_103 = arith.constant 0 : i32
      %dma_wait3A_104 = tpu.memref_slice %arg6[%add3A_77, %dma_wait3A_103] : memref<16384x128xf32, #tpu.memory_space<hbm>> -> memref<128x128xf32, #tpu.memory_space<hbm>>
      tpu.wait_dma2 semaphore(%run_scoped3A : memref<!tpu.dma_semaphore, #tpu.memory_space<semaphore_mem>>) src(%arg12 : memref<128x128xf32, #tpu.memory_space<vmem>>) dst(%dma_wait3A_104 : memref<128x128xf32, #tpu.memory_space<hbm>>)
      tpu.yield
    }) : () -> ()
    %dma_start3A_78 = arith.constant 384 : i32
    %dma_start3A_79 = tpu.memref_slice %arg8[%dma_start3A_78] : memref<512xi32, #tpu.memory_space<vmem>> -> memref<128xi32, #tpu.memory_space<vmem>>
    %dma_start3A_80 = arith.constant 0 : i32
    %dma_start3A_81 = arith.constant 0 : i32
    %dma_start3A_82 = tpu.memref_slice %arg4[%dma_start3A_80, %dma_start3A_81] : memref<50001x128xf32, #tpu.memory_space<hbm>> -> memref<50001x128xf32, #tpu.memory_space<hbm>>
    tpu.enqueue_indirect_dma source(%dma_start3A_82 : memref<50001x128xf32, #tpu.memory_space<hbm>>) target(%arg12 : memref<128x128xf32, #tpu.memory_space<vmem>>) offsets(%dma_start3A_79 : memref<128xi32, #tpu.memory_space<vmem>>) semaphore(%arg14 : memref<!tpu.dma_semaphore, #tpu.memory_space<semaphore_mem>>)
    %dma_wait3A_83 = arith.constant 256 : i32
    %dma_wait3A_84 = tpu.memref_slice %arg8[%dma_wait3A_83] : memref<512xi32, #tpu.memory_space<vmem>> -> memref<128xi32, #tpu.memory_space<vmem>>
    %dma_wait3A_85 = arith.constant 0 : i32
    %dma_wait3A_86 = arith.constant 0 : i32
    %dma_wait3A_87 = tpu.memref_slice %arg4[%dma_wait3A_85, %dma_wait3A_86] : memref<50001x128xf32, #tpu.memory_space<hbm>> -> memref<50001x128xf32, #tpu.memory_space<hbm>>
    tpu.wait_indirect_dma semaphore(%arg13 : memref<!tpu.dma_semaphore, #tpu.memory_space<semaphore_mem>>) src(%dma_wait3A_87 : memref<50001x128xf32, #tpu.memory_space<hbm>>) dst(%arg11 : memref<128x128xf32, #tpu.memory_space<vmem>>)
    %add3A_88 = arith.constant 256 : i32
    %add3A_89 = arith.addi %mul3A_2, %add3A_88 : i32
    "tpu.region"() ({
      %run_scoped3A = tpu.sem_alloc : memref<!tpu.dma_semaphore, #tpu.memory_space<semaphore_mem>>
      %dma_start3A_97 = arith.constant 0 : i32
      %dma_start3A_98 = tpu.memref_slice %arg6[%add3A_89, %dma_start3A_97] : memref<16384x128xf32, #tpu.memory_space<hbm>> -> memref<128x128xf32, #tpu.memory_space<hbm>>
      %dma_start3A_99 = arith.constant 0 : i32
      %dma_start3A_100 = tpu.memref_slice %arg6[%add3A_89, %dma_start3A_99] : memref<16384x128xf32, #tpu.memory_space<hbm>> -> memref<128x128xf32, #tpu.memory_space<hbm>>
      tpu.enqueue_dma source(%arg11 : memref<128x128xf32, #tpu.memory_space<vmem>>) target(%dma_start3A_100 : memref<128x128xf32, #tpu.memory_space<hbm>>) target_semaphore(%run_scoped3A : memref<!tpu.dma_semaphore, #tpu.memory_space<semaphore_mem>>)
      %dma_wait3A_101 = arith.constant 0 : i32
      %dma_wait3A_102 = tpu.memref_slice %arg6[%add3A_89, %dma_wait3A_101] : memref<16384x128xf32, #tpu.memory_space<hbm>> -> memref<128x128xf32, #tpu.memory_space<hbm>>
      %dma_wait3A_103 = arith.constant 0 : i32
      %dma_wait3A_104 = tpu.memref_slice %arg6[%add3A_89, %dma_wait3A_103] : memref<16384x128xf32, #tpu.memory_space<hbm>> -> memref<128x128xf32, #tpu.memory_space<hbm>>
      tpu.wait_dma2 semaphore(%run_scoped3A : memref<!tpu.dma_semaphore, #tpu.memory_space<semaphore_mem>>) src(%arg11 : memref<128x128xf32, #tpu.memory_space<vmem>>) dst(%dma_wait3A_104 : memref<128x128xf32, #tpu.memory_space<hbm>>)
      tpu.yield
    }) : () -> ()
    %dma_wait3A_90 = arith.constant 384 : i32
    %dma_wait3A_91 = tpu.memref_slice %arg8[%dma_wait3A_90] : memref<512xi32, #tpu.memory_space<vmem>> -> memref<128xi32, #tpu.memory_space<vmem>>
    %dma_wait3A_92 = arith.constant 0 : i32
    %dma_wait3A_93 = arith.constant 0 : i32
    %dma_wait3A_94 = tpu.memref_slice %arg4[%dma_wait3A_92, %dma_wait3A_93] : memref<50001x128xf32, #tpu.memory_space<hbm>> -> memref<50001x128xf32, #tpu.memory_space<hbm>>
    tpu.wait_indirect_dma semaphore(%arg14 : memref<!tpu.dma_semaphore, #tpu.memory_space<semaphore_mem>>) src(%dma_wait3A_94 : memref<50001x128xf32, #tpu.memory_space<hbm>>) dst(%arg12 : memref<128x128xf32, #tpu.memory_space<vmem>>)
    %add3A_95 = arith.constant 384 : i32
    %add3A_96 = arith.addi %mul3A_2, %add3A_95 : i32
    "tpu.region"() ({
      %run_scoped3A = tpu.sem_alloc : memref<!tpu.dma_semaphore, #tpu.memory_space<semaphore_mem>>
      %dma_start3A_97 = arith.constant 0 : i32
      %dma_start3A_98 = tpu.memref_slice %arg6[%add3A_96, %dma_start3A_97] : memref<16384x128xf32, #tpu.memory_space<hbm>> -> memref<128x128xf32, #tpu.memory_space<hbm>>
      %dma_start3A_99 = arith.constant 0 : i32
      %dma_start3A_100 = tpu.memref_slice %arg6[%add3A_96, %dma_start3A_99] : memref<16384x128xf32, #tpu.memory_space<hbm>> -> memref<128x128xf32, #tpu.memory_space<hbm>>
      tpu.enqueue_dma source(%arg12 : memref<128x128xf32, #tpu.memory_space<vmem>>) target(%dma_start3A_100 : memref<128x128xf32, #tpu.memory_space<hbm>>) target_semaphore(%run_scoped3A : memref<!tpu.dma_semaphore, #tpu.memory_space<semaphore_mem>>)
      %dma_wait3A_101 = arith.constant 0 : i32
      %dma_wait3A_102 = tpu.memref_slice %arg6[%add3A_96, %dma_wait3A_101] : memref<16384x128xf32, #tpu.memory_space<hbm>> -> memref<128x128xf32, #tpu.memory_space<hbm>>
      %dma_wait3A_103 = arith.constant 0 : i32
      %dma_wait3A_104 = tpu.memref_slice %arg6[%add3A_96, %dma_wait3A_103] : memref<16384x128xf32, #tpu.memory_space<hbm>> -> memref<128x128xf32, #tpu.memory_space<hbm>>
      tpu.wait_dma2 semaphore(%run_scoped3A : memref<!tpu.dma_semaphore, #tpu.memory_space<semaphore_mem>>) src(%arg12 : memref<128x128xf32, #tpu.memory_space<vmem>>) dst(%dma_wait3A_104 : memref<128x128xf32, #tpu.memory_space<hbm>>)
      tpu.yield
    }) : () -> ()
    return
  }
}

module attributes {stable_mosaic.version = 14 : i64} {
  func.func @_pad_kernel(%arg0: i32, %arg1: memref<84x2048xf32, #tpu.memory_space<vmem>>, %arg2: memref<11x2048xf32, #tpu.memory_space<vmem>>, %arg3: memref<2048x128xf32, #tpu.memory_space<vmem>>) attributes {dimension_semantics = [#tpu.dimension_semantics<arbitrary>], iteration_bounds = array<i64: 25>, scalar_prefetch = 0 : i64, scratch_operands = 0 : i64, tpu.core_type = #tpu.core_type<tc>, window_params = [{transform_indices = @transform_0, window_bounds = array<i64: 84, 2048>}, {transform_indices = @transform_1, window_bounds = array<i64: 11, 2048>}, {transform_indices = @transform_2, window_bounds = array<i64: 2048, 128>}]} {
    %broadcast_in_dim3A = arith.constant 0.000000e+00 : f32
    %broadcast_in_dim3A_0 = vector.broadcast %broadcast_in_dim3A : f32 to vector<2048x33xf32>
    %get3A = arith.constant 0 : index
    %get3A_1 = arith.constant 0 : index
    %get3A_2 = vector.load %arg1[%get3A, %get3A_1] : memref<84x2048xf32, #tpu.memory_space<vmem>>, vector<84x2048xf32>
    %transpose3A = tpu.transpose %get3A_2, [1, 0] : vector<84x2048xf32> -> vector<2048x84xf32>
    %get3A_3 = arith.constant 0 : index
    %get3A_4 = arith.constant 0 : index
    %get3A_5 = vector.load %arg2[%get3A_3, %get3A_4] : memref<11x2048xf32, #tpu.memory_space<vmem>>, vector<11x2048xf32>
    %transpose3A_6 = tpu.transpose %get3A_5, [1, 0] : vector<11x2048xf32> -> vector<2048x11xf32>
    %concatenate3A = tpu.concatenate %transpose3A, %transpose3A_6, %broadcast_in_dim3A_0 in 1 : vector<2048x84xf32>, vector<2048x11xf32>, vector<2048x33xf32> -> vector<2048x128xf32>
    %swap3A = arith.constant 0 : index
    %swap3A_7 = arith.constant 0 : index
    %swap3A_8 = vector.load %arg3[%swap3A, %swap3A_7] : memref<2048x128xf32, #tpu.memory_space<vmem>>, vector<2048x128xf32>
    tpu.vector_store %arg3[%swap3A, %swap3A_7], %concatenate3A {strides = array<i32>} : memref<2048x128xf32, #tpu.memory_space<vmem>>, vector<2048x128xf32>,
    return
  }
  func.func @transform_0(%arg0: i32) -> (i32, i32) {
    %c0_i32 = arith.constant 0 : i32
    %c0_i32_0 = arith.constant 0 : i32
    return %c0_i32, %arg0 : i32, i32
  }
  func.func @transform_1(%arg0: i32) -> (i32, i32) {
    %c0_i32 = arith.constant 0 : i32
    %c0_i32_0 = arith.constant 0 : i32
    return %c0_i32, %arg0 : i32, i32
  }
  func.func @transform_2(%arg0: i32) -> (i32, i32) {
    %c0_i32 = arith.constant 0 : i32
    %c0_i32_0 = arith.constant 0 : i32
    return %arg0, %c0_i32 : i32, i32
  }
}

module attributes {stable_mosaic.version = 14 : i64} {
  func.func @_matvec_kernel(%arg0: i32, %arg1: memref<2048x128xf32, #tpu.memory_space<vmem>>, %arg2: memref<2048x128xf32, #tpu.memory_space<vmem>>, %arg3: memref<2048x128xf32, #tpu.memory_space<vmem>>, %arg4: memref<2048x768xf32, #tpu.memory_space<vmem>>, %arg5: memref<2x128xf32, #tpu.memory_space<vmem>>, %arg6: memref<2x128xf32, #tpu.memory_space<vmem>>, %arg7: memref<2x128xf32, #tpu.memory_space<vmem>>, %arg8: memref<2x768xf32, #tpu.memory_space<vmem>>, %arg9: memref<1x991xf32, #tpu.memory_space<vmem>>, %arg10: memref<1x991xf32, #tpu.memory_space<vmem>>, %arg11: memref<991x1982xf32, #tpu.memory_space<vmem>>, %arg12: memref<2x1982xf32, #tpu.memory_space<vmem>>, %arg13: memref<1x1982xf32, #tpu.memory_space<vmem>>, %arg14: memref<1x2xf32, #tpu.memory_space<vmem>>, %arg15: memref<2x2048xf32, #tpu.memory_space<vmem>>, %arg16: memref<1x128xf32, #tpu.memory_space<vmem>>, %arg17: memref<1x128xf32, #tpu.memory_space<vmem>>, %arg18: memref<1x128xf32, #tpu.memory_space<vmem>>, %arg19: memref<1x768xf32, #tpu.memory_space<vmem>>, %arg20: memref<128x2xf32, #tpu.memory_space<vmem>>, %arg21: memref<128x2xf32, #tpu.memory_space<vmem>>, %arg22: memref<128x2xf32, #tpu.memory_space<vmem>>, %arg23: memref<768x2xf32, #tpu.memory_space<vmem>>, %arg24: memref<2x1xf32, #tpu.memory_space<vmem>>) attributes {dimension_semantics = [#tpu.dimension_semantics<arbitrary>], iteration_bounds = array<i64: 8>, scalar_prefetch = 0 : i64, scratch_operands = 9 : i64, tpu.core_type = #tpu.core_type<tc>, window_params = [{transform_indices = @transform_0, window_bounds = array<i64: 2048, 128>}, {transform_indices = @transform_1, window_bounds = array<i64: 2048, 128>}, {transform_indices = @transform_2, window_bounds = array<i64: 2048, 128>}, {transform_indices = @transform_3, window_bounds = array<i64: 2048, 768>}, {pipeline_mode = #tpu.pipeline_mode<synchronous>, transform_indices = @transform_4, window_bounds = array<i64: 2, 128>}, {pipeline_mode = #tpu.pipeline_mode<synchronous>, transform_indices = @transform_5, window_bounds = array<i64: 2, 128>}, {pipeline_mode = #tpu.pipeline_mode<synchronous>, transform_indices = @transform_6, window_bounds = array<i64: 2, 128>}, {pipeline_mode = #tpu.pipeline_mode<synchronous>, transform_indices = @transform_7, window_bounds = array<i64: 2, 768>}, {pipeline_mode = #tpu.pipeline_mode<synchronous>, transform_indices = @transform_8, window_bounds = array<i64: 1, 991>}, {pipeline_mode = #tpu.pipeline_mode<synchronous>, transform_indices = @transform_9, window_bounds = array<i64: 1, 991>}, {pipeline_mode = #tpu.pipeline_mode<synchronous>, transform_indices = @transform_10, window_bounds = array<i64: 991, 1982>}, {pipeline_mode = #tpu.pipeline_mode<synchronous>, transform_indices = @transform_11, window_bounds = array<i64: 2, 1982>}, {pipeline_mode = #tpu.pipeline_mode<synchronous>, transform_indices = @transform_12, window_bounds = array<i64: 1, 1982>}, {pipeline_mode = #tpu.pipeline_mode<synchronous>, transform_indices = @transform_13, window_bounds = array<i64: 1, 2>}, {transform_indices = @transform_14, window_bounds = array<i64: 2, 2048>}]} {
    %eq3A = arith.constant 0 : i32
    %eq3A_0 = arith.cmpi eq, %arg0, %eq3A : i32
    %convert_element_type3A = arith.extui %eq3A_0 : i1 to i32
    %cond3A = arith.constant 0 : i32
    %cond3A_1 = arith.cmpi ne, %convert_element_type3A, %cond3A : i32
    scf.if %cond3A_1 {
      %get3A_60 = arith.constant 0 : index
      %get3A_61 = arith.constant 0 : index
      %get3A_62 = vector.load %arg13[%get3A_60, %get3A_61] : memref<1x1982xf32, #tpu.memory_space<vmem>>, vector<1x1982xf32>
      %get3A_63 = arith.constant 0 : index
      %get3A_64 = arith.constant 0 : index
      %get3A_65 = vector.load %arg12[%get3A_63, %get3A_64] : memref<2x1982xf32, #tpu.memory_space<vmem>>, vector<2x1982xf32>
      %dot_general3A_66 = arith.constant dense<0.000000e+00> : vector<1x2xf32>
      %dot_general3A_67 = tpu.matmul %get3A_62, %get3A_65, %dot_general3A_66 {dimension_numbers = #tpu.dot_dimension_numbers<[1], [1], [0], [0], [0, 0, 1, 0], [], []>, transpose_lhs_hint = false} : vector<1x1982xf32>, vector<2x1982xf32>, vector<1x2xf32> -> vector<1x2xf32>
      %get3A_68 = arith.constant 0 : index
      %get3A_69 = arith.constant 0 : index
      %get3A_70 = vector.load %arg14[%get3A_68, %get3A_69] : memref<1x2xf32, #tpu.memory_space<vmem>>, vector<1x2xf32>
      %add3A_71 = arith.addf %dot_general3A_67, %get3A_70 : vector<1x2xf32>
      %get3A_72 = arith.constant 0 : index
      %get3A_73 = arith.constant 0 : index
      %get3A_74 = vector.load %arg11[%get3A_72, %get3A_73] : memref<991x1982xf32, #tpu.memory_space<vmem>>, vector<991x1982xf32>
      %get3A_75 = arith.constant 0 : index
      %get3A_76 = arith.constant 0 : index
      %get3A_77 = vector.load %arg12[%get3A_75, %get3A_76] : memref<2x1982xf32, #tpu.memory_space<vmem>>, vector<2x1982xf32>
      %dot_general3A_78 = arith.constant dense<0.000000e+00> : vector<991x2xf32>
      %dot_general3A_79 = tpu.matmul %get3A_74, %get3A_77, %dot_general3A_78 {dimension_numbers = #tpu.dot_dimension_numbers<[1], [1], [0], [0], [0, 0, 1, 0], [], []>, transpose_lhs_hint = false} : vector<991x1982xf32>, vector<2x1982xf32>, vector<991x2xf32> -> vector<991x2xf32>
      %get3A_80 = arith.constant 0 : index
      %get3A_81 = arith.constant 0 : index
      %get3A_82 = vector.load %arg9[%get3A_80, %get3A_81] : memref<1x991xf32, #tpu.memory_space<vmem>>, vector<1x128xf32>
      %get3A_83 = arith.constant 0 : index
      %get3A_84 = arith.constant 0 : index
      %get3A_85 = vector.load %arg10[%get3A_83, %get3A_84] : memref<1x991xf32, #tpu.memory_space<vmem>>, vector<1x128xf32>
      %slice3A = vector.extract_strided_slice %dot_general3A_79 {offsets = [0, 0], sizes = [128, 2], strides = [1, 1]} : vector<991x2xf32> to vector<128x2xf32>
      %get3A_86 = arith.constant 0 : index
      %get3A_87 = arith.constant 0 : index
      %get3A_88 = vector.load %arg5[%get3A_86, %get3A_87] : memref<2x128xf32, #tpu.memory_space<vmem>>, vector<1x128xf32>
      %mul3A_89 = arith.constant 6.10351563E-5 : f32
      %mul3A_90 = vector.broadcast %mul3A_89 : f32 to vector<1x128xf32>
      %mul3A_91 = arith.mulf %get3A_88, %mul3A_90 : vector<1x128xf32>
      %get3A_92 = arith.constant 1 : index
      %get3A_93 = arith.constant 0 : index
      %get3A_94 = vector.load %arg5[%get3A_92, %get3A_93] : memref<2x128xf32, #tpu.memory_space<vmem>>, vector<1x128xf32>
      %mul3A_95 = arith.constant 6.10351563E-5 : f32
      %mul3A_96 = vector.broadcast %mul3A_95 : f32 to vector<1x128xf32>
      %mul3A_97 = arith.mulf %get3A_94, %mul3A_96 : vector<1x128xf32>
      %mul3A_98 = arith.mulf %mul3A_91, %mul3A_91 : vector<1x128xf32>
      %sub3A = arith.subf %mul3A_97, %mul3A_98 : vector<1x128xf32>
      %add3A_99 = arith.constant 9.99999974E-5 : f32
      %add3A_100 = vector.broadcast %add3A_99 : f32 to vector<1x128xf32>
      %add3A_101 = arith.addf %sub3A, %add3A_100 : vector<1x128xf32>
      %rsqrt3A = math.rsqrt %add3A_101 : vector<1x128xf32>
      %mul3A_102 = arith.mulf %get3A_82, %rsqrt3A : vector<1x128xf32>
      %mul3A_103 = arith.mulf %mul3A_91, %mul3A_102 : vector<1x128xf32>
      %sub3A_104 = arith.subf %get3A_85, %mul3A_103 : vector<1x128xf32>
      %swap3A_105 = arith.constant 0 : index
      %swap3A_106 = arith.constant 0 : index
      %swap3A_107 = vector.load %arg16[%swap3A_105, %swap3A_106] : memref<1x128xf32, #tpu.memory_space<vmem>>, vector<1x128xf32>
      tpu.vector_store %arg16[%swap3A_105, %swap3A_106], %mul3A_102 {strides = array<i32>} : memref<1x128xf32, #tpu.memory_space<vmem>>, vector<1x128xf32>,
      %swap3A_108 = arith.constant 0 : index
      %swap3A_109 = arith.constant 0 : index
      %swap3A_110 = vector.load %arg20[%swap3A_108, %swap3A_109] : memref<128x2xf32, #tpu.memory_space<vmem>>, vector<128x2xf32>
      tpu.vector_store %arg20[%swap3A_108, %swap3A_109], %slice3A {strides = array<i32>} : memref<128x2xf32, #tpu.memory_space<vmem>>, vector<128x2xf32>,
      %dot_general3A_111 = arith.constant dense<0.000000e+00> : vector<1x2xf32>
      %dot_general3A_112 = tpu.matmul %sub3A_104, %slice3A, %dot_general3A_111 {dimension_numbers = #tpu.dot_dimension_numbers<[1], [0], [0], [1], [0, 0, 1, 1], [], []>, transpose_lhs_hint = false} : vector<1x128xf32>, vector<128x2xf32>, vector<1x2xf32> -> vector<1x2xf32>
      %add3A_113 = arith.addf %add3A_71, %dot_general3A_112 : vector<1x2xf32>
      %get3A_114 = arith.constant 0 : index
      %get3A_115 = arith.constant 128 : index
      %get3A_116 = vector.load %arg9[%get3A_114, %get3A_115] : memref<1x991xf32, #tpu.memory_space<vmem>>, vector<1x84xf32>
      %get3A_117 = arith.constant 0 : index
      %get3A_118 = arith.constant 128 : index
      %get3A_119 = vector.load %arg10[%get3A_117, %get3A_118] : memref<1x991xf32, #tpu.memory_space<vmem>>, vector<1x84xf32>
      %slice3A_120 = vector.extract_strided_slice %dot_general3A_79 {offsets = [128, 0], sizes = [84, 2], strides = [1, 1]} : vector<991x2xf32> to vector<84x2xf32>
      %broadcast_in_dim3A_121 = arith.constant 0.000000e+00 : f32
      %broadcast_in_dim3A_122 = vector.broadcast %broadcast_in_dim3A_121 : f32 to vector<1x44xf32>
      %concatenate3A = tpu.concatenate %get3A_116, %broadcast_in_dim3A_122 in 1 : vector<1x84xf32>, vector<1x44xf32> -> vector<1x128xf32>
      %concatenate3A_123 = tpu.concatenate %get3A_119, %broadcast_in_dim3A_122 in 1 : vector<1x84xf32>, vector<1x44xf32> -> vector<1x128xf32>
      %broadcast_in_dim3A_124 = arith.constant 0.000000e+00 : f32
      %broadcast_in_dim3A_125 = vector.broadcast %broadcast_in_dim3A_124 : f32 to vector<44x2xf32>
      %concatenate3A_126 = tpu.concatenate %slice3A_120, %broadcast_in_dim3A_125 in 0 : vector<84x2xf32>, vector<44x2xf32> -> vector<128x2xf32>
      %get3A_127 = arith.constant 0 : index
      %get3A_128 = arith.constant 0 : index
      %get3A_129 = vector.load %arg6[%get3A_127, %get3A_128] : memref<2x128xf32, #tpu.memory_space<vmem>>, vector<1x128xf32>
      %mul3A_130 = arith.constant 6.10351563E-5 : f32
      %mul3A_131 = vector.broadcast %mul3A_130 : f32 to vector<1x128xf32>
      %mul3A_132 = arith.mulf %get3A_129, %mul3A_131 : vector<1x128xf32>
      %get3A_133 = arith.constant 1 : index
      %get3A_134 = arith.constant 0 : index
      %get3A_135 = vector.load %arg6[%get3A_133, %get3A_134] : memref<2x128xf32, #tpu.memory_space<vmem>>, vector<1x128xf32>
      %mul3A_136 = arith.constant 6.10351563E-5 : f32
      %mul3A_137 = vector.broadcast %mul3A_136 : f32 to vector<1x128xf32>
      %mul3A_138 = arith.mulf %get3A_135, %mul3A_137 : vector<1x128xf32>
      %mul3A_139 = arith.mulf %mul3A_132, %mul3A_132 : vector<1x128xf32>
      %sub3A_140 = arith.subf %mul3A_138, %mul3A_139 : vector<1x128xf32>
      %add3A_141 = arith.constant 9.99999974E-5 : f32
      %add3A_142 = vector.broadcast %add3A_141 : f32 to vector<1x128xf32>
      %add3A_143 = arith.addf %sub3A_140, %add3A_142 : vector<1x128xf32>
      %rsqrt3A_144 = math.rsqrt %add3A_143 : vector<1x128xf32>
      %mul3A_145 = arith.mulf %concatenate3A, %rsqrt3A_144 : vector<1x128xf32>
      %mul3A_146 = arith.mulf %mul3A_132, %mul3A_145 : vector<1x128xf32>
      %sub3A_147 = arith.subf %concatenate3A_123, %mul3A_146 : vector<1x128xf32>
      %swap3A_148 = arith.constant 0 : index
      %swap3A_149 = arith.constant 0 : index
      %swap3A_150 = vector.load %arg17[%swap3A_148, %swap3A_149] : memref<1x128xf32, #tpu.memory_space<vmem>>, vector<1x128xf32>
      tpu.vector_store %arg17[%swap3A_148, %swap3A_149], %mul3A_145 {strides = array<i32>} : memref<1x128xf32, #tpu.memory_space<vmem>>, vector<1x128xf32>,
      %swap3A_151 = arith.constant 0 : index
      %swap3A_152 = arith.constant 0 : index
      %swap3A_153 = vector.load %arg21[%swap3A_151, %swap3A_152] : memref<128x2xf32, #tpu.memory_space<vmem>>, vector<128x2xf32>
      tpu.vector_store %arg21[%swap3A_151, %swap3A_152], %concatenate3A_126 {strides = array<i32>} : memref<128x2xf32, #tpu.memory_space<vmem>>, vector<128x2xf32>,
      %dot_general3A_154 = arith.constant dense<0.000000e+00> : vector<1x2xf32>
      %dot_general3A_155 = tpu.matmul %sub3A_147, %concatenate3A_126, %dot_general3A_154 {dimension_numbers = #tpu.dot_dimension_numbers<[1], [0], [0], [1], [0, 0, 1, 1], [], []>, transpose_lhs_hint = false} : vector<1x128xf32>, vector<128x2xf32>, vector<1x2xf32> -> vector<1x2xf32>
      %add3A_156 = arith.addf %add3A_113, %dot_general3A_155 : vector<1x2xf32>
      %get3A_157 = arith.constant 0 : index
      %get3A_158 = arith.constant 212 : index
      %get3A_159 = vector.load %arg9[%get3A_157, %get3A_158] : memref<1x991xf32, #tpu.memory_space<vmem>>, vector<1x11xf32>
      %get3A_160 = arith.constant 0 : index
      %get3A_161 = arith.constant 212 : index
      %get3A_162 = vector.load %arg10[%get3A_160, %get3A_161] : memref<1x991xf32, #tpu.memory_space<vmem>>, vector<1x11xf32>
      %slice3A_163 = vector.extract_strided_slice %dot_general3A_79 {offsets = [212, 0], sizes = [11, 2], strides = [1, 1]} : vector<991x2xf32> to vector<11x2xf32>
      %broadcast_in_dim3A_164 = arith.constant 0.000000e+00 : f32
      %broadcast_in_dim3A_165 = vector.broadcast %broadcast_in_dim3A_164 : f32 to vector<1x84xf32>
      %broadcast_in_dim3A_166 = arith.constant 0.000000e+00 : f32
      %broadcast_in_dim3A_167 = vector.broadcast %broadcast_in_dim3A_166 : f32 to vector<1x33xf32>
      %concatenate3A_168 = tpu.concatenate %broadcast_in_dim3A_165, %get3A_159, %broadcast_in_dim3A_167 in 1 : vector<1x84xf32>, vector<1x11xf32>, vector<1x33xf32> -> vector<1x128xf32>
      %concatenate3A_169 = tpu.concatenate %broadcast_in_dim3A_165, %get3A_162, %broadcast_in_dim3A_167 in 1 : vector<1x84xf32>, vector<1x11xf32>, vector<1x33xf32> -> vector<1x128xf32>
      %broadcast_in_dim3A_170 = arith.constant 0.000000e+00 : f32
      %broadcast_in_dim3A_171 = vector.broadcast %broadcast_in_dim3A_170 : f32 to vector<84x2xf32>
      %broadcast_in_dim3A_172 = arith.constant 0.000000e+00 : f32
      %broadcast_in_dim3A_173 = vector.broadcast %broadcast_in_dim3A_172 : f32 to vector<33x2xf32>
      %concatenate3A_174 = tpu.concatenate %broadcast_in_dim3A_171, %slice3A_163, %broadcast_in_dim3A_173 in 0 : vector<84x2xf32>, vector<11x2xf32>, vector<33x2xf32> -> vector<128x2xf32>
      %get3A_175 = arith.constant 0 : index
      %get3A_176 = arith.constant 0 : index
      %get3A_177 = vector.load %arg7[%get3A_175, %get3A_176] : memref<2x128xf32, #tpu.memory_space<vmem>>, vector<1x128xf32>
      %mul3A_178 = arith.constant 6.10351563E-5 : f32
      %mul3A_179 = vector.broadcast %mul3A_178 : f32 to vector<1x128xf32>
      %mul3A_180 = arith.mulf %get3A_177, %mul3A_179 : vector<1x128xf32>
      %get3A_181 = arith.constant 1 : index
      %get3A_182 = arith.constant 0 : index
      %get3A_183 = vector.load %arg7[%get3A_181, %get3A_182] : memref<2x128xf32, #tpu.memory_space<vmem>>, vector<1x128xf32>
      %mul3A_184 = arith.constant 6.10351563E-5 : f32
      %mul3A_185 = vector.broadcast %mul3A_184 : f32 to vector<1x128xf32>
      %mul3A_186 = arith.mulf %get3A_183, %mul3A_185 : vector<1x128xf32>
      %mul3A_187 = arith.mulf %mul3A_180, %mul3A_180 : vector<1x128xf32>
      %sub3A_188 = arith.subf %mul3A_186, %mul3A_187 : vector<1x128xf32>
      %add3A_189 = arith.constant 9.99999974E-5 : f32
      %add3A_190 = vector.broadcast %add3A_189 : f32 to vector<1x128xf32>
      %add3A_191 = arith.addf %sub3A_188, %add3A_190 : vector<1x128xf32>
      %rsqrt3A_192 = math.rsqrt %add3A_191 : vector<1x128xf32>
      %mul3A_193 = arith.mulf %concatenate3A_168, %rsqrt3A_192 : vector<1x128xf32>
      %mul3A_194 = arith.mulf %mul3A_180, %mul3A_193 : vector<1x128xf32>
      %sub3A_195 = arith.subf %concatenate3A_169, %mul3A_194 : vector<1x128xf32>
      %swap3A_196 = arith.constant 0 : index
      %swap3A_197 = arith.constant 0 : index
      %swap3A_198 = vector.load %arg18[%swap3A_196, %swap3A_197] : memref<1x128xf32, #tpu.memory_space<vmem>>, vector<1x128xf32>
      tpu.vector_store %arg18[%swap3A_196, %swap3A_197], %mul3A_193 {strides = array<i32>} : memref<1x128xf32, #tpu.memory_space<vmem>>, vector<1x128xf32>,
      %swap3A_199 = arith.constant 0 : index
      %swap3A_200 = arith.constant 0 : index
      %swap3A_201 = vector.load %arg22[%swap3A_199, %swap3A_200] : memref<128x2xf32, #tpu.memory_space<vmem>>, vector<128x2xf32>
      tpu.vector_store %arg22[%swap3A_199, %swap3A_200], %concatenate3A_174 {strides = array<i32>} : memref<128x2xf32, #tpu.memory_space<vmem>>, vector<128x2xf32>,
      %dot_general3A_202 = arith.constant dense<0.000000e+00> : vector<1x2xf32>
      %dot_general3A_203 = tpu.matmul %sub3A_195, %concatenate3A_174, %dot_general3A_202 {dimension_numbers = #tpu.dot_dimension_numbers<[1], [0], [0], [1], [0, 0, 1, 1], [], []>, transpose_lhs_hint = false} : vector<1x128xf32>, vector<128x2xf32>, vector<1x2xf32> -> vector<1x2xf32>
      %add3A_204 = arith.addf %add3A_156, %dot_general3A_203 : vector<1x2xf32>
      %get3A_205 = arith.constant 0 : index
      %get3A_206 = arith.constant 223 : index
      %get3A_207 = vector.load %arg9[%get3A_205, %get3A_206] : memref<1x991xf32, #tpu.memory_space<vmem>>, vector<1x768xf32>
      %get3A_208 = arith.constant 0 : index
      %get3A_209 = arith.constant 223 : index
      %get3A_210 = vector.load %arg10[%get3A_208, %get3A_209] : memref<1x991xf32, #tpu.memory_space<vmem>>, vector<1x768xf32>
      %slice3A_211 = vector.extract_strided_slice %dot_general3A_79 {offsets = [223, 0], sizes = [768, 2], strides = [1, 1]} : vector<991x2xf32> to vector<768x2xf32>
      %get3A_212 = arith.constant 0 : index
      %get3A_213 = arith.constant 0 : index
      %get3A_214 = vector.load %arg8[%get3A_212, %get3A_213] : memref<2x768xf32, #tpu.memory_space<vmem>>, vector<1x768xf32>
      %mul3A_215 = arith.constant 6.10351563E-5 : f32
      %mul3A_216 = vector.broadcast %mul3A_215 : f32 to vector<1x768xf32>
      %mul3A_217 = arith.mulf %get3A_214, %mul3A_216 : vector<1x768xf32>
      %get3A_218 = arith.constant 1 : index
      %get3A_219 = arith.constant 0 : index
      %get3A_220 = vector.load %arg8[%get3A_218, %get3A_219] : memref<2x768xf32, #tpu.memory_space<vmem>>, vector<1x768xf32>
      %mul3A_221 = arith.constant 6.10351563E-5 : f32
      %mul3A_222 = vector.broadcast %mul3A_221 : f32 to vector<1x768xf32>
      %mul3A_223 = arith.mulf %get3A_220, %mul3A_222 : vector<1x768xf32>
      %mul3A_224 = arith.mulf %mul3A_217, %mul3A_217 : vector<1x768xf32>
      %sub3A_225 = arith.subf %mul3A_223, %mul3A_224 : vector<1x768xf32>
      %add3A_226 = arith.constant 9.99999974E-5 : f32
      %add3A_227 = vector.broadcast %add3A_226 : f32 to vector<1x768xf32>
      %add3A_228 = arith.addf %sub3A_225, %add3A_227 : vector<1x768xf32>
      %rsqrt3A_229 = math.rsqrt %add3A_228 : vector<1x768xf32>
      %mul3A_230 = arith.mulf %get3A_207, %rsqrt3A_229 : vector<1x768xf32>
      %mul3A_231 = arith.mulf %mul3A_217, %mul3A_230 : vector<1x768xf32>
      %sub3A_232 = arith.subf %get3A_210, %mul3A_231 : vector<1x768xf32>
      %swap3A_233 = arith.constant 0 : index
      %swap3A_234 = arith.constant 0 : index
      %swap3A_235 = vector.load %arg19[%swap3A_233, %swap3A_234] : memref<1x768xf32, #tpu.memory_space<vmem>>, vector<1x768xf32>
      tpu.vector_store %arg19[%swap3A_233, %swap3A_234], %mul3A_230 {strides = array<i32>} : memref<1x768xf32, #tpu.memory_space<vmem>>, vector<1x768xf32>,
      %swap3A_236 = arith.constant 0 : index
      %swap3A_237 = arith.constant 0 : index
      %swap3A_238 = vector.load %arg23[%swap3A_236, %swap3A_237] : memref<768x2xf32, #tpu.memory_space<vmem>>, vector<768x2xf32>
      tpu.vector_store %arg23[%swap3A_236, %swap3A_237], %slice3A_211 {strides = array<i32>} : memref<768x2xf32, #tpu.memory_space<vmem>>, vector<768x2xf32>,
      %dot_general3A_239 = arith.constant dense<0.000000e+00> : vector<1x2xf32>
      %dot_general3A_240 = tpu.matmul %sub3A_232, %slice3A_211, %dot_general3A_239 {dimension_numbers = #tpu.dot_dimension_numbers<[1], [0], [0], [1], [0, 0, 1, 1], [], []>, transpose_lhs_hint = false} : vector<1x768xf32>, vector<768x2xf32>, vector<1x2xf32> -> vector<1x2xf32>
      %add3A_241 = arith.addf %add3A_204, %dot_general3A_240 : vector<1x2xf32>
      %transpose3A = tpu.transpose %add3A_241, [1, 0] : vector<1x2xf32> -> vector<2x1xf32>
      %swap3A_242 = arith.constant 0 : index
      %swap3A_243 = arith.constant 0 : index
      %swap3A_244 = vector.load %arg24[%swap3A_242, %swap3A_243] : memref<2x1xf32, #tpu.memory_space<vmem>>, vector<2x1xf32>
      tpu.vector_store %arg24[%swap3A_242, %swap3A_243], %transpose3A {strides = array<i32>} : memref<2x1xf32, #tpu.memory_space<vmem>>, vector<2x1xf32>,
    } else {
    }
    %get3A = arith.constant 0 : index
    %get3A_2 = arith.constant 0 : index
    %get3A_3 = vector.load %arg24[%get3A, %get3A_2] : memref<2x1xf32, #tpu.memory_space<vmem>>, vector<2x1xf32>
    %broadcast_in_dim3A = vector.shape_cast %get3A_3 : vector<2x1xf32> to vector<2x1xf32>
    %broadcast_in_dim3A_4 = vector.broadcast %broadcast_in_dim3A : vector<2x1xf32> to vector<2x2048xf32>
    %get3A_5 = arith.constant 0 : index
    %get3A_6 = arith.constant 0 : index
    %get3A_7 = vector.load %arg20[%get3A_5, %get3A_6] : memref<128x2xf32, #tpu.memory_space<vmem>>, vector<128x2xf32>
    %get3A_8 = arith.constant 0 : index
    %get3A_9 = arith.constant 0 : index
    %get3A_10 = vector.load %arg1[%get3A_8, %get3A_9] : memref<2048x128xf32, #tpu.memory_space<vmem>>, vector<2048x128xf32>
    %get3A_11 = arith.constant 0 : index
    %get3A_12 = arith.constant 0 : index
    %get3A_13 = vector.load %arg16[%get3A_11, %get3A_12] : memref<1x128xf32, #tpu.memory_space<vmem>>, vector<1x128xf32>
    %mul3A = vector.broadcast %get3A_13 : vector<1x128xf32> to vector<2048x128xf32>
    %mul3A_14 = arith.mulf %get3A_10, %mul3A : vector<2048x128xf32>
    %dot_general3A = arith.constant dense<0.000000e+00> : vector<2x2048xf32>
    %dot_general3A_15 = tpu.matmul %get3A_7, %mul3A_14, %dot_general3A {dimension_numbers = #tpu.dot_dimension_numbers<[0], [1], [1], [0], [0, 1, 1, 0], [], []>, transpose_lhs_hint = false} : vector<128x2xf32>, vector<2048x128xf32>, vector<2x2048xf32> -> vector<2x2048xf32>
    %add3A = arith.addf %broadcast_in_dim3A_4, %dot_general3A_15 : vector<2x2048xf32>
    %get3A_16 = arith.constant 0 : index
    %get3A_17 = arith.constant 0 : index
    %get3A_18 = vector.load %arg21[%get3A_16, %get3A_17] : memref<128x2xf32, #tpu.memory_space<vmem>>, vector<128x2xf32>
    %get3A_19 = arith.constant 0 : index
    %get3A_20 = arith.constant 0 : index
    %get3A_21 = vector.load %arg2[%get3A_19, %get3A_20] : memref<2048x128xf32, #tpu.memory_space<vmem>>, vector<2048x128xf32>
    %get3A_22 = arith.constant 0 : index
    %get3A_23 = arith.constant 0 : index
    %get3A_24 = vector.load %arg17[%get3A_22, %get3A_23] : memref<1x128xf32, #tpu.memory_space<vmem>>, vector<1x128xf32>
    %mul3A_25 = vector.broadcast %get3A_24 : vector<1x128xf32> to vector<2048x128xf32>
    %mul3A_26 = arith.mulf %get3A_21, %mul3A_25 : vector<2048x128xf32>
    %dot_general3A_27 = arith.constant dense<0.000000e+00> : vector<2x2048xf32>
    %dot_general3A_28 = tpu.matmul %get3A_18, %mul3A_26, %dot_general3A_27 {dimension_numbers = #tpu.dot_dimension_numbers<[0], [1], [1], [0], [0, 1, 1, 0], [], []>, transpose_lhs_hint = false} : vector<128x2xf32>, vector<2048x128xf32>, vector<2x2048xf32> -> vector<2x2048xf32>
    %add3A_29 = arith.addf %add3A, %dot_general3A_28 : vector<2x2048xf32>
    %get3A_30 = arith.constant 0 : index
    %get3A_31 = arith.constant 0 : index
    %get3A_32 = vector.load %arg22[%get3A_30, %get3A_31] : memref<128x2xf32, #tpu.memory_space<vmem>>, vector<128x2xf32>
    %get3A_33 = arith.constant 0 : index
    %get3A_34 = arith.constant 0 : index
    %get3A_35 = vector.load %arg3[%get3A_33, %get3A_34] : memref<2048x128xf32, #tpu.memory_space<vmem>>, vector<2048x128xf32>
    %get3A_36 = arith.constant 0 : index
    %get3A_37 = arith.constant 0 : index
    %get3A_38 = vector.load %arg18[%get3A_36, %get3A_37] : memref<1x128xf32, #tpu.memory_space<vmem>>, vector<1x128xf32>
    %mul3A_39 = vector.broadcast %get3A_38 : vector<1x128xf32> to vector<2048x128xf32>
    %mul3A_40 = arith.mulf %get3A_35, %mul3A_39 : vector<2048x128xf32>
    %dot_general3A_41 = arith.constant dense<0.000000e+00> : vector<2x2048xf32>
    %dot_general3A_42 = tpu.matmul %get3A_32, %mul3A_40, %dot_general3A_41 {dimension_numbers = #tpu.dot_dimension_numbers<[0], [1], [1], [0], [0, 1, 1, 0], [], []>, transpose_lhs_hint = false} : vector<128x2xf32>, vector<2048x128xf32>, vector<2x2048xf32> -> vector<2x2048xf32>
    %add3A_43 = arith.addf %add3A_29, %dot_general3A_42 : vector<2x2048xf32>
    %get3A_44 = arith.constant 0 : index
    %get3A_45 = arith.constant 0 : index
    %get3A_46 = vector.load %arg23[%get3A_44, %get3A_45] : memref<768x2xf32, #tpu.memory_space<vmem>>, vector<768x2xf32>
    %get3A_47 = arith.constant 0 : index
    %get3A_48 = arith.constant 0 : index
    %get3A_49 = vector.load %arg4[%get3A_47, %get3A_48] : memref<2048x768xf32, #tpu.memory_space<vmem>>, vector<2048x768xf32>
    %get3A_50 = arith.constant 0 : index
    %get3A_51 = arith.constant 0 : index
    %get3A_52 = vector.load %arg19[%get3A_50, %get3A_51] : memref<1x768xf32, #tpu.memory_space<vmem>>, vector<1x768xf32>
    %mul3A_53 = vector.broadcast %get3A_52 : vector<1x768xf32> to vector<2048x768xf32>
    %mul3A_54 = arith.mulf %get3A_49, %mul3A_53 : vector<2048x768xf32>
    %dot_general3A_55 = arith.constant dense<0.000000e+00> : vector<2x2048xf32>
    %dot_general3A_56 = tpu.matmul %get3A_46, %mul3A_54, %dot_general3A_55 {dimension_numbers = #tpu.dot_dimension_numbers<[0], [1], [1], [0], [0, 1, 1, 0], [], []>, transpose_lhs_hint = false} : vector<768x2xf32>, vector<2048x768xf32>, vector<2x2048xf32> -> vector<2x2048xf32>
    %add3A_57 = arith.addf %add3A_43, %dot_general3A_56 : vector<2x2048xf32>
    %swap3A = arith.constant 0 : index
    %swap3A_58 = arith.constant 0 : index
    %swap3A_59 = vector.load %arg15[%swap3A, %swap3A_58] : memref<2x2048xf32, #tpu.memory_space<vmem>>, vector<2x2048xf32>
    tpu.vector_store %arg15[%swap3A, %swap3A_58], %add3A_57 {strides = array<i32>} : memref<2x2048xf32, #tpu.memory_space<vmem>>, vector<2x2048xf32>,
    return
  }
  func.func @transform_0(%arg0: i32) -> (i32, i32) {
    %c0_i32 = arith.constant 0 : i32
    %c0_i32_0 = arith.constant 0 : i32
    return %arg0, %c0_i32 : i32, i32
  }
  func.func @transform_1(%arg0: i32) -> (i32, i32) {
    %c0_i32 = arith.constant 0 : i32
    %c0_i32_0 = arith.constant 0 : i32
    return %arg0, %c0_i32 : i32, i32
  }
  func.func @transform_2(%arg0: i32) -> (i32, i32) {
    %c0_i32 = arith.constant 0 : i32
    %c0_i32_0 = arith.constant 0 : i32
    return %arg0, %c0_i32 : i32, i32
  }
  func.func @transform_3(%arg0: i32) -> (i32, i32) {
    %c0_i32 = arith.constant 0 : i32
    %c0_i32_0 = arith.constant 0 : i32
    return %arg0, %c0_i32 : i32, i32
  }
  func.func @transform_4(%arg0: i32) -> (i32, i32) {
    %c0_i32 = arith.constant 0 : i32
    %c0_i32_0 = arith.constant 0 : i32
    %c0_i32_1 = arith.constant 0 : i32
    return %c0_i32, %c0_i32_0 : i32, i32
  }
  func.func @transform_5(%arg0: i32) -> (i32, i32) {
    %c0_i32 = arith.constant 0 : i32
    %c0_i32_0 = arith.constant 0 : i32
    %c0_i32_1 = arith.constant 0 : i32
    return %c0_i32, %c0_i32_0 : i32, i32
  }
  func.func @transform_6(%arg0: i32) -> (i32, i32) {
    %c0_i32 = arith.constant 0 : i32
    %c0_i32_0 = arith.constant 0 : i32
    %c0_i32_1 = arith.constant 0 : i32
    return %c0_i32, %c0_i32_0 : i32, i32
  }
  func.func @transform_7(%arg0: i32) -> (i32, i32) {
    %c0_i32 = arith.constant 0 : i32
    %c0_i32_0 = arith.constant 0 : i32
    %c0_i32_1 = arith.constant 0 : i32
    return %c0_i32, %c0_i32_0 : i32, i32
  }
  func.func @transform_8(%arg0: i32) -> (i32, i32) {
    %c0_i32 = arith.constant 0 : i32
    %c0_i32_0 = arith.constant 0 : i32
    %c0_i32_1 = arith.constant 0 : i32
    return %c0_i32, %c0_i32_0 : i32, i32
  }
  func.func @transform_9(%arg0: i32) -> (i32, i32) {
    %c0_i32 = arith.constant 0 : i32
    %c0_i32_0 = arith.constant 0 : i32
    %c0_i32_1 = arith.constant 0 : i32
    return %c0_i32, %c0_i32_0 : i32, i32
  }
  func.func @transform_10(%arg0: i32) -> (i32, i32) {
    %c0_i32 = arith.constant 0 : i32
    %c0_i32_0 = arith.constant 0 : i32
    %c0_i32_1 = arith.constant 0 : i32
    return %c0_i32, %c0_i32_0 : i32, i32
  }
  func.func @transform_11(%arg0: i32) -> (i32, i32) {
    %c0_i32 = arith.constant 0 : i32
    %c0_i32_0 = arith.constant 0 : i32
    %c0_i32_1 = arith.constant 0 : i32
    return %c0_i32, %c0_i32_0 : i32, i32
  }
  func.func @transform_12(%arg0: i32) -> (i32, i32) {
    %c0_i32 = arith.constant 0 : i32
    %c0_i32_0 = arith.constant 0 : i32
    %c0_i32_1 = arith.constant 0 : i32
    return %c0_i32, %c0_i32_0 : i32, i32
  }
  func.func @transform_13(%arg0: i32) -> (i32, i32) {
    %c0_i32 = arith.constant 0 : i32
    %c0_i32_0 = arith.constant 0 : i32
    %c0_i32_1 = arith.constant 0 : i32
    return %c0_i32, %c0_i32_0 : i32, i32
  }
  func.func @transform_14(%arg0: i32) -> (i32, i32) {
    %c0_i32 = arith.constant 0 : i32
    %c0_i32_0 = arith.constant 0 : i32
    return %c0_i32, %arg0 : i32, i32
  }
}

module attributes {stable_mosaic.version = 14 : i64} {
  func.func @_stats2_kernel(%arg0: i32, %arg1: memref<2048x128xf32, #tpu.memory_space<vmem>>, %arg2: memref<2048x128xf32, #tpu.memory_space<vmem>>, %arg3: memref<2x128xf32, #tpu.memory_space<vmem>>, %arg4: memref<2x128xf32, #tpu.memory_space<vmem>>) attributes {dimension_semantics = [#tpu.dimension_semantics<arbitrary>], iteration_bounds = array<i64: 8>, scalar_prefetch = 0 : i64, scratch_operands = 0 : i64, tpu.core_type = #tpu.core_type<tc>, window_params = [{transform_indices = @transform_0, window_bounds = array<i64: 2048, 128>}, {transform_indices = @transform_1, window_bounds = array<i64: 2048, 128>}, {pipeline_mode = #tpu.pipeline_mode<synchronous>, transform_indices = @transform_2, window_bounds = array<i64: 2, 128>}, {pipeline_mode = #tpu.pipeline_mode<synchronous>, transform_indices = @transform_3, window_bounds = array<i64: 2, 128>}]} {
    %eq3A = arith.constant 0 : i32
    %eq3A_0 = arith.cmpi eq, %arg0, %eq3A : i32
    %convert_element_type3A = arith.extui %eq3A_0 : i1 to i32
    %cond3A = arith.constant 0 : i32
    %cond3A_1 = arith.cmpi ne, %convert_element_type3A, %cond3A : i32
    scf.if %cond3A_1 {
      %broadcast_in_dim3A_31 = arith.constant 0.000000e+00 : f32
      %broadcast_in_dim3A_32 = vector.broadcast %broadcast_in_dim3A_31 : f32 to vector<2x128xf32>
      %swap3A_33 = arith.constant 0 : index
      %swap3A_34 = arith.constant 0 : index
      %swap3A_35 = vector.load %arg3[%swap3A_33, %swap3A_34] : memref<2x128xf32, #tpu.memory_space<vmem>>, vector<2x128xf32>
      tpu.vector_store %arg3[%swap3A_33, %swap3A_34], %broadcast_in_dim3A_32 {strides = array<i32>} : memref<2x128xf32, #tpu.memory_space<vmem>>, vector<2x128xf32>,
      %broadcast_in_dim3A_36 = arith.constant 0.000000e+00 : f32
      %broadcast_in_dim3A_37 = vector.broadcast %broadcast_in_dim3A_36 : f32 to vector<2x128xf32>
      %swap3A_38 = arith.constant 0 : index
      %swap3A_39 = arith.constant 0 : index
      %swap3A_40 = vector.load %arg4[%swap3A_38, %swap3A_39] : memref<2x128xf32, #tpu.memory_space<vmem>>, vector<2x128xf32>
      tpu.vector_store %arg4[%swap3A_38, %swap3A_39], %broadcast_in_dim3A_37 {strides = array<i32>} : memref<2x128xf32, #tpu.memory_space<vmem>>, vector<2x128xf32>,
    } else {
    }
    %get3A = arith.constant 0 : index
    %get3A_2 = arith.constant 0 : index
    %get3A_3 = vector.load %arg1[%get3A, %get3A_2] : memref<2048x128xf32, #tpu.memory_space<vmem>>, vector<2048x128xf32>
    %reduce_sum3A = arith.constant dense<0.000000e+00> : vector<128xf32>
    %reduce_sum3A_4 = vector.multi_reduction <add>, %get3A_3, %reduce_sum3A [0] : vector<2048x128xf32> to vector<128xf32>
    %broadcast_in_dim3A = vector.shape_cast %reduce_sum3A_4 : vector<128xf32> to vector<1x128xf32>
    %mul3A = arith.mulf %get3A_3, %get3A_3 : vector<2048x128xf32>
    %reduce_sum3A_5 = arith.constant dense<0.000000e+00> : vector<128xf32>
    %reduce_sum3A_6 = vector.multi_reduction <add>, %mul3A, %reduce_sum3A_5 [0] : vector<2048x128xf32> to vector<128xf32>
    %broadcast_in_dim3A_7 = vector.shape_cast %reduce_sum3A_6 : vector<128xf32> to vector<1x128xf32>
    %get3A_8 = arith.constant 0 : index
    %get3A_9 = arith.constant 0 : index
    %get3A_10 = vector.load %arg3[%get3A_8, %get3A_9] : memref<2x128xf32, #tpu.memory_space<vmem>>, vector<2x128xf32>
    %concatenate3A = tpu.concatenate %broadcast_in_dim3A, %broadcast_in_dim3A_7 in 0 : vector<1x128xf32>, vector<1x128xf32> -> vector<2x128xf32>
    %add3A = arith.addf %get3A_10, %concatenate3A : vector<2x128xf32>
    %swap3A = arith.constant 0 : index
    %swap3A_11 = arith.constant 0 : index
    %swap3A_12 = vector.load %arg3[%swap3A, %swap3A_11] : memref<2x128xf32, #tpu.memory_space<vmem>>, vector<2x128xf32>
    tpu.vector_store %arg3[%swap3A, %swap3A_11], %add3A {strides = array<i32>} : memref<2x128xf32, #tpu.memory_space<vmem>>, vector<2x128xf32>,
    %get3A_13 = arith.constant 0 : index
    %get3A_14 = arith.constant 0 : index
    %get3A_15 = vector.load %arg2[%get3A_13, %get3A_14] : memref<2048x128xf32, #tpu.memory_space<vmem>>, vector<2048x128xf32>
    %reduce_sum3A_16 = arith.constant dense<0.000000e+00> : vector<128xf32>
    %reduce_sum3A_17 = vector.multi_reduction <add>, %get3A_15, %reduce_sum3A_16 [0] : vector<2048x128xf32> to vector<128xf32>
    %broadcast_in_dim3A_18 = vector.shape_cast %reduce_sum3A_17 : vector<128xf32> to vector<1x128xf32>
    %mul3A_19 = arith.mulf %get3A_15, %get3A_15 : vector<2048x128xf32>
    %reduce_sum3A_20 = arith.constant dense<0.000000e+00> : vector<128xf32>
    %reduce_sum3A_21 = vector.multi_reduction <add>, %mul3A_19, %reduce_sum3A_20 [0] : vector<2048x128xf32> to vector<128xf32>
    %broadcast_in_dim3A_22 = vector.shape_cast %reduce_sum3A_21 : vector<128xf32> to vector<1x128xf32>
    %get3A_23 = arith.constant 0 : index
    %get3A_24 = arith.constant 0 : index
    %get3A_25 = vector.load %arg4[%get3A_23, %get3A_24] : memref<2x128xf32, #tpu.memory_space<vmem>>, vector<2x128xf32>
    %concatenate3A_26 = tpu.concatenate %broadcast_in_dim3A_18, %broadcast_in_dim3A_22 in 0 : vector<1x128xf32>, vector<1x128xf32> -> vector<2x128xf32>
    %add3A_27 = arith.addf %get3A_25, %concatenate3A_26 : vector<2x128xf32>
    %swap3A_28 = arith.constant 0 : index
    %swap3A_29 = arith.constant 0 : index
    %swap3A_30 = vector.load %arg4[%swap3A_28, %swap3A_29] : memref<2x128xf32, #tpu.memory_space<vmem>>, vector<2x128xf32>
    tpu.vector_store %arg4[%swap3A_28, %swap3A_29], %add3A_27 {strides = array<i32>} : memref<2x128xf32, #tpu.memory_space<vmem>>, vector<2x128xf32>,
    return
  }
  func.func @transform_0(%arg0: i32) -> (i32, i32) {
    %c0_i32 = arith.constant 0 : i32
    %c0_i32_0 = arith.constant 0 : i32
    return %arg0, %c0_i32 : i32, i32
  }
  func.func @transform_1(%arg0: i32) -> (i32, i32) {
    %c0_i32 = arith.constant 0 : i32
    %c0_i32_0 = arith.constant 0 : i32
    return %arg0, %c0_i32 : i32, i32
  }
  func.func @transform_2(%arg0: i32) -> (i32, i32) {
    %c0_i32 = arith.constant 0 : i32
    %c0_i32_0 = arith.constant 0 : i32
    %c0_i32_1 = arith.constant 0 : i32
    return %c0_i32, %c0_i32_0 : i32, i32
  }
  func.func @transform_3(%arg0: i32) -> (i32, i32) {
    %c0_i32 = arith.constant 0 : i32
    %c0_i32_0 = arith.constant 0 : i32
    %c0_i32_1 = arith.constant 0 : i32
    return %c0_i32, %c0_i32_0 : i32, i32
  }
}

module attributes {stable_mosaic.version = 14 : i64} {
  func.func @_stats2_kernel(%arg0: i32, %arg1: memref<2048x128xf32, #tpu.memory_space<vmem>>, %arg2: memref<2048x768xf32, #tpu.memory_space<vmem>>, %arg3: memref<2x128xf32, #tpu.memory_space<vmem>>, %arg4: memref<2x768xf32, #tpu.memory_space<vmem>>) attributes {dimension_semantics = [#tpu.dimension_semantics<arbitrary>], iteration_bounds = array<i64: 8>, scalar_prefetch = 0 : i64, scratch_operands = 0 : i64, tpu.core_type = #tpu.core_type<tc>, window_params = [{transform_indices = @transform_0, window_bounds = array<i64: 2048, 128>}, {transform_indices = @transform_1, window_bounds = array<i64: 2048, 768>}, {pipeline_mode = #tpu.pipeline_mode<synchronous>, transform_indices = @transform_2, window_bounds = array<i64: 2, 128>}, {pipeline_mode = #tpu.pipeline_mode<synchronous>, transform_indices = @transform_3, window_bounds = array<i64: 2, 768>}]} {
    %eq3A = arith.constant 0 : i32
    %eq3A_0 = arith.cmpi eq, %arg0, %eq3A : i32
    %convert_element_type3A = arith.extui %eq3A_0 : i1 to i32
    %cond3A = arith.constant 0 : i32
    %cond3A_1 = arith.cmpi ne, %convert_element_type3A, %cond3A : i32
    scf.if %cond3A_1 {
      %broadcast_in_dim3A_31 = arith.constant 0.000000e+00 : f32
      %broadcast_in_dim3A_32 = vector.broadcast %broadcast_in_dim3A_31 : f32 to vector<2x128xf32>
      %swap3A_33 = arith.constant 0 : index
      %swap3A_34 = arith.constant 0 : index
      %swap3A_35 = vector.load %arg3[%swap3A_33, %swap3A_34] : memref<2x128xf32, #tpu.memory_space<vmem>>, vector<2x128xf32>
      tpu.vector_store %arg3[%swap3A_33, %swap3A_34], %broadcast_in_dim3A_32 {strides = array<i32>} : memref<2x128xf32, #tpu.memory_space<vmem>>, vector<2x128xf32>,
      %broadcast_in_dim3A_36 = arith.constant 0.000000e+00 : f32
      %broadcast_in_dim3A_37 = vector.broadcast %broadcast_in_dim3A_36 : f32 to vector<2x768xf32>
      %swap3A_38 = arith.constant 0 : index
      %swap3A_39 = arith.constant 0 : index
      %swap3A_40 = vector.load %arg4[%swap3A_38, %swap3A_39] : memref<2x768xf32, #tpu.memory_space<vmem>>, vector<2x768xf32>
      tpu.vector_store %arg4[%swap3A_38, %swap3A_39], %broadcast_in_dim3A_37 {strides = array<i32>} : memref<2x768xf32, #tpu.memory_space<vmem>>, vector<2x768xf32>,
    } else {
    }
    %get3A = arith.constant 0 : index
    %get3A_2 = arith.constant 0 : index
    %get3A_3 = vector.load %arg1[%get3A, %get3A_2] : memref<2048x128xf32, #tpu.memory_space<vmem>>, vector<2048x128xf32>
    %reduce_sum3A = arith.constant dense<0.000000e+00> : vector<128xf32>
    %reduce_sum3A_4 = vector.multi_reduction <add>, %get3A_3, %reduce_sum3A [0] : vector<2048x128xf32> to vector<128xf32>
    %broadcast_in_dim3A = vector.shape_cast %reduce_sum3A_4 : vector<128xf32> to vector<1x128xf32>
    %mul3A = arith.mulf %get3A_3, %get3A_3 : vector<2048x128xf32>
    %reduce_sum3A_5 = arith.constant dense<0.000000e+00> : vector<128xf32>
    %reduce_sum3A_6 = vector.multi_reduction <add>, %mul3A, %reduce_sum3A_5 [0] : vector<2048x128xf32> to vector<128xf32>
    %broadcast_in_dim3A_7 = vector.shape_cast %reduce_sum3A_6 : vector<128xf32> to vector<1x128xf32>
    %get3A_8 = arith.constant 0 : index
    %get3A_9 = arith.constant 0 : index
    %get3A_10 = vector.load %arg3[%get3A_8, %get3A_9] : memref<2x128xf32, #tpu.memory_space<vmem>>, vector<2x128xf32>
    %concatenate3A = tpu.concatenate %broadcast_in_dim3A, %broadcast_in_dim3A_7 in 0 : vector<1x128xf32>, vector<1x128xf32> -> vector<2x128xf32>
    %add3A = arith.addf %get3A_10, %concatenate3A : vector<2x128xf32>
    %swap3A = arith.constant 0 : index
    %swap3A_11 = arith.constant 0 : index
    %swap3A_12 = vector.load %arg3[%swap3A, %swap3A_11] : memref<2x128xf32, #tpu.memory_space<vmem>>, vector<2x128xf32>
    tpu.vector_store %arg3[%swap3A, %swap3A_11], %add3A {strides = array<i32>} : memref<2x128xf32, #tpu.memory_space<vmem>>, vector<2x128xf32>,
    %get3A_13 = arith.constant 0 : index
    %get3A_14 = arith.constant 0 : index
    %get3A_15 = vector.load %arg2[%get3A_13, %get3A_14] : memref<2048x768xf32, #tpu.memory_space<vmem>>, vector<2048x768xf32>
    %reduce_sum3A_16 = arith.constant dense<0.000000e+00> : vector<768xf32>
    %reduce_sum3A_17 = vector.multi_reduction <add>, %get3A_15, %reduce_sum3A_16 [0] : vector<2048x768xf32> to vector<768xf32>
    %broadcast_in_dim3A_18 = vector.shape_cast %reduce_sum3A_17 : vector<768xf32> to vector<1x768xf32>
    %mul3A_19 = arith.mulf %get3A_15, %get3A_15 : vector<2048x768xf32>
    %reduce_sum3A_20 = arith.constant dense<0.000000e+00> : vector<768xf32>
    %reduce_sum3A_21 = vector.multi_reduction <add>, %mul3A_19, %reduce_sum3A_20 [0] : vector<2048x768xf32> to vector<768xf32>
    %broadcast_in_dim3A_22 = vector.shape_cast %reduce_sum3A_21 : vector<768xf32> to vector<1x768xf32>
    %get3A_23 = arith.constant 0 : index
    %get3A_24 = arith.constant 0 : index
    %get3A_25 = vector.load %arg4[%get3A_23, %get3A_24] : memref<2x768xf32, #tpu.memory_space<vmem>>, vector<2x768xf32>
    %concatenate3A_26 = tpu.concatenate %broadcast_in_dim3A_18, %broadcast_in_dim3A_22 in 0 : vector<1x768xf32>, vector<1x768xf32> -> vector<2x768xf32>
    %add3A_27 = arith.addf %get3A_25, %concatenate3A_26 : vector<2x768xf32>
    %swap3A_28 = arith.constant 0 : index
    %swap3A_29 = arith.constant 0 : index
    %swap3A_30 = vector.load %arg4[%swap3A_28, %swap3A_29] : memref<2x768xf32, #tpu.memory_space<vmem>>, vector<2x768xf32>
    tpu.vector_store %arg4[%swap3A_28, %swap3A_29], %add3A_27 {strides = array<i32>} : memref<2x768xf32, #tpu.memory_space<vmem>>, vector<2x768xf32>,
    return
  }
  func.func @transform_0(%arg0: i32) -> (i32, i32) {
    %c0_i32 = arith.constant 0 : i32
    %c0_i32_0 = arith.constant 0 : i32
    return %arg0, %c0_i32 : i32, i32
  }
  func.func @transform_1(%arg0: i32) -> (i32, i32) {
    %c0_i32 = arith.constant 0 : i32
    %c0_i32_0 = arith.constant 0 : i32
    return %arg0, %c0_i32 : i32, i32
  }
  func.func @transform_2(%arg0: i32) -> (i32, i32) {
    %c0_i32 = arith.constant 0 : i32
    %c0_i32_0 = arith.constant 0 : i32
    %c0_i32_1 = arith.constant 0 : i32
    return %c0_i32, %c0_i32_0 : i32, i32
  }
  func.func @transform_3(%arg0: i32) -> (i32, i32) {
    %c0_i32 = arith.constant 0 : i32
    %c0_i32_0 = arith.constant 0 : i32
    %c0_i32_1 = arith.constant 0 : i32
    return %c0_i32, %c0_i32_0 : i32, i32
  }
}

</mosaic_0001>

<sc_bundles>
// kernel: kernel.11.cloned.1.call-start
scs
__scs_entry_jumppad:
0x0: {  	(pc) =	sbr.rel $0x88, $3  }
0x1: {  	(tag) =	ssettag $0x0;
	lr =	simm.s32 $0x1  }
0x2: {  	[smem:$0x3F93] =	sst lr;
	_ =	strace $0xD0000000  }
0x3: {  	_ = 	snop  }
0x4: {  	_ = 	snop  }
0x5: {  	_ = 	snop  }
0x6: {  	_ = 	snop  }
0x7: {  	_ = 	snop  }
__scs_overlays_trampoline_lowered:
0x8: {  	[smem:$0x3FA2] =	sst s0  }
0x9: {  	[smem:$0x3FA3] =	sst s1  }
0xa: {  	[smem:$0x3FA4] =	sst s2  }
0xb: {  	[smem:$0x3FA5] =	sst s3  }
0xc: {  	[smem:$0x3FA6] =	sst s4  }
0xd: {  	[smem:$0x3FA7] =	sst s5  }
0xe: {  	[smem:$0x3FA8] =	sst s6  }
0xf: {  	[smem:$0x3FA9] =	sst s7  }
0x10: {  	[smem:$0x3FAA] =	sst s8  }
0x11: {  	[smem:$0x3FAB] =	sst s9;
	s0 =	simm.s32 @!p0 $0x0  }
0x12: {  	s1 =	sld [smem:$0x3F91];
	s0 =	simm.s32 @p0 $0x1  }
0x13: {  	[smem:$0x3FAC] =	sst s0;
	s0 =	simm.s32 @!p1 $0x0  }
0x14: {  	s2 =	sld [smem:$0x3F90];
	s0 =	simm.s32 @p1 $0x1  }
0x15: {  	[smem:$0x3FAD] =	sst s0;
	s0 =	simm.s32 @!p2 $0x0  }
0x16: {  	s3 =	sld [smem:$0x3FDB];
	s0 =	simm.s32 @p2 $0x1  }
0x17: {  	s4 =	simm.s32 $0x1BF5;
	[smem:$0x3FAF] =	sst s0  }
0x18: {  	s0 =	sld [smem:$0x3F92];
	_ =	swait.ge [sflag:s4], $0x0  }
0x19: {  	s7 =	sld [smem:$0x3F93]  }
0x1a: {  	s8 =	sadd.s32 $0xFFFFE003, lr  }
0x1b: {  	s9 =	sadd.s32 $0xFFFFFEF7, lr;
	s5 =	simm.s32 $0xFFFFFFFF;
	p2 =	slt.u32 s8, $0xFFFFF086  }
0x1c: {  	p1 =	slt.u32 s9, $0xF7A;
	s5 =	simm.s32 @!p2 $0x0  }
0x1d: {  	s5 =	simm.s32 @p1 $0x1;
	p0 =	seq.s32 s7, s2  }
0x1e: {  	s7 =	smul.u32 @!p0 $0xF7A, s2;
	p2 =	seq.s32 @!p0 s5, $0x0  }
0x1f: {  	s9 =	smul.u32 $0xF7A, s1;
	s8 =	simm.s32 @!p0 $0x1BF5;
	p2 =	por !p2, p0  }
0x20: {  	[sflag:s8] =	ssyncset.s32 @!p0 $0xFFFFF086;
	s6 =	sadd.s32 @!p0 s3, s7;
	s7 =	simm.s32 @!p0 $0x108  }
0x21: {  	s3 =	sadd.s32 s3, s9;
	s6 =	sadd.s32 @!p0 $0x88, s6;
	s7 =	simm.s32 @p2 $0x1082  }
0x22: {  	[simem:s7], [sflag:s8] =	dma.local @!p0 [hbm:s6], $0xF7A  }
0x23: {  	s9 =	sor.u32 $0xD0000000, s2;
	s6 =	simm.s32 $0x108;
	_ =	swait.ge @!p0 [sflag:s8], $0x0  }
0x24: {  	s3 =	sadd.s32 $0x88, s3;
	s6 =	simm.s32 @!p1 $0x1082;
	[sflag:s4] =	ssyncset.s32 $0xFFFFF086  }
0x25: {  	[simem:s6], [sflag:s4] =	dma.local [hbm:s3], $0xF7A  }
0x26: {  	[smem:$0x3F93] =	sst s1;
	(tag) =	ssettag s2;
	_ =	strace s9  }
0x27: {  	s1 =	sld [smem:$0x3FA3]  }
0x28: {  	s2 =	sld [smem:$0x3FA4]  }
0x29: {  	s4 =	sld [smem:$0x3FA6]  }
0x2a: {  	p0 =	seq.s32 s5, $0x0;
	s5 =	sld [smem:$0x3FA7]  }
0x2b: {  	s6 =	sld [smem:$0x3FA8]  }
0x2c: {  	s7 =	sld [smem:$0x3FA9]  }
0x2d: {  	s3 =	simm.s32 $0x108;
	s8 =	sld [smem:$0x3FAA]  }
0x2e: {  	s3 =	simm.s32 @!p0 $0x1082;
	s9 =	sld [smem:$0x3FAB]  }
0x2f: {  	lr =	sadd.s32 s0, s3;
	s0 =	sld [smem:$0x3FA2]  }
0x30: {  	s3 =	sld [smem:$0x3FA5]  }
0x31: {  	[smem:$0x3FAE] =	sst s10  }
0x32: {  	s10 =	sld [smem:$0x3FAC];
	_ =	sdelay $0x3  }
0x33: {  	p0 =	seq.s32 s10, $0x1;
	s10 =	sld [smem:$0x3FAE];
	_ =	sdelay $0x3  }
0x34: {  	[smem:$0x3FAE] =	sst s10  }
0x35: {  	s10 =	sld [smem:$0x3FAD];
	_ =	sdelay $0x3  }
0x36: {  	p1 =	seq.s32 s10, $0x1;
	s10 =	sld [smem:$0x3FAE];
	_ =	sdelay $0x3  }
0x37: {  	[smem:$0x3FAE] =	sst s10  }
0x38: {  	s10 =	sld [smem:$0x3FAF]  }
0x39: {  	_ = 	snop;
	(pc) =	sbr.ind lr, $3  }
0x3a: {  	_ = 	snop  }
0x3b: {  	_ = 	snop  }
0x3c: {  	p2 =	seq.s32 s10, $0x1;
	s10 =	sld [smem:$0x3FAE]  }
0x3d: {  	_ =	shalt  }
0x3e: {  	_ =	shalt  }
0x3f: {  	_ =	shalt  }
0x40: {  	_ =	shalt  }
0x41: {  	_ =	shalt  }
0x42: {  	_ =	shalt  }
0x43: {  	_ =	shalt  }
0x44: {  	_ =	shalt  }
0x45: {  	_ =	shalt  }
0x46: {  	_ =	shalt  }
0x47: {  	_ =	shalt  }
0x48: {  	_ =	shalt  }
0x49: {  	_ =	shalt  }
0x4a: {  	_ =	shalt  }
0x4b: {  	_ =	shalt  }
0x4c: {  	_ =	shalt  }
0x4d: {  	_ =	shalt  }
0x4e: {  	_ =	shalt  }
0x4f: {  	_ =	shalt  }
0x50: {  	_ =	shalt  }
0x51: {  	_ =	shalt  }
0x52: {  	_ =	shalt  }
0x53: {  	_ =	shalt  }
0x54: {  	_ =	shalt  }
0x55: {  	_ =	shalt  }
0x56: {  	_ =	shalt  }
0x57: {  	_ =	shalt  }
0x58: {  	_ =	shalt  }
0x59: {  	_ =	shalt  }
0x5a: {  	_ =	shalt  }
0x5b: {  	_ =	shalt  }
0x5c: {  	_ =	shalt  }
0x5d: {  	_ =	shalt  }
0x5e: {  	_ =	shalt  }
0x5f: {  	_ =	shalt  }
0x60: {  	_ =	shalt  }
0x61: {  	_ =	shalt  }
0x62: {  	_ =	shalt  }
0x63: {  	_ =	shalt  }
0x64: {  	_ =	shalt  }
0x65: {  	_ =	shalt  }
0x66: {  	_ =	shalt  }
0x67: {  	_ =	shalt  }
0x68: {  	_ =	shalt  }
0x69: {  	_ =	shalt  }
0x6a: {  	_ =	shalt  }
0x6b: {  	_ =	shalt  }
0x6c: {  	_ =	shalt  }
0x6d: {  	_ =	shalt  }
0x6e: {  	_ =	shalt  }
0x6f: {  	_ =	shalt  }
0x70: {  	_ =	shalt  }
0x71: {  	_ =	shalt  }
0x72: {  	_ =	shalt  }
0x73: {  	_ =	shalt  }
0x74: {  	_ =	shalt  }
0x75: {  	_ =	shalt  }
0x76: {  	_ =	shalt  }
0x77: {  	_ =	shalt  }
0x78: {  	_ =	shalt  }
0x79: {  	_ =	shalt  }
0x7a: {  	_ =	shalt  }
0x7b: {  	_ =	shalt  }
0x7c: {  	_ =	shalt  }
0x7d: {  	_ =	shalt  }
0x7e: {  	_ =	shalt  }
0x7f: {  	_ =	shalt  }
0x80: {  	_ =	shalt  }
0x81: {  	_ =	shalt  }
0x82: {  	_ =	shalt  }
0x83: {  	_ =	shalt  }
0x84: {  	_ =	shalt  }
0x85: {  	_ =	shalt  }
0x86: {  	_ =	shalt  }
0x87: {  	_ =	shalt  }
.Lfunc_end0:
.L_simem_size_0:
called_computation.1_lowered:
.L_overlay_start_0:
0x88: {  	s2 =	sld [smem:$0x3FD9]  }
0x89: {  	s3 =	sld [smem:$0x3FFE];
	_ =	sdelay $0x1  }
0x8a: {  	s1 =	srdreg.scid  }
0x8b: {  	s0 =	sand.u32 $0x1, s1  }
0x8c: {  	s17 =	sshll.u32 s0, $0xA;
	s2 =	sadd.s32 s3, s2  }
0x8d: {  	s2 =	sadd.s32 s2, s17  }
0x8e: {  	[smem:$0x3FBA] =	sst s2  }
0x8f: {  	_ = 	snop  }
0x90: {  	s18 =	sld [smem:$0x3FC9]  }
0x91: {  	s4 =	sld [smem:$0x3FC6]  }
0x92: {  	s5 =	sld [smem:$0x3FC5]  }
0x93: {  	s6 =	sld [smem:$0x3FC2];
	(tm) =	ssettm $0x1  }
0x94: {  	s19 =	sld [smem:$0x3FFB];
	_ =	sdelay $0x3  }
0x95: {  	_ =	strace s19  }
0x96: {  	s2 =	sld [smem:$0x3FFC];
	_ =	sdelay $0x3  }
0x97: {  	_ =	strace s2  }
0x98: {  	s2 =	sld [smem:$0x3FFD];
	_ =	sdelay $0x3  }
0x99: {  	_ =	strace s2  }
0x9a: {  	_ =	strace $0x8FFFFFFF  }
0x9b: {  	s20 =	sld [smem:$0x3FDB];
	_ =	sdelay $0x1  }
0x9c: {  	s7 =	simm.s32 $_scs_section_size  }
0x9d: {  	s8 =	simm.s32 $_size__tile_overlayer_lowered;
	s9 =	simm.s32 $_tile_overlayer_lowered  }
0x9e: {  	s10 =	simm.s32 $0x1BFF;
	s21 =	sshll.u32 s9, $0x1;
	s7 =	sadd.s32 s7, s20  }
0x9f: {  	s22 =	simm.s32 $0x0;
	s8 =	sshll.u32 s8, $0x1;
	s9 =	sadd.s32 s21, s7  }
0xa0: {  	[timem:s22], [sflag:s10] =	dma.local [hbm:s9], s8  }
0xa1: {  	_ =	swait.ge [sflag:s10], s8  }
0xa2: {  	s8 =	ssub.s32 $0x0, s8;
	[sflag:s10] =	ssyncset.done $0x0  }
0xa3: {  	[sflag:s10] =	ssyncadd.s32 s8;
	_ =	sdelay $0x1  }
0xa4: {  	s23 =	simm.s32 $0x1B8B  }
0xa5: {  	_ =	swait.ge [sflag:s23], $0x1  }
0xa6: {  	[sflag:s23] =	ssyncset.done $0x0  }
0xa7: {  	[sflag:s23] =	ssyncadd.s32 $0xFFFFFFFF  }
0xa8: {  	s8 =	sld [smem:$0x0]  }
0xa9: {  	s9 =	sand.u32 $0xFFFFFFFE, s1  }
0xaa: {  	p0 =	sne.s32 s1, s9  }
0xab: {  	s9 =	sshll.u32 @p0 s9, $0xE  }
0xac: {  	s9 =	sadd.s32 @p0 $0x11B8D, s9;
	s10 =	sshll.u32 @p0 s8, $0x11  }
0xad: {  	s9 =	sor.u32 @p0 s10, s9  }
0xae: {  	[sflag:s9] =	ssyncadd.remote.s32 @p0 $0x1;
	_ =	sdelay $0x1  }
0xaf: {  	s9 =	simm.s32 @p0 $0x1B8D  }
0xb0: {  	_ =	swait.eq @p0 [sflag:s9], $0x1  }
0xb1: {  	[sflag:s9] =	ssyncadd.s32 @p0 $0xFFFFFFFF  }
0xb2: {  	s10 =	sshll.u32 @!p0 s1, $0xE  }
0xb3: {  	s10 =	sor.u32 @!p0 $0x4000, s10;
	s9 =	simm.s32 @!p0 $0x1B8D  }
0xb4: {  	s8 =	sshll.u32 @!p0 s8, $0x11;
	s10 =	sadd.s32 @!p0 $0x11B8D, s10;
	_ =	swait.eq @!p0 [sflag:s9], $0x1  }
0xb5: {  	s8 =	sor.u32 @!p0 s8, s10;
	[sflag:s9] =	ssyncadd.s32 @!p0 $0xFFFFFFFF  }
0xb6: {  	s25 =	simm.s32 $0x1B8E;
	s24 =	sld [smem:$0x3FFE];
	[sflag:s8] =	ssyncadd.remote.s32 @!p0 $0x1  }
0xb7: {  	s26 =	simm.s32 $execute0_lowered;
	[smem:$0x3FD2] =	sst s25  }
0xb8: {  	s9 =	sshll.u32 s26, $0x1;
	_ =	strace $0x80000049;
	[dreg:$0x1] =	wrdreg $0xFFFFFFFF  }
0xb9: {  	s28 =	simm.s32 $_size_execute0_lowered;
	s7 =	sadd.s32 s7, s9;
	[dreg:$0x0] =	wrdreg $0x0  }
0xba: {  	s9 =	sshll.u32 s28, $0x1;
	[dreg:$0x2] =	wrdreg s7  }
0xbb: {  	[dreg:$0x3] =	wrdreg s9  }
0xbc: {  	[dreg:$0x4] =	wrdreg $0xC0  }
0xbd: {  	_ =	task [dreg:s22], $0x5FFFF  }
0xbe: {  	[dreg:$0x1] =	wrdreg $0xFFFFFFFF  }
0xbf: {  	[dreg:$0x0] =	wrdreg $0x60  }
0xc0: {  	[dreg:$0x2] =	wrdreg s18  }
0xc1: {  	[dreg:$0x3] =	wrdreg s4  }
0xc2: {  	[dreg:$0x4] =	wrdreg s5  }
0xc3: {  	[dreg:$0x5] =	wrdreg s6  }
0xc4: {  	[dreg:$0x6] =	wrdreg s24  }
0xc5: {  	[dreg:$0x7] =	wrdreg $0xA  }
0xc6: {  	_ =	task.clear_ibuf [dreg:s22], $0x8FFFF;
	_ =	strace $0x90000049  }
0xc7: {  	s29 =	simm.s32 $0xA;
	_ =	strace $0x8000004B  }
0xc8: {  	_ =	swait.ge [sflag:s29], $0x1  }
0xc9: {  	[sflag:s29] =	ssyncadd.s32 $0xFFFFFFFF  }
0xca: {  	_ =	strace $0x9000004B  }
0xcb: {  	_ =	sfence  }
0xcc: {  	s30 =	sld [smem:$0x0];
	_ =	sdelay $0x2  }
0xcd: {  	s31 =	sshll.u32 s1, $0xD;
	s1 =	sshrl.u32 s1, $0x2  }
0xce: {  	s4 =	sand.u32 $0x4000, s31;
	s1 =	sadd.s32 s1, s30  }
0xcf: {  	s0 =	sor.u32 s4, s0;
	s1 =	sshll.u32 s1, $0x11  }
0xd0: {  	s0 =	sor.u32 s1, s0  }
0xd1: {  	s0 =	sadd.s32 $0x8F2B, s0  }
0xd2: {  	[sflag:s0] =	ssyncadd.remote.s32 $0x1  }
0xd3: {  	_ =	sfence.sel $0xFFFF  }
0xd4: {  	[dreg:$0x0] =	wrdreg $0xFFFFFFFF;
	(pc) =	sbr.abs _section_cstart, $3  }
0xd5: {  	[dreg:$0x1] =	wrdreg $0xFFFFFFFF  }
0xd6: {  	_ =	task.clear_ibuf [dreg:s22], $0x2FFFF;
	_ =	strace $0x9FFFFFFF  }
0xd7: {  	(tm) =	ssettm $0x7FFFFFFF  }
tec
execute0_lowered:
.L_overlay_start_1:
0x0: {  	(tag) =	ssettag $0x1  }
0x1: {  	s0 =	rddreg [dreg:$0x0];
	s2 =	srdreg.scid  }
0x2: {  	s1 =	rddreg [dreg:$0x1];
	s4 =	stileid.u32;
	s2 =	sand.u32 $0x1, s2  }
0x3: {  	s3 =	rddreg [dreg:$0x3];
	s6 =	sshll.u32 s4, $0xA;
	s7 =	sshll.u32 s2, $0x9  }
0x4: {  	s5 =	rddreg [dreg:$0x4];
	s4 =	simm.s32 $0x0;
	s6 =	sor.u32 s7, s6  }
0x5: {  	s8 =	sadd.s32 $0x146600, s5;
	[smem:$0x7FF] =	sst s4;
	s7 =	sshrl.u32 s6, $0x3  }
0x6: {  	_ =	strace $0x8000004A;
	s17 =	sshll.u32 s6, $0x4;
	s0 =	sadd.s32 s0, s7  }
0x7: {  	s16 =	sadd.s32 s1, s7;
	s18 =	sor.u32 $0x10, s7;
	s19 =	sadd.s32 s8, s17  }
0x8: {  	s22 =	sor.u32 $0x20, s7;
	s10 =	sor.u32 $0x30, s7;
	[dreg:$0x6] =	wrdreg s0  }
0x9: {  	s11 =	smul.u32 $0x300, s7;
	[dreg:$0x7] =	wrdreg s16;
	s20 =	sshll.u32 s18, $0x7  }
0xa: {  	[dreg:$0x8] =	wrdreg s19;
	s9 =	sshll.u32 s22, $0x7;
	s21 =	sadd.s32 s8, s20  }
0xb: {  	s24 =	sshll.u32 s10, $0x7;
	s23 =	sadd.s32 s8, s9;
	[dreg:$0x9] =	wrdreg s21  }
0xc: {  	s5 =	sadd.s32 $0x186600, s5;
	s25 =	sadd.s32 s8, s24;
	[dreg:$0xa] =	wrdreg s23  }
0xd: {  	s26 =	sadd.s32 s5, s11;
	[dreg:$0xb] =	wrdreg s25  }
0xe: {  	s28 =	sadd.s32 $0xC00, s26;
	[dreg:$0x1e] =	wrdreg s26  }
0xf: {  	s6 =	smul.u32 $0x300, s18;
	s29 =	sadd.s32 $0x1800, s26;
	[dreg:$0xc] =	wrdreg s28  }
0x10: {  	s7 =	smul.u32 $0x1800, s7;
	s31 =	sadd.s32 $0x2400, s26;
	[dreg:$0xd] =	wrdreg s29  }
0x11: {  	s1 =	smul.u32 $0x300, s22;
	s9 =	sadd.s32 s5, s6;
	[dreg:$0xe] =	wrdreg s31  }
0x12: {  	s19 =	smul.u32 $0x300, s10;
	s12 =	sadd.s32 $0x3C00, s26;
	[dreg:$0xf] =	wrdreg s9  }
0x13: {  	s11 =	sshrl.u32 s7, $0x3;
	s16 =	sadd.s32 s5, s1;
	[dreg:$0x10] =	wrdreg s12  }
0x14: {  	s13 =	sadd.s32 s5, s11;
	s22 =	sadd.s32 s5, s19;
	[dreg:$0x13] =	wrdreg s16  }
0x15: {  	s30 =	simm.s32 $0xE400;
	s14 =	sadd.s32 $0x4800, s13;
	[dreg:$0x17] =	wrdreg s22  }
0x16: {  	s2 =	ssub.s32 $0x2, s2;
	s15 =	sadd.s32 $0x5400, s13;
	[dreg:$0x11] =	wrdreg s14  }
0x17: {  	s0 =	simm.s32 $0x3;
	s17 =	sadd.s32 $0x6C00, s13;
	[dreg:$0x12] =	wrdreg s15  }
0x18: {  	s7 =	sadd.s32 $0x200, s3;
	s18 =	sadd.s32 $0x7800, s13;
	[dreg:$0x14] =	wrdreg s17  }
0x19: {  	s21 =	sshrl.u32 s2, $0x1;
	s20 =	sadd.s32 $0x8400, s13;
	[dreg:$0x15] =	wrdreg s18  }
0x1a: {  	s6 =	sadd.s32 $0x100, s3;
	s24 =	sadd.s32 $0x9C00, s13;
	[dreg:$0x16] =	wrdreg s20  }
0x1b: {  	s23 =	ssub.s32 s2, s21;
	s25 =	sadd.s32 $0xA800, s13;
	[dreg:$0x18] =	wrdreg s24  }
0x1c: {  	s26 =	sadd.s32 $0xB400, s13;
	s28 =	simm.s32 $0x200;
	[dreg:$0x19] =	wrdreg s25  }
0x1d: {  	s9 =	simm.s32 $0x4;
	s29 =	simm.s32 $0x100;
	[dreg:$0x1a] =	wrdreg s26  }
0x1e: {  	v2 =	vlaneseq.u32;
	s13 =	simm.s32 $0x1;
	s31 =	simm.s32 $0x180;
	[dreg:$0x1b] =	wrdreg s28  }
0x1f: {  	vm0 =	vmmov $0xffff;
	v1 =	vshrl.u32 v2, $0x3;
	s2 =	simm.s32 $0x14400;
	s8 =	smax.u32 s23, $0x1;
	[dreg:$0x1c] =	wrdreg s29  }
0x20: {  	v0 =	vand.u32 $0x7, v2;
	v2 =	vor.u32 $0x8, v2;
	v1 =	vmul.u32 $0x8, v1;
	s14 =	simm.s32 $0x2;
	[dreg:$0x1d] =	wrdreg s31;
	s15 =	simm.s32 $0x8400  }
.LBB2_1:
0x21: {  	s5 =	rddreg [dreg:$0x6]  }
0x22: {  	[tilespmem:s4], [sflag:$0x4] =	stream.linear.gather [hbm4b:s5+s4], $0x200, $0x38;
	[tilespmem:$0x1A400] =	vst v63  }
0x23: {  	_ =	swait.ge [sflag:s9], $0x200  }
0x24: {  	s24 =	rddreg [dreg:$0x7];
	[sflag:s9] =	ssyncset.done $0x0  }
0x25: {  	s1 =	rddreg [dreg:$0x1b];
	[sflag:s9] =	ssyncadd.s32 $0xFFFFFE00  }
0x26: {  	[tilespmem:s1], [sflag:$0x4] =	stream.linear.gather [hbm4b:s24+s4], $0x200, $0x38;
	[tilespmem:$0x1A400] =	vst v63  }
0x27: {  	_ =	swait.ge [sflag:s9], $0x200  }
0x28: {  	[sflag:s9] =	ssyncset.done $0x0  }
0x29: {  	[sflag:s9] =	ssyncadd.s32 $0xFFFFFE00  }
0x2a: {  	s10 =	simm.s32 $0x80;
	s11 =	simm.s32 $0x400;
	s25 =	rddreg [dreg:$0x2]  }
0x2b: {  	[tilespmem:s11], [sflag:$0x1] =	stream.indirect.gather [hbm4b:s25+s10], $0x80, s4, s10, $0xb8;
	[tilespmem:$0x1A400] =	vst v63  }
0x2c: {  	s12 =	simm.s32 $0x4400  }
0x2d: {  	[tilespmem:s12], [sflag:$0x2] =	stream.indirect.gather [hbm4b:s25+s10], $0x80, s10, s10, $0xb8;
	[tilespmem:$0x1A400] =	vst v63  }
0x2e: {  	_ =	swait.ge [sflag:s13], $0x4000  }
0x2f: {  	[sflag:s13] =	ssyncset.done $0x0  }
0x30: {  	s26 =	rddreg [dreg:$0x8];
	[sflag:s13] =	ssyncadd.s32 $0xFFFFC000  }
0x31: {  	[hbm4b:s26+s4] =	stream.linear.scatter [tilespmem:s11], [sflag:$0x4], $0x4000, $0x38;
	[tilespmem:$0x1A400] =	vst v63  }
0x32: {  	_ =	swait.ge [sflag:s9], $0x4000  }
0x33: {  	[sflag:s9] =	ssyncset.done $0x0  }
0x34: {  	s28 =	rddreg [dreg:$0x1c];
	[sflag:s9] =	ssyncadd.s32 $0xFFFFC000  }
0x35: {  	[tilespmem:s11], [sflag:$0x1] =	stream.indirect.gather [hbm4b:s25+s10], $0x80, s28, s10, $0xb8;
	[tilespmem:$0x1A400] =	vst v63  }
0x36: {  	_ =	swait.ge [sflag:s14], $0x4000  }
0x37: {  	[sflag:s14] =	ssyncset.done $0x0  }
0x38: {  	s29 =	rddreg [dreg:$0x9];
	[sflag:s14] =	ssyncadd.s32 $0xFFFFC000  }
0x39: {  	[hbm4b:s29+s4] =	stream.linear.scatter [tilespmem:s12], [sflag:$0x4], $0x4000, $0x38;
	[tilespmem:$0x1A400] =	vst v63  }
0x3a: {  	_ =	swait.ge [sflag:s9], $0x4000  }
0x3b: {  	[sflag:s9] =	ssyncset.done $0x0  }
0x3c: {  	s31 =	rddreg [dreg:$0x1d];
	[sflag:s9] =	ssyncadd.s32 $0xFFFFC000  }
0x3d: {  	[tilespmem:s12], [sflag:$0x2] =	stream.indirect.gather [hbm4b:s25+s10], $0x80, s31, s10, $0xb8;
	[tilespmem:$0x1A400] =	vst v63  }
0x3e: {  	_ =	swait.ge [sflag:s13], $0x4000  }
0x3f: {  	[sflag:s13] =	ssyncset.done $0x0  }
0x40: {  	s5 =	rddreg [dreg:$0xa];
	[sflag:s13] =	ssyncadd.s32 $0xFFFFC000  }
0x41: {  	[hbm4b:s5+s4] =	stream.linear.scatter [tilespmem:s11], [sflag:$0x4], $0x4000, $0x38;
	[tilespmem:$0x1A400] =	vst v63  }
0x42: {  	_ =	swait.ge [sflag:s9], $0x4000  }
0x43: {  	[sflag:s9] =	ssyncset.done $0x0  }
0x44: {  	[sflag:s9] =	ssyncadd.s32 $0xFFFFC000  }
0x45: {  	_ =	swait.ge [sflag:s14], $0x4000  }
0x46: {  	[sflag:s14] =	ssyncset.done $0x0  }
0x47: {  	s10 =	rddreg [dreg:$0xb];
	[sflag:s14] =	ssyncadd.s32 $0xFFFFC000  }
0x48: {  	[hbm4b:s10+s4] =	stream.linear.scatter [tilespmem:s12], [sflag:$0x4], $0x4000, $0x38;
	[tilespmem:$0x1A400] =	vst v63  }
0x49: {  	_ =	swait.ge [sflag:s9], $0x4000  }
0x4a: {  	[sflag:s9] =	ssyncset.done $0x0  }
0x4b: {  	[sflag:s9] =	ssyncadd.s32 $0xFFFFC000  }
0x4c: {  	v3 =	vld [tilespmem:$0x200];
	_ =	sdelay $0x4  }
0x4d: {  	v4 =	vshrl.u32 v3, $0x3  }
0x4e: {  	v4 =	vmul.u32 $0x30, v4  }
0x4f: {  	v3 =	vand.u32 $0x7, v3  }
0x50: {  	v3 =	vor.u32 v3, v4  }
0x51: {  	v4 =	vperm.xlane v3, v0;
	_ =	sdelay $0x1  }
0x52: {  	v4 =	vadd.s32 v1, v4;
	_ =	sdelay $0x3  }
0x53: {  	v3 =	vperm.xlane v3, v2  }
0x54: {  	[tilespmem:s15], [sflag:$0x1] =	stream.indirect_vreg.gather [hbm4b:s3+s4], $0x80, v4, vm0, $0xb8;
	[tilespmem:$0x1A400] =	vst v63  }
0x55: {  	s11 =	simm.s32 $0x8C00;
	v3 =	vadd.s32 v1, v3  }
0x56: {  	[tilespmem:s11], [sflag:$0x1] =	stream.indirect_vreg.gather [hbm4b:s6+s4], $0x80, v4, vm0, $0xb8;
	[tilespmem:$0x1A400] =	vst v63  }
0x57: {  	s12 =	simm.s32 $0x9400  }
0x58: {  	[tilespmem:s12], [sflag:$0x1] =	stream.indirect_vreg.gather [hbm4b:s7+s4], $0x80, v4, vm0, $0xb8;
	[tilespmem:$0x1A400] =	vst v63  }
0x59: {  	s16 =	simm.s32 $0x9C00  }
0x5a: {  	[tilespmem:s16], [sflag:$0x1] =	stream.indirect_vreg.gather [hbm4b:s3+s4], $0x80, v3, vm0, $0xb8;
	[tilespmem:$0x1A400] =	vst v63  }
0x5b: {  	s17 =	simm.s32 $0xA400  }
0x5c: {  	[tilespmem:s17], [sflag:$0x1] =	stream.indirect_vreg.gather [hbm4b:s6+s4], $0x80, v3, vm0, $0xb8;
	[tilespmem:$0x1A400] =	vst v63  }
0x5d: {  	s18 =	simm.s32 $0xAC00  }
0x5e: {  	[tilespmem:s18], [sflag:$0x1] =	stream.indirect_vreg.gather [hbm4b:s7+s4], $0x80, v3, vm0, $0xb8;
	[tilespmem:$0x1A400] =	vst v63  }
0x5f: {  	v3 =	vld [tilespmem:$0x210];
	_ =	sdelay $0x4  }
0x60: {  	v33 =	vshrl.u32 v3, $0x3  }
0x61: {  	v4 =	vmul.u32 $0x30, v33  }
0x62: {  	v3 =	vand.u32 $0x7, v3  }
0x63: {  	v3 =	vor.u32 v3, v4  }
0x64: {  	v4 =	vperm.xlane v3, v0;
	_ =	sdelay $0x1  }
0x65: {  	v4 =	vadd.s32 v1, v4;
	_ =	sdelay $0x3  }
0x66: {  	s19 =	simm.s32 $0xB400;
	v3 =	vperm.xlane v3, v2  }
0x67: {  	[tilespmem:s19], [sflag:$0x1] =	stream.indirect_vreg.gather [hbm4b:s3+s4], $0x80, v4, vm0, $0xb8;
	[tilespmem:$0x1A400] =	vst v63  }
0x68: {  	s20 =	simm.s32 $0xBC00;
	v3 =	vadd.s32 v1, v3  }
0x69: {  	[tilespmem:s20], [sflag:$0x1] =	stream.indirect_vreg.gather [hbm4b:s6+s4], $0x80, v4, vm0, $0xb8;
	[tilespmem:$0x1A400] =	vst v63  }
0x6a: {  	s22 =	simm.s32 $0xC400  }
0x6b: {  	[tilespmem:s22], [sflag:$0x1] =	stream.indirect_vreg.gather [hbm4b:s7+s4], $0x80, v4, vm0, $0xb8;
	[tilespmem:$0x1A400] =	vst v63  }
0x6c: {  	s23 =	simm.s32 $0xCC00  }
0x6d: {  	[tilespmem:s23], [sflag:$0x1] =	stream.indirect_vreg.gather [hbm4b:s3+s4], $0x80, v3, vm0, $0xb8;
	[tilespmem:$0x1A400] =	vst v63  }
0x6e: {  	s24 =	simm.s32 $0xD400  }
0x6f: {  	[tilespmem:s24], [sflag:$0x1] =	stream.indirect_vreg.gather [hbm4b:s6+s4], $0x80, v3, vm0, $0xb8;
	[tilespmem:$0x1A400] =	vst v63  }
0x70: {  	s25 =	simm.s32 $0xDC00  }
0x71: {  	[tilespmem:s25], [sflag:$0x1] =	stream.indirect_vreg.gather [hbm4b:s7+s4], $0x80, v3, vm0, $0xb8;
	[tilespmem:$0x1A400] =	vst v63  }
0x72: {  	v3 =	vld [tilespmem:$0x220];
	_ =	sdelay $0x4  }
0x73: {  	v34 =	vshrl.u32 v3, $0x3  }
0x74: {  	v4 =	vmul.u32 $0x30, v34  }
0x75: {  	v3 =	vand.u32 $0x7, v3  }
0x76: {  	v3 =	vor.u32 v3, v4  }
0x77: {  	v4 =	vperm.xlane v3, v0;
	_ =	sdelay $0x1  }
0x78: {  	v4 =	vadd.s32 v1, v4;
	_ =	sdelay $0x3  }
0x79: {  	v3 =	vperm.xlane v3, v2  }
0x7a: {  	[tilespmem:s30], [sflag:$0x2] =	stream.indirect_vreg.gather [hbm4b:s3+s4], $0x80, v4, vm0, $0xb8;
	[tilespmem:$0x1A400] =	vst v63  }
0x7b: {  	s26 =	simm.s32 $0xEC00;
	v3 =	vadd.s32 v1, v3  }
0x7c: {  	[tilespmem:s26], [sflag:$0x2] =	stream.indirect_vreg.gather [hbm4b:s6+s4], $0x80, v4, vm0, $0xb8;
	[tilespmem:$0x1A400] =	vst v63  }
0x7d: {  	s29 =	simm.s32 $0xF400  }
0x7e: {  	[tilespmem:s29], [sflag:$0x2] =	stream.indirect_vreg.gather [hbm4b:s7+s4], $0x80, v4, vm0, $0xb8;
	[tilespmem:$0x1A400] =	vst v63  }
0x7f: {  	s31 =	simm.s32 $0xFC00  }
0x80: {  	[tilespmem:s31], [sflag:$0x2] =	stream.indirect_vreg.gather [hbm4b:s3+s4], $0x80, v3, vm0, $0xb8;
	[tilespmem:$0x1A400] =	vst v63  }
0x81: {  	s22 =	simm.s32 $0x10400  }
0x82: {  	[tilespmem:s22], [sflag:$0x2] =	stream.indirect_vreg.gather [hbm4b:s6+s4], $0x80, v3, vm0, $0xb8;
	[tilespmem:$0x1A400] =	vst v63  }
0x83: {  	s23 =	simm.s32 $0x10C00  }
0x84: {  	[tilespmem:s23], [sflag:$0x2] =	stream.indirect_vreg.gather [hbm4b:s7+s4], $0x80, v3, vm0, $0xb8;
	[tilespmem:$0x1A400] =	vst v63  }
0x85: {  	v3 =	vld [tilespmem:$0x230];
	_ =	sdelay $0x4  }
0x86: {  	v35 =	vshrl.u32 v3, $0x3  }
0x87: {  	v4 =	vmul.u32 $0x30, v35  }
0x88: {  	v3 =	vand.u32 $0x7, v3  }
0x89: {  	v3 =	vor.u32 v3, v4  }
0x8a: {  	v4 =	vperm.xlane v3, v0;
	_ =	sdelay $0x1  }
0x8b: {  	v4 =	vadd.s32 v1, v4;
	_ =	sdelay $0x3  }
0x8c: {  	s24 =	simm.s32 $0x11400;
	v3 =	vperm.xlane v3, v2  }
0x8d: {  	[tilespmem:s24], [sflag:$0x2] =	stream.indirect_vreg.gather [hbm4b:s3+s4], $0x80, v4, vm0, $0xb8;
	[tilespmem:$0x1A400] =	vst v63  }
0x8e: {  	s26 =	simm.s32 $0x11C00;
	v3 =	vadd.s32 v1, v3  }
0x8f: {  	[tilespmem:s26], [sflag:$0x2] =	stream.indirect_vreg.gather [hbm4b:s6+s4], $0x80, v4, vm0, $0xb8;
	[tilespmem:$0x1A400] =	vst v63  }
0x90: {  	s29 =	simm.s32 $0x12400  }
0x91: {  	[tilespmem:s29], [sflag:$0x2] =	stream.indirect_vreg.gather [hbm4b:s7+s4], $0x80, v4, vm0, $0xb8;
	[tilespmem:$0x1A400] =	vst v63  }
0x92: {  	s31 =	simm.s32 $0x12C00  }
0x93: {  	[tilespmem:s31], [sflag:$0x2] =	stream.indirect_vreg.gather [hbm4b:s3+s4], $0x80, v3, vm0, $0xb8;
	[tilespmem:$0x1A400] =	vst v63  }
0x94: {  	s24 =	simm.s32 $0x13400  }
0x95: {  	[tilespmem:s24], [sflag:$0x2] =	stream.indirect_vreg.gather [hbm4b:s6+s4], $0x80, v3, vm0, $0xb8;
	[tilespmem:$0x1A400] =	vst v63  }
0x96: {  	s24 =	simm.s32 $0x13C00  }
0x97: {  	[tilespmem:s24], [sflag:$0x2] =	stream.indirect_vreg.gather [hbm4b:s7+s4], $0x80, v3, vm0, $0xb8;
	[tilespmem:$0x1A400] =	vst v63  }
0x98: {  	v3 =	vld [tilespmem:$0x240];
	_ =	sdelay $0x4  }
0x99: {  	v36 =	vshrl.u32 v3, $0x3  }
0x9a: {  	v4 =	vmul.u32 $0x30, v36  }
0x9b: {  	v3 =	vand.u32 $0x7, v3  }
0x9c: {  	v3 =	vor.u32 v3, v4  }
0x9d: {  	v4 =	vperm.xlane v3, v0;
	_ =	sdelay $0x1  }
0x9e: {  	v4 =	vadd.s32 v1, v4;
	_ =	sdelay $0x3  }
0x9f: {  	v3 =	vperm.xlane v3, v2  }
0xa0: {  	[tilespmem:s2], [sflag:$0x3] =	stream.indirect_vreg.gather [hbm4b:s3+s4], $0x80, v4, vm0, $0xb8;
	[tilespmem:$0x1A400] =	vst v63  }
0xa1: {  	s1 =	simm.s32 $0x14C00;
	v3 =	vadd.s32 v1, v3  }
0xa2: {  	[tilespmem:s1], [sflag:$0x3] =	stream.indirect_vreg.gather [hbm4b:s6+s4], $0x80, v4, vm0, $0xb8;
	[tilespmem:$0x1A400] =	vst v63  }
0xa3: {  	s1 =	simm.s32 $0x15400  }
0xa4: {  	[tilespmem:s1], [sflag:$0x3] =	stream.indirect_vreg.gather [hbm4b:s7+s4], $0x80, v4, vm0, $0xb8;
	[tilespmem:$0x1A400] =	vst v63  }
0xa5: {  	s1 =	simm.s32 $0x15C00  }
0xa6: {  	[tilespmem:s1], [sflag:$0x3] =	stream.indirect_vreg.gather [hbm4b:s3+s4], $0x80, v3, vm0, $0xb8;
	[tilespmem:$0x1A400] =	vst v63  }
0xa7: {  	s1 =	simm.s32 $0x16400  }
0xa8: {  	[tilespmem:s1], [sflag:$0x3] =	stream.indirect_vreg.gather [hbm4b:s6+s4], $0x80, v3, vm0, $0xb8;
	[tilespmem:$0x1A400] =	vst v63  }
0xa9: {  	s1 =	simm.s32 $0x16C00  }
0xaa: {  	[tilespmem:s1], [sflag:$0x3] =	stream.indirect_vreg.gather [hbm4b:s7+s4], $0x80, v3, vm0, $0xb8;
	[tilespmem:$0x1A400] =	vst v63  }
0xab: {  	v3 =	vld [tilespmem:$0x250];
	_ =	sdelay $0x4  }
0xac: {  	v37 =	vshrl.u32 v3, $0x3  }
0xad: {  	v4 =	vmul.u32 $0x30, v37  }
0xae: {  	v3 =	vand.u32 $0x7, v3  }
0xaf: {  	v3 =	vor.u32 v3, v4  }
0xb0: {  	v4 =	vperm.xlane v3, v0;
	_ =	sdelay $0x1  }
0xb1: {  	v4 =	vadd.s32 v1, v4;
	_ =	sdelay $0x3  }
0xb2: {  	s1 =	simm.s32 $0x17400;
	v3 =	vperm.xlane v3, v2  }
0xb3: {  	[tilespmem:s1], [sflag:$0x3] =	stream.indirect_vreg.gather [hbm4b:s3+s4], $0x80, v4, vm0, $0xb8;
	[tilespmem:$0x1A400] =	vst v63  }
0xb4: {  	v3 =	vadd.s32 v1, v3;
	s1 =	simm.s32 $0x17C00  }
0xb5: {  	[tilespmem:s1], [sflag:$0x3] =	stream.indirect_vreg.gather [hbm4b:s6+s4], $0x80, v4, vm0, $0xb8;
	[tilespmem:$0x1A400] =	vst v63  }
0xb6: {  	s1 =	simm.s32 $0x18400  }
0xb7: {  	[tilespmem:s1], [sflag:$0x3] =	stream.indirect_vreg.gather [hbm4b:s7+s4], $0x80, v4, vm0, $0xb8;
	[tilespmem:$0x1A400] =	vst v63  }
0xb8: {  	s1 =	simm.s32 $0x18C00  }
0xb9: {  	[tilespmem:s1], [sflag:$0x3] =	stream.indirect_vreg.gather [hbm4b:s3+s4], $0x80, v3, vm0, $0xb8;
	[tilespmem:$0x1A400] =	vst v63  }
0xba: {  	s1 =	simm.s32 $0x19400  }
0xbb: {  	[tilespmem:s1], [sflag:$0x3] =	stream.indirect_vreg.gather [hbm4b:s6+s4], $0x80, v3, vm0, $0xb8;
	[tilespmem:$0x1A400] =	vst v63  }
0xbc: {  	s1 =	simm.s32 $0x19C00  }
0xbd: {  	[tilespmem:s1], [sflag:$0x3] =	stream.indirect_vreg.gather [hbm4b:s7+s4], $0x80, v3, vm0, $0xb8;
	[tilespmem:$0x1A400] =	vst v63  }
0xbe: {  	_ =	swait.ge [sflag:s13], $0x6000  }
0xbf: {  	[sflag:s13] =	ssyncset.done $0x0  }
0xc0: {  	s1 =	rddreg [dreg:$0x1e];
	[sflag:s13] =	ssyncadd.s32 $0xFFFFA000  }
0xc1: {  	[hbm4b:s1+s4] =	stream.linear.scatter [tilespmem:s15], [sflag:$0x4], $0x6000, $0x38;
	[tilespmem:$0x1A400] =	vst v63  }
0xc2: {  	_ =	swait.ge [sflag:s9], $0x6000  }
0xc3: {  	[sflag:s9] =	ssyncset.done $0x0  }
0xc4: {  	[sflag:s9] =	ssyncadd.s32 $0xFFFFA000  }
0xc5: {  	v3 =	vld [tilespmem:$0x260];
	_ =	sdelay $0x4  }
0xc6: {  	v38 =	vshrl.u32 v3, $0x3  }
0xc7: {  	v4 =	vmul.u32 $0x30, v38  }
0xc8: {  	v3 =	vand.u32 $0x7, v3  }
0xc9: {  	v3 =	vor.u32 v3, v4  }
0xca: {  	v4 =	vperm.xlane v3, v0;
	_ =	sdelay $0x1  }
0xcb: {  	v4 =	vadd.s32 v1, v4;
	_ =	sdelay $0x3  }
0xcc: {  	v3 =	vperm.xlane v3, v2  }
0xcd: {  	[tilespmem:s15], [sflag:$0x1] =	stream.indirect_vreg.gather [hbm4b:s3+s4], $0x80, v4, vm0, $0xb8;
	[tilespmem:$0x1A400] =	vst v63  }
0xce: {  	s21 =	simm.s32 $0x8C00;
	v3 =	vadd.s32 v1, v3  }
0xcf: {  	[tilespmem:s21], [sflag:$0x1] =	stream.indirect_vreg.gather [hbm4b:s6+s4], $0x80, v4, vm0, $0xb8;
	[tilespmem:$0x1A400] =	vst v63  }
0xd0: {  	s5 =	simm.s32 $0x9400  }
0xd1: {  	[tilespmem:s5], [sflag:$0x1] =	stream.indirect_vreg.gather [hbm4b:s7+s4], $0x80, v4, vm0, $0xb8;
	[tilespmem:$0x1A400] =	vst v63  }
0xd2: {  	s10 =	simm.s32 $0x9C00  }
0xd3: {  	[tilespmem:s10], [sflag:$0x1] =	stream.indirect_vreg.gather [hbm4b:s3+s4], $0x80, v3, vm0, $0xb8;
	[tilespmem:$0x1A400] =	vst v63  }
0xd4: {  	s11 =	simm.s32 $0xA400  }
0xd5: {  	[tilespmem:s11], [sflag:$0x1] =	stream.indirect_vreg.gather [hbm4b:s6+s4], $0x80, v3, vm0, $0xb8;
	[tilespmem:$0x1A400] =	vst v63  }
0xd6: {  	s28 =	simm.s32 $0xAC00  }
0xd7: {  	[tilespmem:s28], [sflag:$0x1] =	stream.indirect_vreg.gather [hbm4b:s7+s4], $0x80, v3, vm0, $0xb8;
	[tilespmem:$0x1A400] =	vst v63  }
0xd8: {  	v3 =	vld [tilespmem:$0x270];
	_ =	sdelay $0x4  }
0xd9: {  	v39 =	vshrl.u32 v3, $0x3  }
0xda: {  	v4 =	vmul.u32 $0x30, v39  }
0xdb: {  	v3 =	vand.u32 $0x7, v3  }
0xdc: {  	v3 =	vor.u32 v3, v4  }
0xdd: {  	v4 =	vperm.xlane v3, v0;
	_ =	sdelay $0x1  }
0xde: {  	v4 =	vadd.s32 v1, v4;
	_ =	sdelay $0x3  }
0xdf: {  	s19 =	simm.s32 $0xB400;
	v3 =	vperm.xlane v3, v2  }
0xe0: {  	[tilespmem:s19], [sflag:$0x1] =	stream.indirect_vreg.gather [hbm4b:s3+s4], $0x80, v4, vm0, $0xb8;
	[tilespmem:$0x1A400] =	vst v63  }
0xe1: {  	s12 =	simm.s32 $0xBC00;
	v3 =	vadd.s32 v1, v3  }
0xe2: {  	[tilespmem:s12], [sflag:$0x1] =	stream.indirect_vreg.gather [hbm4b:s6+s4], $0x80, v4, vm0, $0xb8;
	[tilespmem:$0x1A400] =	vst v63  }
0xe3: {  	s16 =	simm.s32 $0xC400  }
0xe4: {  	[tilespmem:s16], [sflag:$0x1] =	stream.indirect_vreg.gather [hbm4b:s7+s4], $0x80, v4, vm0, $0xb8;
	[tilespmem:$0x1A400] =	vst v63  }
0xe5: {  	s17 =	simm.s32 $0xCC00  }
0xe6: {  	[tilespmem:s17], [sflag:$0x1] =	stream.indirect_vreg.gather [hbm4b:s3+s4], $0x80, v3, vm0, $0xb8;
	[tilespmem:$0x1A400] =	vst v63  }
0xe7: {  	s18 =	simm.s32 $0xD400  }
0xe8: {  	[tilespmem:s18], [sflag:$0x1] =	stream.indirect_vreg.gather [hbm4b:s6+s4], $0x80, v3, vm0, $0xb8;
	[tilespmem:$0x1A400] =	vst v63  }
0xe9: {  	s20 =	simm.s32 $0xDC00  }
0xea: {  	[tilespmem:s20], [sflag:$0x1] =	stream.indirect_vreg.gather [hbm4b:s7+s4], $0x80, v3, vm0, $0xb8;
	[tilespmem:$0x1A400] =	vst v63  }
0xeb: {  	_ =	swait.ge [sflag:s14], $0x6000  }
0xec: {  	[sflag:s14] =	ssyncset.done $0x0  }
0xed: {  	s20 =	rddreg [dreg:$0xc];
	[sflag:s14] =	ssyncadd.s32 $0xFFFFA000  }
0xee: {  	[hbm4b:s20+s4] =	stream.linear.scatter [tilespmem:s30], [sflag:$0x4], $0x6000, $0x38;
	[tilespmem:$0x1A400] =	vst v63  }
0xef: {  	_ =	swait.ge [sflag:s9], $0x6000  }
0xf0: {  	[sflag:s9] =	ssyncset.done $0x0  }
0xf1: {  	[sflag:s9] =	ssyncadd.s32 $0xFFFFA000  }
0xf2: {  	v3 =	vld [tilespmem:$0x280];
	_ =	sdelay $0x4  }
0xf3: {  	v40 =	vshrl.u32 v3, $0x3  }
0xf4: {  	v4 =	vmul.u32 $0x30, v40  }
0xf5: {  	v3 =	vand.u32 $0x7, v3  }
0xf6: {  	v3 =	vor.u32 v3, v4  }
0xf7: {  	v4 =	vperm.xlane v3, v0;
	_ =	sdelay $0x1  }
0xf8: {  	v4 =	vadd.s32 v1, v4;
	_ =	sdelay $0x3  }
0xf9: {  	v3 =	vperm.xlane v3, v2  }
0xfa: {  	[tilespmem:s30], [sflag:$0x2] =	stream.indirect_vreg.gather [hbm4b:s3+s4], $0x80, v4, vm0, $0xb8;
	[tilespmem:$0x1A400] =	vst v63  }
0xfb: {  	s20 =	simm.s32 $0xEC00;
	v3 =	vadd.s32 v1, v3  }
0xfc: {  	[tilespmem:s20], [sflag:$0x2] =	stream.indirect_vreg.gather [hbm4b:s6+s4], $0x80, v4, vm0, $0xb8;
	[tilespmem:$0x1A400] =	vst v63  }
0xfd: {  	s20 =	simm.s32 $0xF400  }
0xfe: {  	[tilespmem:s20], [sflag:$0x2] =	stream.indirect_vreg.gather [hbm4b:s7+s4], $0x80, v4, vm0, $0xb8;
	[tilespmem:$0x1A400] =	vst v63  }
0xff: {  	s20 =	simm.s32 $0xFC00  }
0x100: {  	[tilespmem:s20], [sflag:$0x2] =	stream.indirect_vreg.gather [hbm4b:s3+s4], $0x80, v3, vm0, $0xb8;
	[tilespmem:$0x1A400] =	vst v63  }
0x101: {  	s25 =	simm.s32 $0x10400  }
0x102: {  	[tilespmem:s25], [sflag:$0x2] =	stream.indirect_vreg.gather [hbm4b:s6+s4], $0x80, v3, vm0, $0xb8;
	[tilespmem:$0x1A400] =	vst v63  }
0x103: {  	s22 =	simm.s32 $0x10C00  }
0x104: {  	[tilespmem:s22], [sflag:$0x2] =	stream.indirect_vreg.gather [hbm4b:s7+s4], $0x80, v3, vm0, $0xb8;
	[tilespmem:$0x1A400] =	vst v63  }
0x105: {  	v3 =	vld [tilespmem:$0x290];
	_ =	sdelay $0x4  }
0x106: {  	v41 =	vshrl.u32 v3, $0x3  }
0x107: {  	v4 =	vmul.u32 $0x30, v41  }
0x108: {  	v3 =	vand.u32 $0x7, v3  }
0x109: {  	v3 =	vor.u32 v3, v4  }
0x10a: {  	v4 =	vperm.xlane v3, v0;
	_ =	sdelay $0x1  }
0x10b: {  	v4 =	vadd.s32 v1, v4;
	_ =	sdelay $0x3  }
0x10c: {  	s23 =	simm.s32 $0x11400;
	v3 =	vperm.xlane v3, v2  }
0x10d: {  	[tilespmem:s23], [sflag:$0x2] =	stream.indirect_vreg.gather [hbm4b:s3+s4], $0x80, v4, vm0, $0xb8;
	[tilespmem:$0x1A400] =	vst v63  }
0x10e: {  	s26 =	simm.s32 $0x11C00;
	v3 =	vadd.s32 v1, v3  }
0x10f: {  	[tilespmem:s26], [sflag:$0x2] =	stream.indirect_vreg.gather [hbm4b:s6+s4], $0x80, v4, vm0, $0xb8;
	[tilespmem:$0x1A400] =	vst v63  }
0x110: {  	s29 =	simm.s32 $0x12400  }
0x111: {  	[tilespmem:s29], [sflag:$0x2] =	stream.indirect_vreg.gather [hbm4b:s7+s4], $0x80, v4, vm0, $0xb8;
	[tilespmem:$0x1A400] =	vst v63  }
0x112: {  	s31 =	simm.s32 $0x12C00  }
0x113: {  	[tilespmem:s31], [sflag:$0x2] =	stream.indirect_vreg.gather [hbm4b:s3+s4], $0x80, v3, vm0, $0xb8;
	[tilespmem:$0x1A400] =	vst v63  }
0x114: {  	s23 =	simm.s32 $0x13400  }
0x115: {  	[tilespmem:s23], [sflag:$0x2] =	stream.indirect_vreg.gather [hbm4b:s6+s4], $0x80, v3, vm0, $0xb8;
	[tilespmem:$0x1A400] =	vst v63  }
0x116: {  	s24 =	simm.s32 $0x13C00  }
0x117: {  	[tilespmem:s24], [sflag:$0x2] =	stream.indirect_vreg.gather [hbm4b:s7+s4], $0x80, v3, vm0, $0xb8;
	[tilespmem:$0x1A400] =	vst v63  }
0x118: {  	_ =	swait.ge [sflag:s0], $0x6000  }
0x119: {  	[sflag:s0] =	ssyncset.done $0x0  }
0x11a: {  	s25 =	rddreg [dreg:$0xd];
	[sflag:s0] =	ssyncadd.s32 $0xFFFFA000  }
0x11b: {  	[hbm4b:s25+s4] =	stream.linear.scatter [tilespmem:s2], [sflag:$0x4], $0x6000, $0x38;
	[tilespmem:$0x1A400] =	vst v63  }
0x11c: {  	_ =	swait.ge [sflag:s9], $0x6000  }
0x11d: {  	[sflag:s9] =	ssyncset.done $0x0  }
0x11e: {  	[sflag:s9] =	ssyncadd.s32 $0xFFFFA000  }
0x11f: {  	v3 =	vld [tilespmem:$0x2A0];
	_ =	sdelay $0x4  }
0x120: {  	v42 =	vshrl.u32 v3, $0x3  }
0x121: {  	v4 =	vmul.u32 $0x30, v42  }
0x122: {  	v3 =	vand.u32 $0x7, v3  }
0x123: {  	v3 =	vor.u32 v3, v4  }
0x124: {  	v4 =	vperm.xlane v3, v0;
	_ =	sdelay $0x1  }
0x125: {  	v4 =	vadd.s32 v1, v4;
	_ =	sdelay $0x3  }
0x126: {  	v3 =	vperm.xlane v3, v2  }
0x127: {  	[tilespmem:s2], [sflag:$0x3] =	stream.indirect_vreg.gather [hbm4b:s3+s4], $0x80, v4, vm0, $0xb8;
	[tilespmem:$0x1A400] =	vst v63  }
0x128: {  	s26 =	simm.s32 $0x14C00;
	v3 =	vadd.s32 v1, v3  }
0x129: {  	[tilespmem:s26], [sflag:$0x3] =	stream.indirect_vreg.gather [hbm4b:s6+s4], $0x80, v4, vm0, $0xb8;
	[tilespmem:$0x1A400] =	vst v63  }
0x12a: {  	s29 =	simm.s32 $0x15400  }
0x12b: {  	[tilespmem:s29], [sflag:$0x3] =	stream.indirect_vreg.gather [hbm4b:s7+s4], $0x80, v4, vm0, $0xb8;
	[tilespmem:$0x1A400] =	vst v63  }
0x12c: {  	s31 =	simm.s32 $0x15C00  }
0x12d: {  	[tilespmem:s31], [sflag:$0x3] =	stream.indirect_vreg.gather [hbm4b:s3+s4], $0x80, v3, vm0, $0xb8;
	[tilespmem:$0x1A400] =	vst v63  }
0x12e: {  	s22 =	simm.s32 $0x16400  }
0x12f: {  	[tilespmem:s22], [sflag:$0x3] =	stream.indirect_vreg.gather [hbm4b:s6+s4], $0x80, v3, vm0, $0xb8;
	[tilespmem:$0x1A400] =	vst v63  }
0x130: {  	s23 =	simm.s32 $0x16C00  }
0x131: {  	[tilespmem:s23], [sflag:$0x3] =	stream.indirect_vreg.gather [hbm4b:s7+s4], $0x80, v3, vm0, $0xb8;
	[tilespmem:$0x1A400] =	vst v63  }
0x132: {  	v3 =	vld [tilespmem:$0x2B0];
	_ =	sdelay $0x4  }
0x133: {  	v43 =	vshrl.u32 v3, $0x3  }
0x134: {  	v4 =	vmul.u32 $0x30, v43  }
0x135: {  	v3 =	vand.u32 $0x7, v3  }
0x136: {  	v3 =	vor.u32 v3, v4  }
0x137: {  	v4 =	vperm.xlane v3, v0;
	_ =	sdelay $0x1  }
0x138: {  	v4 =	vadd.s32 v1, v4;
	_ =	sdelay $0x3  }
0x139: {  	s29 =	simm.s32 $0x17400;
	v3 =	vperm.xlane v3, v2  }
0x13a: {  	[tilespmem:s29], [sflag:$0x3] =	stream.indirect_vreg.gather [hbm4b:s3+s4], $0x80, v4, vm0, $0xb8;
	[tilespmem:$0x1A400] =	vst v63  }
0x13b: {  	s31 =	simm.s32 $0x17C00;
	v3 =	vadd.s32 v1, v3  }
0x13c: {  	[tilespmem:s31], [sflag:$0x3] =	stream.indirect_vreg.gather [hbm4b:s6+s4], $0x80, v4, vm0, $0xb8;
	[tilespmem:$0x1A400] =	vst v63  }
0x13d: {  	s22 =	simm.s32 $0x18400  }
0x13e: {  	[tilespmem:s22], [sflag:$0x3] =	stream.indirect_vreg.gather [hbm4b:s7+s4], $0x80, v4, vm0, $0xb8;
	[tilespmem:$0x1A400] =	vst v63  }
0x13f: {  	s23 =	simm.s32 $0x18C00  }
0x140: {  	[tilespmem:s23], [sflag:$0x3] =	stream.indirect_vreg.gather [hbm4b:s3+s4], $0x80, v3, vm0, $0xb8;
	[tilespmem:$0x1A400] =	vst v63  }
0x141: {  	s22 =	simm.s32 $0x19400  }
0x142: {  	[tilespmem:s22], [sflag:$0x3] =	stream.indirect_vreg.gather [hbm4b:s6+s4], $0x80, v3, vm0, $0xb8;
	[tilespmem:$0x1A400] =	vst v63  }
0x143: {  	s23 =	simm.s32 $0x19C00  }
0x144: {  	[tilespmem:s23], [sflag:$0x3] =	stream.indirect_vreg.gather [hbm4b:s7+s4], $0x80, v3, vm0, $0xb8;
	[tilespmem:$0x1A400] =	vst v63  }
0x145: {  	_ =	swait.ge [sflag:s13], $0x6000  }
0x146: {  	[sflag:s13] =	ssyncset.done $0x0  }
0x147: {  	s22 =	rddreg [dreg:$0xe];
	[sflag:s13] =	ssyncadd.s32 $0xFFFFA000  }
0x148: {  	[hbm4b:s22+s4] =	stream.linear.scatter [tilespmem:s15], [sflag:$0x4], $0x6000, $0x38;
	[tilespmem:$0x1A400] =	vst v63  }
0x149: {  	_ =	swait.ge [sflag:s9], $0x6000  }
0x14a: {  	[sflag:s9] =	ssyncset.done $0x0  }
0x14b: {  	[sflag:s9] =	ssyncadd.s32 $0xFFFFA000  }
0x14c: {  	v3 =	vld [tilespmem:$0x2C0];
	_ =	sdelay $0x4  }
0x14d: {  	v44 =	vshrl.u32 v3, $0x3  }
0x14e: {  	v4 =	vmul.u32 $0x30, v44  }
0x14f: {  	v3 =	vand.u32 $0x7, v3  }
0x150: {  	v3 =	vor.u32 v3, v4  }
0x151: {  	v4 =	vperm.xlane v3, v0;
	_ =	sdelay $0x1  }
0x152: {  	v4 =	vadd.s32 v1, v4;
	_ =	sdelay $0x3  }
0x153: {  	v3 =	vperm.xlane v3, v2  }
0x154: {  	[tilespmem:s15], [sflag:$0x1] =	stream.indirect_vreg.gather [hbm4b:s3+s4], $0x80, v4, vm0, $0xb8;
	[tilespmem:$0x1A400] =	vst v63  }
0x155: {  	s23 =	simm.s32 $0x8C00;
	v3 =	vadd.s32 v1, v3  }
0x156: {  	[tilespmem:s23], [sflag:$0x1] =	stream.indirect_vreg.gather [hbm4b:s6+s4], $0x80, v4, vm0, $0xb8;
	[tilespmem:$0x1A400] =	vst v63  }
0x157: {  	s5 =	simm.s32 $0x9400  }
0x158: {  	[tilespmem:s5], [sflag:$0x1] =	stream.indirect_vreg.gather [hbm4b:s7+s4], $0x80, v4, vm0, $0xb8;
	[tilespmem:$0x1A400] =	vst v63  }
0x159: {  	s10 =	simm.s32 $0x9C00  }
0x15a: {  	[tilespmem:s10], [sflag:$0x1] =	stream.indirect_vreg.gather [hbm4b:s3+s4], $0x80, v3, vm0, $0xb8;
	[tilespmem:$0x1A400] =	vst v63  }
0x15b: {  	s11 =	simm.s32 $0xA400  }
0x15c: {  	[tilespmem:s11], [sflag:$0x1] =	stream.indirect_vreg.gather [hbm4b:s6+s4], $0x80, v3, vm0, $0xb8;
	[tilespmem:$0x1A400] =	vst v63  }
0x15d: {  	s21 =	simm.s32 $0xAC00  }
0x15e: {  	[tilespmem:s21], [sflag:$0x1] =	stream.indirect_vreg.gather [hbm4b:s7+s4], $0x80, v3, vm0, $0xb8;
	[tilespmem:$0x1A400] =	vst v63  }
0x15f: {  	v3 =	vld [tilespmem:$0x2D0];
	_ =	sdelay $0x4  }
0x160: {  	v45 =	vshrl.u32 v3, $0x3  }
0x161: {  	v4 =	vmul.u32 $0x30, v45  }
0x162: {  	v3 =	vand.u32 $0x7, v3  }
0x163: {  	v3 =	vor.u32 v3, v4  }
0x164: {  	v4 =	vperm.xlane v3, v0;
	_ =	sdelay $0x1  }
0x165: {  	v4 =	vadd.s32 v1, v4;
	_ =	sdelay $0x3  }
0x166: {  	s28 =	simm.s32 $0xB400;
	v3 =	vperm.xlane v3, v2  }
0x167: {  	[tilespmem:s28], [sflag:$0x1] =	stream.indirect_vreg.gather [hbm4b:s3+s4], $0x80, v4, vm0, $0xb8;
	[tilespmem:$0x1A400] =	vst v63  }
0x168: {  	s12 =	simm.s32 $0xBC00;
	v3 =	vadd.s32 v1, v3  }
0x169: {  	[tilespmem:s12], [sflag:$0x1] =	stream.indirect_vreg.gather [hbm4b:s6+s4], $0x80, v4, vm0, $0xb8;
	[tilespmem:$0x1A400] =	vst v63  }
0x16a: {  	s16 =	simm.s32 $0xC400  }
0x16b: {  	[tilespmem:s16], [sflag:$0x1] =	stream.indirect_vreg.gather [hbm4b:s7+s4], $0x80, v4, vm0, $0xb8;
	[tilespmem:$0x1A400] =	vst v63  }
0x16c: {  	s17 =	simm.s32 $0xCC00  }
0x16d: {  	[tilespmem:s17], [sflag:$0x1] =	stream.indirect_vreg.gather [hbm4b:s3+s4], $0x80, v3, vm0, $0xb8;
	[tilespmem:$0x1A400] =	vst v63  }
0x16e: {  	s18 =	simm.s32 $0xD400  }
0x16f: {  	[tilespmem:s18], [sflag:$0x1] =	stream.indirect_vreg.gather [hbm4b:s6+s4], $0x80, v3, vm0, $0xb8;
	[tilespmem:$0x1A400] =	vst v63  }
0x170: {  	s19 =	simm.s32 $0xDC00  }
0x171: {  	[tilespmem:s19], [sflag:$0x1] =	stream.indirect_vreg.gather [hbm4b:s7+s4], $0x80, v3, vm0, $0xb8;
	[tilespmem:$0x1A400] =	vst v63  }
0x172: {  	_ =	swait.ge [sflag:s14], $0x6000  }
0x173: {  	[sflag:s14] =	ssyncset.done $0x0  }
0x174: {  	s21 =	rddreg [dreg:$0xf];
	[sflag:s14] =	ssyncadd.s32 $0xFFFFA000  }
0x175: {  	[hbm4b:s21+s4] =	stream.linear.scatter [tilespmem:s30], [sflag:$0x4], $0x6000, $0x38;
	[tilespmem:$0x1A400] =	vst v63  }
0x176: {  	_ =	swait.ge [sflag:s9], $0x6000  }
0x177: {  	[sflag:s9] =	ssyncset.done $0x0  }
0x178: {  	[sflag:s9] =	ssyncadd.s32 $0xFFFFA000  }
0x179: {  	v3 =	vld [tilespmem:$0x2E0];
	_ =	sdelay $0x4  }
0x17a: {  	v46 =	vshrl.u32 v3, $0x3  }
0x17b: {  	v4 =	vmul.u32 $0x30, v46  }
0x17c: {  	v3 =	vand.u32 $0x7, v3  }
0x17d: {  	v3 =	vor.u32 v3, v4  }
0x17e: {  	v4 =	vperm.xlane v3, v0;
	_ =	sdelay $0x1  }
0x17f: {  	v4 =	vadd.s32 v1, v4;
	_ =	sdelay $0x3  }
0x180: {  	v3 =	vperm.xlane v3, v2  }
0x181: {  	[tilespmem:s30], [sflag:$0x2] =	stream.indirect_vreg.gather [hbm4b:s3+s4], $0x80, v4, vm0, $0xb8;
	[tilespmem:$0x1A400] =	vst v63  }
0x182: {  	s28 =	simm.s32 $0xEC00;
	v3 =	vadd.s32 v1, v3  }
0x183: {  	[tilespmem:s28], [sflag:$0x2] =	stream.indirect_vreg.gather [hbm4b:s6+s4], $0x80, v4, vm0, $0xb8;
	[tilespmem:$0x1A400] =	vst v63  }
0x184: {  	s21 =	simm.s32 $0xF400  }
0x185: {  	[tilespmem:s21], [sflag:$0x2] =	stream.indirect_vreg.gather [hbm4b:s7+s4], $0x80, v4, vm0, $0xb8;
	[tilespmem:$0x1A400] =	vst v63  }
0x186: {  	s28 =	simm.s32 $0xFC00  }
0x187: {  	[tilespmem:s28], [sflag:$0x2] =	stream.indirect_vreg.gather [hbm4b:s3+s4], $0x80, v3, vm0, $0xb8;
	[tilespmem:$0x1A400] =	vst v63  }
0x188: {  	s21 =	simm.s32 $0x10400  }
0x189: {  	[tilespmem:s21], [sflag:$0x2] =	stream.indirect_vreg.gather [hbm4b:s6+s4], $0x80, v3, vm0, $0xb8;
	[tilespmem:$0x1A400] =	vst v63  }
0x18a: {  	s28 =	simm.s32 $0x10C00  }
0x18b: {  	[tilespmem:s28], [sflag:$0x2] =	stream.indirect_vreg.gather [hbm4b:s7+s4], $0x80, v3, vm0, $0xb8;
	[tilespmem:$0x1A400] =	vst v63  }
0x18c: {  	v3 =	vld [tilespmem:$0x2F0];
	_ =	sdelay $0x4  }
0x18d: {  	v47 =	vshrl.u32 v3, $0x3  }
0x18e: {  	v4 =	vmul.u32 $0x30, v47  }
0x18f: {  	v3 =	vand.u32 $0x7, v3  }
0x190: {  	v3 =	vor.u32 v3, v4  }
0x191: {  	v4 =	vperm.xlane v3, v0;
	_ =	sdelay $0x1  }
0x192: {  	v4 =	vadd.s32 v1, v4;
	_ =	sdelay $0x3  }
0x193: {  	s21 =	simm.s32 $0x11400;
	v3 =	vperm.xlane v3, v2  }
0x194: {  	[tilespmem:s21], [sflag:$0x2] =	stream.indirect_vreg.gather [hbm4b:s3+s4], $0x80, v4, vm0, $0xb8;
	[tilespmem:$0x1A400] =	vst v63  }
0x195: {  	s28 =	simm.s32 $0x11C00;
	v3 =	vadd.s32 v1, v3  }
0x196: {  	[tilespmem:s28], [sflag:$0x2] =	stream.indirect_vreg.gather [hbm4b:s6+s4], $0x80, v4, vm0, $0xb8;
	[tilespmem:$0x1A400] =	vst v63  }
0x197: {  	s21 =	simm.s32 $0x12400  }
0x198: {  	[tilespmem:s21], [sflag:$0x2] =	stream.indirect_vreg.gather [hbm4b:s7+s4], $0x80, v4, vm0, $0xb8;
	[tilespmem:$0x1A400] =	vst v63  }
0x199: {  	s28 =	simm.s32 $0x12C00  }
0x19a: {  	[tilespmem:s28], [sflag:$0x2] =	stream.indirect_vreg.gather [hbm4b:s3+s4], $0x80, v3, vm0, $0xb8;
	[tilespmem:$0x1A400] =	vst v63  }
0x19b: {  	s21 =	simm.s32 $0x13400  }
0x19c: {  	[tilespmem:s21], [sflag:$0x2] =	stream.indirect_vreg.gather [hbm4b:s6+s4], $0x80, v3, vm0, $0xb8;
	[tilespmem:$0x1A400] =	vst v63  }
0x19d: {  	s28 =	simm.s32 $0x13C00  }
0x19e: {  	[tilespmem:s28], [sflag:$0x2] =	stream.indirect_vreg.gather [hbm4b:s7+s4], $0x80, v3, vm0, $0xb8;
	[tilespmem:$0x1A400] =	vst v63  }
0x19f: {  	_ =	swait.ge [sflag:s0], $0x6000  }
0x1a0: {  	[sflag:s0] =	ssyncset.done $0x0  }
0x1a1: {  	s21 =	rddreg [dreg:$0x10];
	[sflag:s0] =	ssyncadd.s32 $0xFFFFA000  }
0x1a2: {  	[hbm4b:s21+s4] =	stream.linear.scatter [tilespmem:s2], [sflag:$0x4], $0x6000, $0x38;
	[tilespmem:$0x1A400] =	vst v63  }
0x1a3: {  	_ =	swait.ge [sflag:s9], $0x6000  }
0x1a4: {  	[sflag:s9] =	ssyncset.done $0x0  }
0x1a5: {  	[sflag:s9] =	ssyncadd.s32 $0xFFFFA000  }
0x1a6: {  	v3 =	vld [tilespmem:$0x300];
	_ =	sdelay $0x4  }
0x1a7: {  	v48 =	vshrl.u32 v3, $0x3  }
0x1a8: {  	v4 =	vmul.u32 $0x30, v48  }
0x1a9: {  	v3 =	vand.u32 $0x7, v3  }
0x1aa: {  	v3 =	vor.u32 v3, v4  }
0x1ab: {  	v4 =	vperm.xlane v3, v0;
	_ =	sdelay $0x1  }
0x1ac: {  	v4 =	vadd.s32 v1, v4;
	_ =	sdelay $0x3  }
0x1ad: {  	v3 =	vperm.xlane v3, v2  }
0x1ae: {  	[tilespmem:s2], [sflag:$0x3] =	stream.indirect_vreg.gather [hbm4b:s3+s4], $0x80, v4, vm0, $0xb8;
	[tilespmem:$0x1A400] =	vst v63  }
0x1af: {  	s20 =	simm.s32 $0x14C00;
	v3 =	vadd.s32 v1, v3  }
0x1b0: {  	[tilespmem:s20], [sflag:$0x3] =	stream.indirect_vreg.gather [hbm4b:s6+s4], $0x80, v4, vm0, $0xb8;
	[tilespmem:$0x1A400] =	vst v63  }
0x1b1: {  	s24 =	simm.s32 $0x15400  }
0x1b2: {  	[tilespmem:s24], [sflag:$0x3] =	stream.indirect_vreg.gather [hbm4b:s7+s4], $0x80, v4, vm0, $0xb8;
	[tilespmem:$0x1A400] =	vst v63  }
0x1b3: {  	s25 =	simm.s32 $0x15C00  }
0x1b4: {  	[tilespmem:s25], [sflag:$0x3] =	stream.indirect_vreg.gather [hbm4b:s3+s4], $0x80, v3, vm0, $0xb8;
	[tilespmem:$0x1A400] =	vst v63  }
0x1b5: {  	s26 =	simm.s32 $0x16400  }
0x1b6: {  	[tilespmem:s26], [sflag:$0x3] =	stream.indirect_vreg.gather [hbm4b:s6+s4], $0x80, v3, vm0, $0xb8;
	[tilespmem:$0x1A400] =	vst v63  }
0x1b7: {  	s25 =	simm.s32 $0x16C00  }
0x1b8: {  	[tilespmem:s25], [sflag:$0x3] =	stream.indirect_vreg.gather [hbm4b:s7+s4], $0x80, v3, vm0, $0xb8;
	[tilespmem:$0x1A400] =	vst v63  }
0x1b9: {  	v3 =	vld [tilespmem:$0x310];
	_ =	sdelay $0x4  }
0x1ba: {  	v49 =	vshrl.u32 v3, $0x3  }
0x1bb: {  	v4 =	vmul.u32 $0x30, v49  }
0x1bc: {  	v3 =	vand.u32 $0x7, v3  }
0x1bd: {  	v3 =	vor.u32 v3, v4  }
0x1be: {  	v4 =	vperm.xlane v3, v0;
	_ =	sdelay $0x1  }
0x1bf: {  	v4 =	vadd.s32 v1, v4;
	_ =	sdelay $0x3  }
0x1c0: {  	s26 =	simm.s32 $0x17400;
	v3 =	vperm.xlane v3, v2  }
0x1c1: {  	[tilespmem:s26], [sflag:$0x3] =	stream.indirect_vreg.gather [hbm4b:s3+s4], $0x80, v4, vm0, $0xb8;
	[tilespmem:$0x1A400] =	vst v63  }
0x1c2: {  	s29 =	simm.s32 $0x17C00;
	v3 =	vadd.s32 v1, v3  }
0x1c3: {  	[tilespmem:s29], [sflag:$0x3] =	stream.indirect_vreg.gather [hbm4b:s6+s4], $0x80, v4, vm0, $0xb8;
	[tilespmem:$0x1A400] =	vst v63  }
0x1c4: {  	s31 =	simm.s32 $0x18400  }
0x1c5: {  	[tilespmem:s31], [sflag:$0x3] =	stream.indirect_vreg.gather [hbm4b:s7+s4], $0x80, v4, vm0, $0xb8;
	[tilespmem:$0x1A400] =	vst v63  }
0x1c6: {  	s29 =	simm.s32 $0x18C00  }
0x1c7: {  	[tilespmem:s29], [sflag:$0x3] =	stream.indirect_vreg.gather [hbm4b:s3+s4], $0x80, v3, vm0, $0xb8;
	[tilespmem:$0x1A400] =	vst v63  }
0x1c8: {  	s31 =	simm.s32 $0x19400  }
0x1c9: {  	[tilespmem:s31], [sflag:$0x3] =	stream.indirect_vreg.gather [hbm4b:s6+s4], $0x80, v3, vm0, $0xb8;
	[tilespmem:$0x1A400] =	vst v63  }
0x1ca: {  	s20 =	simm.s32 $0x19C00  }
0x1cb: {  	[tilespmem:s20], [sflag:$0x3] =	stream.indirect_vreg.gather [hbm4b:s7+s4], $0x80, v3, vm0, $0xb8;
	[tilespmem:$0x1A400] =	vst v63  }
0x1cc: {  	_ =	swait.ge [sflag:s13], $0x6000  }
0x1cd: {  	[sflag:s13] =	ssyncset.done $0x0  }
0x1ce: {  	s21 =	rddreg [dreg:$0x11];
	[sflag:s13] =	ssyncadd.s32 $0xFFFFA000  }
0x1cf: {  	[hbm4b:s21+s4] =	stream.linear.scatter [tilespmem:s15], [sflag:$0x4], $0x6000, $0x38;
	[tilespmem:$0x1A400] =	vst v63  }
0x1d0: {  	_ =	swait.ge [sflag:s9], $0x6000  }
0x1d1: {  	[sflag:s9] =	ssyncset.done $0x0  }
0x1d2: {  	[sflag:s9] =	ssyncadd.s32 $0xFFFFA000  }
0x1d3: {  	v3 =	vld [tilespmem:$0x320];
	_ =	sdelay $0x4  }
0x1d4: {  	v50 =	vshrl.u32 v3, $0x3  }
0x1d5: {  	v4 =	vmul.u32 $0x30, v50  }
0x1d6: {  	v3 =	vand.u32 $0x7, v3  }
0x1d7: {  	v3 =	vor.u32 v3, v4  }
0x1d8: {  	v4 =	vperm.xlane v3, v0;
	_ =	sdelay $0x1  }
0x1d9: {  	v4 =	vadd.s32 v1, v4;
	_ =	sdelay $0x3  }
0x1da: {  	v3 =	vperm.xlane v3, v2  }
0x1db: {  	[tilespmem:s15], [sflag:$0x1] =	stream.indirect_vreg.gather [hbm4b:s3+s4], $0x80, v4, vm0, $0xb8;
	[tilespmem:$0x1A400] =	vst v63  }
0x1dc: {  	s23 =	simm.s32 $0x8C00;
	v3 =	vadd.s32 v1, v3  }
0x1dd: {  	[tilespmem:s23], [sflag:$0x1] =	stream.indirect_vreg.gather [hbm4b:s6+s4], $0x80, v4, vm0, $0xb8;
	[tilespmem:$0x1A400] =	vst v63  }
0x1de: {  	s24 =	simm.s32 $0x9400  }
0x1df: {  	[tilespmem:s24], [sflag:$0x1] =	stream.indirect_vreg.gather [hbm4b:s7+s4], $0x80, v4, vm0, $0xb8;
	[tilespmem:$0x1A400] =	vst v63  }
0x1e0: {  	s10 =	simm.s32 $0x9C00  }
0x1e1: {  	[tilespmem:s10], [sflag:$0x1] =	stream.indirect_vreg.gather [hbm4b:s3+s4], $0x80, v3, vm0, $0xb8;
	[tilespmem:$0x1A400] =	vst v63  }
0x1e2: {  	s11 =	simm.s32 $0xA400  }
0x1e3: {  	[tilespmem:s11], [sflag:$0x1] =	stream.indirect_vreg.gather [hbm4b:s6+s4], $0x80, v3, vm0, $0xb8;
	[tilespmem:$0x1A400] =	vst v63  }
0x1e4: {  	s5 =	simm.s32 $0xAC00  }
0x1e5: {  	[tilespmem:s5], [sflag:$0x1] =	stream.indirect_vreg.gather [hbm4b:s7+s4], $0x80, v3, vm0, $0xb8;
	[tilespmem:$0x1A400] =	vst v63  }
0x1e6: {  	v3 =	vld [tilespmem:$0x330];
	_ =	sdelay $0x4  }
0x1e7: {  	v51 =	vshrl.u32 v3, $0x3  }
0x1e8: {  	v4 =	vmul.u32 $0x30, v51  }
0x1e9: {  	v3 =	vand.u32 $0x7, v3  }
0x1ea: {  	v3 =	vor.u32 v3, v4  }
0x1eb: {  	v4 =	vperm.xlane v3, v0;
	_ =	sdelay $0x1  }
0x1ec: {  	v4 =	vadd.s32 v1, v4;
	_ =	sdelay $0x3  }
0x1ed: {  	s22 =	simm.s32 $0xB400;
	v3 =	vperm.xlane v3, v2  }
0x1ee: {  	[tilespmem:s22], [sflag:$0x1] =	stream.indirect_vreg.gather [hbm4b:s3+s4], $0x80, v4, vm0, $0xb8;
	[tilespmem:$0x1A400] =	vst v63  }
0x1ef: {  	s12 =	simm.s32 $0xBC00;
	v3 =	vadd.s32 v1, v3  }
0x1f0: {  	[tilespmem:s12], [sflag:$0x1] =	stream.indirect_vreg.gather [hbm4b:s6+s4], $0x80, v4, vm0, $0xb8;
	[tilespmem:$0x1A400] =	vst v63  }
0x1f1: {  	s16 =	simm.s32 $0xC400  }
0x1f2: {  	[tilespmem:s16], [sflag:$0x1] =	stream.indirect_vreg.gather [hbm4b:s7+s4], $0x80, v4, vm0, $0xb8;
	[tilespmem:$0x1A400] =	vst v63  }
0x1f3: {  	s17 =	simm.s32 $0xCC00  }
0x1f4: {  	[tilespmem:s17], [sflag:$0x1] =	stream.indirect_vreg.gather [hbm4b:s3+s4], $0x80, v3, vm0, $0xb8;
	[tilespmem:$0x1A400] =	vst v63  }
0x1f5: {  	s18 =	simm.s32 $0xD400  }
0x1f6: {  	[tilespmem:s18], [sflag:$0x1] =	stream.indirect_vreg.gather [hbm4b:s6+s4], $0x80, v3, vm0, $0xb8;
	[tilespmem:$0x1A400] =	vst v63  }
0x1f7: {  	s19 =	simm.s32 $0xDC00  }
0x1f8: {  	[tilespmem:s19], [sflag:$0x1] =	stream.indirect_vreg.gather [hbm4b:s7+s4], $0x80, v3, vm0, $0xb8;
	[tilespmem:$0x1A400] =	vst v63  }
0x1f9: {  	_ =	swait.ge [sflag:s14], $0x6000  }
0x1fa: {  	[sflag:s14] =	ssyncset.done $0x0  }
0x1fb: {  	s26 =	rddreg [dreg:$0x12];
	[sflag:s14] =	ssyncadd.s32 $0xFFFFA000  }
0x1fc: {  	[hbm4b:s26+s4] =	stream.linear.scatter [tilespmem:s30], [sflag:$0x4], $0x6000, $0x38;
	[tilespmem:$0x1A400] =	vst v63  }
0x1fd: {  	_ =	swait.ge [sflag:s9], $0x6000  }
0x1fe: {  	[sflag:s9] =	ssyncset.done $0x0  }
0x1ff: {  	[sflag:s9] =	ssyncadd.s32 $0xFFFFA000  }
0x200: {  	v3 =	vld [tilespmem:$0x340];
	_ =	sdelay $0x4  }
0x201: {  	v52 =	vshrl.u32 v3, $0x3  }
0x202: {  	v4 =	vmul.u32 $0x30, v52  }
0x203: {  	v3 =	vand.u32 $0x7, v3  }
0x204: {  	v3 =	vor.u32 v3, v4  }
0x205: {  	v4 =	vperm.xlane v3, v0;
	_ =	sdelay $0x1  }
0x206: {  	v4 =	vadd.s32 v1, v4;
	_ =	sdelay $0x3  }
0x207: {  	v3 =	vperm.xlane v3, v2  }
0x208: {  	[tilespmem:s30], [sflag:$0x2] =	stream.indirect_vreg.gather [hbm4b:s3+s4], $0x80, v4, vm0, $0xb8;
	[tilespmem:$0x1A400] =	vst v63  }
0x209: {  	s29 =	simm.s32 $0xEC00;
	v3 =	vadd.s32 v1, v3  }
0x20a: {  	[tilespmem:s29], [sflag:$0x2] =	stream.indirect_vreg.gather [hbm4b:s6+s4], $0x80, v4, vm0, $0xb8;
	[tilespmem:$0x1A400] =	vst v63  }
0x20b: {  	s31 =	simm.s32 $0xF400  }
0x20c: {  	[tilespmem:s31], [sflag:$0x2] =	stream.indirect_vreg.gather [hbm4b:s7+s4], $0x80, v4, vm0, $0xb8;
	[tilespmem:$0x1A400] =	vst v63  }
0x20d: {  	s18 =	simm.s32 $0xFC00  }
0x20e: {  	[tilespmem:s18], [sflag:$0x2] =	stream.indirect_vreg.gather [hbm4b:s3+s4], $0x80, v3, vm0, $0xb8;
	[tilespmem:$0x1A400] =	vst v63  }
0x20f: {  	s19 =	simm.s32 $0x10400  }
0x210: {  	[tilespmem:s19], [sflag:$0x2] =	stream.indirect_vreg.gather [hbm4b:s6+s4], $0x80, v3, vm0, $0xb8;
	[tilespmem:$0x1A400] =	vst v63  }
0x211: {  	s22 =	simm.s32 $0x10C00  }
0x212: {  	[tilespmem:s22], [sflag:$0x2] =	stream.indirect_vreg.gather [hbm4b:s7+s4], $0x80, v3, vm0, $0xb8;
	[tilespmem:$0x1A400] =	vst v63  }
0x213: {  	v3 =	vld [tilespmem:$0x350];
	_ =	sdelay $0x4  }
0x214: {  	v53 =	vshrl.u32 v3, $0x3  }
0x215: {  	v4 =	vmul.u32 $0x30, v53  }
0x216: {  	v3 =	vand.u32 $0x7, v3  }
0x217: {  	v3 =	vor.u32 v3, v4  }
0x218: {  	v4 =	vperm.xlane v3, v0;
	_ =	sdelay $0x1  }
0x219: {  	v4 =	vadd.s32 v1, v4;
	_ =	sdelay $0x3  }
0x21a: {  	s26 =	simm.s32 $0x11400;
	v3 =	vperm.xlane v3, v2  }
0x21b: {  	[tilespmem:s26], [sflag:$0x2] =	stream.indirect_vreg.gather [hbm4b:s3+s4], $0x80, v4, vm0, $0xb8;
	[tilespmem:$0x1A400] =	vst v63  }
0x21c: {  	s29 =	simm.s32 $0x11C00;
	v3 =	vadd.s32 v1, v3  }
0x21d: {  	[tilespmem:s29], [sflag:$0x2] =	stream.indirect_vreg.gather [hbm4b:s6+s4], $0x80, v4, vm0, $0xb8;
	[tilespmem:$0x1A400] =	vst v63  }
0x21e: {  	s31 =	simm.s32 $0x12400  }
0x21f: {  	[tilespmem:s31], [sflag:$0x2] =	stream.indirect_vreg.gather [hbm4b:s7+s4], $0x80, v4, vm0, $0xb8;
	[tilespmem:$0x1A400] =	vst v63  }
0x220: {  	s18 =	simm.s32 $0x12C00  }
0x221: {  	[tilespmem:s18], [sflag:$0x2] =	stream.indirect_vreg.gather [hbm4b:s3+s4], $0x80, v3, vm0, $0xb8;
	[tilespmem:$0x1A400] =	vst v63  }
0x222: {  	s19 =	simm.s32 $0x13400  }
0x223: {  	[tilespmem:s19], [sflag:$0x2] =	stream.indirect_vreg.gather [hbm4b:s6+s4], $0x80, v3, vm0, $0xb8;
	[tilespmem:$0x1A400] =	vst v63  }
0x224: {  	s22 =	simm.s32 $0x13C00  }
0x225: {  	[tilespmem:s22], [sflag:$0x2] =	stream.indirect_vreg.gather [hbm4b:s7+s4], $0x80, v3, vm0, $0xb8;
	[tilespmem:$0x1A400] =	vst v63  }
0x226: {  	_ =	swait.ge [sflag:s0], $0x6000  }
0x227: {  	[sflag:s0] =	ssyncset.done $0x0  }
0x228: {  	s26 =	rddreg [dreg:$0x13];
	[sflag:s0] =	ssyncadd.s32 $0xFFFFA000  }
0x229: {  	[hbm4b:s26+s4] =	stream.linear.scatter [tilespmem:s2], [sflag:$0x4], $0x6000, $0x38;
	[tilespmem:$0x1A400] =	vst v63  }
0x22a: {  	_ =	swait.ge [sflag:s9], $0x6000  }
0x22b: {  	[sflag:s9] =	ssyncset.done $0x0  }
0x22c: {  	[sflag:s9] =	ssyncadd.s32 $0xFFFFA000  }
0x22d: {  	v3 =	vld [tilespmem:$0x360];
	_ =	sdelay $0x4  }
0x22e: {  	v54 =	vshrl.u32 v3, $0x3  }
0x22f: {  	v4 =	vmul.u32 $0x30, v54  }
0x230: {  	v3 =	vand.u32 $0x7, v3  }
0x231: {  	v3 =	vor.u32 v3, v4  }
0x232: {  	v4 =	vperm.xlane v3, v0;
	_ =	sdelay $0x1  }
0x233: {  	v4 =	vadd.s32 v1, v4;
	_ =	sdelay $0x3  }
0x234: {  	v3 =	vperm.xlane v3, v2  }
0x235: {  	[tilespmem:s2], [sflag:$0x3] =	stream.indirect_vreg.gather [hbm4b:s3+s4], $0x80, v4, vm0, $0xb8;
	[tilespmem:$0x1A400] =	vst v63  }
0x236: {  	s28 =	simm.s32 $0x14C00;
	v3 =	vadd.s32 v1, v3  }
0x237: {  	[tilespmem:s28], [sflag:$0x3] =	stream.indirect_vreg.gather [hbm4b:s6+s4], $0x80, v4, vm0, $0xb8;
	[tilespmem:$0x1A400] =	vst v63  }
0x238: {  	s28 =	simm.s32 $0x15400  }
0x239: {  	[tilespmem:s28], [sflag:$0x3] =	stream.indirect_vreg.gather [hbm4b:s7+s4], $0x80, v4, vm0, $0xb8;
	[tilespmem:$0x1A400] =	vst v63  }
0x23a: {  	s29 =	simm.s32 $0x15C00  }
0x23b: {  	[tilespmem:s29], [sflag:$0x3] =	stream.indirect_vreg.gather [hbm4b:s3+s4], $0x80, v3, vm0, $0xb8;
	[tilespmem:$0x1A400] =	vst v63  }
0x23c: {  	s31 =	simm.s32 $0x16400  }
0x23d: {  	[tilespmem:s31], [sflag:$0x3] =	stream.indirect_vreg.gather [hbm4b:s6+s4], $0x80, v3, vm0, $0xb8;
	[tilespmem:$0x1A400] =	vst v63  }
0x23e: {  	s18 =	simm.s32 $0x16C00  }
0x23f: {  	[tilespmem:s18], [sflag:$0x3] =	stream.indirect_vreg.gather [hbm4b:s7+s4], $0x80, v3, vm0, $0xb8;
	[tilespmem:$0x1A400] =	vst v63  }
0x240: {  	v3 =	vld [tilespmem:$0x370];
	_ =	sdelay $0x4  }
0x241: {  	v55 =	vshrl.u32 v3, $0x3  }
0x242: {  	v4 =	vmul.u32 $0x30, v55  }
0x243: {  	v3 =	vand.u32 $0x7, v3  }
0x244: {  	v3 =	vor.u32 v3, v4  }
0x245: {  	v4 =	vperm.xlane v3, v0;
	_ =	sdelay $0x1  }
0x246: {  	v4 =	vadd.s32 v1, v4;
	_ =	sdelay $0x3  }
0x247: {  	s19 =	simm.s32 $0x17400;
	v3 =	vperm.xlane v3, v2  }
0x248: {  	[tilespmem:s19], [sflag:$0x3] =	stream.indirect_vreg.gather [hbm4b:s3+s4], $0x80, v4, vm0, $0xb8;
	[tilespmem:$0x1A400] =	vst v63  }
0x249: {  	s28 =	simm.s32 $0x17C00;
	v3 =	vadd.s32 v1, v3  }
0x24a: {  	[tilespmem:s28], [sflag:$0x3] =	stream.indirect_vreg.gather [hbm4b:s6+s4], $0x80, v4, vm0, $0xb8;
	[tilespmem:$0x1A400] =	vst v63  }
0x24b: {  	s18 =	simm.s32 $0x18400  }
0x24c: {  	[tilespmem:s18], [sflag:$0x3] =	stream.indirect_vreg.gather [hbm4b:s7+s4], $0x80, v4, vm0, $0xb8;
	[tilespmem:$0x1A400] =	vst v63  }
0x24d: {  	s19 =	simm.s32 $0x18C00  }
0x24e: {  	[tilespmem:s19], [sflag:$0x3] =	stream.indirect_vreg.gather [hbm4b:s3+s4], $0x80, v3, vm0, $0xb8;
	[tilespmem:$0x1A400] =	vst v63  }
0x24f: {  	s28 =	simm.s32 $0x19400  }
0x250: {  	[tilespmem:s28], [sflag:$0x3] =	stream.indirect_vreg.gather [hbm4b:s6+s4], $0x80, v3, vm0, $0xb8;
	[tilespmem:$0x1A400] =	vst v63  }
0x251: {  	s18 =	simm.s32 $0x19C00  }
0x252: {  	[tilespmem:s18], [sflag:$0x3] =	stream.indirect_vreg.gather [hbm4b:s7+s4], $0x80, v3, vm0, $0xb8;
	[tilespmem:$0x1A400] =	vst v63  }
0x253: {  	_ =	swait.ge [sflag:s13], $0x6000  }
0x254: {  	[sflag:s13] =	ssyncset.done $0x0  }
0x255: {  	s19 =	rddreg [dreg:$0x14];
	[sflag:s13] =	ssyncadd.s32 $0xFFFFA000  }
0x256: {  	[hbm4b:s19+s4] =	stream.linear.scatter [tilespmem:s15], [sflag:$0x4], $0x6000, $0x38;
	[tilespmem:$0x1A400] =	vst v63  }
0x257: {  	_ =	swait.ge [sflag:s9], $0x6000  }
0x258: {  	[sflag:s9] =	ssyncset.done $0x0  }
0x259: {  	[sflag:s9] =	ssyncadd.s32 $0xFFFFA000  }
0x25a: {  	v3 =	vld [tilespmem:$0x380];
	_ =	sdelay $0x4  }
0x25b: {  	v56 =	vshrl.u32 v3, $0x3  }
0x25c: {  	v4 =	vmul.u32 $0x30, v56  }
0x25d: {  	v3 =	vand.u32 $0x7, v3  }
0x25e: {  	v3 =	vor.u32 v3, v4  }
0x25f: {  	v4 =	vperm.xlane v3, v0;
	_ =	sdelay $0x1  }
0x260: {  	v4 =	vadd.s32 v1, v4;
	_ =	sdelay $0x3  }
0x261: {  	v3 =	vperm.xlane v3, v2  }
0x262: {  	[tilespmem:s15], [sflag:$0x1] =	stream.indirect_vreg.gather [hbm4b:s3+s4], $0x80, v4, vm0, $0xb8;
	[tilespmem:$0x1A400] =	vst v63  }
0x263: {  	s25 =	simm.s32 $0x8C00;
	v3 =	vadd.s32 v1, v3  }
0x264: {  	[tilespmem:s25], [sflag:$0x1] =	stream.indirect_vreg.gather [hbm4b:s6+s4], $0x80, v4, vm0, $0xb8;
	[tilespmem:$0x1A400] =	vst v63  }
0x265: {  	s20 =	simm.s32 $0x9400  }
0x266: {  	[tilespmem:s20], [sflag:$0x1] =	stream.indirect_vreg.gather [hbm4b:s7+s4], $0x80, v4, vm0, $0xb8;
	[tilespmem:$0x1A400] =	vst v63  }
0x267: {  	s23 =	simm.s32 $0x9C00  }
0x268: {  	[tilespmem:s23], [sflag:$0x1] =	stream.indirect_vreg.gather [hbm4b:s3+s4], $0x80, v3, vm0, $0xb8;
	[tilespmem:$0x1A400] =	vst v63  }
0x269: {  	s11 =	simm.s32 $0xA400  }
0x26a: {  	[tilespmem:s11], [sflag:$0x1] =	stream.indirect_vreg.gather [hbm4b:s6+s4], $0x80, v3, vm0, $0xb8;
	[tilespmem:$0x1A400] =	vst v63  }
0x26b: {  	s5 =	simm.s32 $0xAC00  }
0x26c: {  	[tilespmem:s5], [sflag:$0x1] =	stream.indirect_vreg.gather [hbm4b:s7+s4], $0x80, v3, vm0, $0xb8;
	[tilespmem:$0x1A400] =	vst v63  }
0x26d: {  	v3 =	vld [tilespmem:$0x390];
	_ =	sdelay $0x4  }
0x26e: {  	v57 =	vshrl.u32 v3, $0x3  }
0x26f: {  	v4 =	vmul.u32 $0x30, v57  }
0x270: {  	v3 =	vand.u32 $0x7, v3  }
0x271: {  	v3 =	vor.u32 v3, v4  }
0x272: {  	v4 =	vperm.xlane v3, v0;
	_ =	sdelay $0x1  }
0x273: {  	v4 =	vadd.s32 v1, v4;
	_ =	sdelay $0x3  }
0x274: {  	s24 =	simm.s32 $0xB400;
	v3 =	vperm.xlane v3, v2  }
0x275: {  	[tilespmem:s24], [sflag:$0x1] =	stream.indirect_vreg.gather [hbm4b:s3+s4], $0x80, v4, vm0, $0xb8;
	[tilespmem:$0x1A400] =	vst v63  }
0x276: {  	s10 =	simm.s32 $0xBC00;
	v3 =	vadd.s32 v1, v3  }
0x277: {  	[tilespmem:s10], [sflag:$0x1] =	stream.indirect_vreg.gather [hbm4b:s6+s4], $0x80, v4, vm0, $0xb8;
	[tilespmem:$0x1A400] =	vst v63  }
0x278: {  	s12 =	simm.s32 $0xC400  }
0x279: {  	[tilespmem:s12], [sflag:$0x1] =	stream.indirect_vreg.gather [hbm4b:s7+s4], $0x80, v4, vm0, $0xb8;
	[tilespmem:$0x1A400] =	vst v63  }
0x27a: {  	s16 =	simm.s32 $0xCC00  }
0x27b: {  	[tilespmem:s16], [sflag:$0x1] =	stream.indirect_vreg.gather [hbm4b:s3+s4], $0x80, v3, vm0, $0xb8;
	[tilespmem:$0x1A400] =	vst v63  }
0x27c: {  	s17 =	simm.s32 $0xD400  }
0x27d: {  	[tilespmem:s17], [sflag:$0x1] =	stream.indirect_vreg.gather [hbm4b:s6+s4], $0x80, v3, vm0, $0xb8;
	[tilespmem:$0x1A400] =	vst v63  }
0x27e: {  	s21 =	simm.s32 $0xDC00  }
0x27f: {  	[tilespmem:s21], [sflag:$0x1] =	stream.indirect_vreg.gather [hbm4b:s7+s4], $0x80, v3, vm0, $0xb8;
	[tilespmem:$0x1A400] =	vst v63  }
0x280: {  	_ =	swait.ge [sflag:s14], $0x6000  }
0x281: {  	[sflag:s14] =	ssyncset.done $0x0  }
0x282: {  	s24 =	rddreg [dreg:$0x15];
	[sflag:s14] =	ssyncadd.s32 $0xFFFFA000  }
0x283: {  	[hbm4b:s24+s4] =	stream.linear.scatter [tilespmem:s30], [sflag:$0x4], $0x6000, $0x38;
	[tilespmem:$0x1A400] =	vst v63  }
0x284: {  	_ =	swait.ge [sflag:s9], $0x6000  }
0x285: {  	[sflag:s9] =	ssyncset.done $0x0  }
0x286: {  	[sflag:s9] =	ssyncadd.s32 $0xFFFFA000  }
0x287: {  	v3 =	vld [tilespmem:$0x3A0];
	_ =	sdelay $0x4  }
0x288: {  	v58 =	vshrl.u32 v3, $0x3  }
0x289: {  	v4 =	vmul.u32 $0x30, v58  }
0x28a: {  	v3 =	vand.u32 $0x7, v3  }
0x28b: {  	v3 =	vor.u32 v3, v4  }
0x28c: {  	v4 =	vperm.xlane v3, v0;
	_ =	sdelay $0x1  }
0x28d: {  	v4 =	vadd.s32 v1, v4;
	_ =	sdelay $0x3  }
0x28e: {  	v3 =	vperm.xlane v3, v2  }
0x28f: {  	[tilespmem:s30], [sflag:$0x2] =	stream.indirect_vreg.gather [hbm4b:s3+s4], $0x80, v4, vm0, $0xb8;
	[tilespmem:$0x1A400] =	vst v63  }
0x290: {  	s17 =	simm.s32 $0xEC00;
	v3 =	vadd.s32 v1, v3  }
0x291: {  	[tilespmem:s17], [sflag:$0x2] =	stream.indirect_vreg.gather [hbm4b:s6+s4], $0x80, v4, vm0, $0xb8;
	[tilespmem:$0x1A400] =	vst v63  }
0x292: {  	s21 =	simm.s32 $0xF400  }
0x293: {  	[tilespmem:s21], [sflag:$0x2] =	stream.indirect_vreg.gather [hbm4b:s7+s4], $0x80, v4, vm0, $0xb8;
	[tilespmem:$0x1A400] =	vst v63  }
0x294: {  	s24 =	simm.s32 $0xFC00  }
0x295: {  	[tilespmem:s24], [sflag:$0x2] =	stream.indirect_vreg.gather [hbm4b:s3+s4], $0x80, v3, vm0, $0xb8;
	[tilespmem:$0x1A400] =	vst v63  }
0x296: {  	s17 =	simm.s32 $0x10400  }
0x297: {  	[tilespmem:s17], [sflag:$0x2] =	stream.indirect_vreg.gather [hbm4b:s6+s4], $0x80, v3, vm0, $0xb8;
	[tilespmem:$0x1A400] =	vst v63  }
0x298: {  	s21 =	simm.s32 $0x10C00  }
0x299: {  	[tilespmem:s21], [sflag:$0x2] =	stream.indirect_vreg.gather [hbm4b:s7+s4], $0x80, v3, vm0, $0xb8;
	[tilespmem:$0x1A400] =	vst v63  }
0x29a: {  	v3 =	vld [tilespmem:$0x3B0];
	_ =	sdelay $0x4  }
0x29b: {  	v59 =	vshrl.u32 v3, $0x3  }
0x29c: {  	v4 =	vmul.u32 $0x30, v59  }
0x29d: {  	v3 =	vand.u32 $0x7, v3  }
0x29e: {  	v3 =	vor.u32 v3, v4  }
0x29f: {  	v4 =	vperm.xlane v3, v0;
	_ =	sdelay $0x1  }
0x2a0: {  	v4 =	vadd.s32 v1, v4;
	_ =	sdelay $0x3  }
0x2a1: {  	s24 =	simm.s32 $0x11400;
	v3 =	vperm.xlane v3, v2  }
0x2a2: {  	[tilespmem:s24], [sflag:$0x2] =	stream.indirect_vreg.gather [hbm4b:s3+s4], $0x80, v4, vm0, $0xb8;
	[tilespmem:$0x1A400] =	vst v63  }
0x2a3: {  	s17 =	simm.s32 $0x11C00;
	v3 =	vadd.s32 v1, v3  }
0x2a4: {  	[tilespmem:s17], [sflag:$0x2] =	stream.indirect_vreg.gather [hbm4b:s6+s4], $0x80, v4, vm0, $0xb8;
	[tilespmem:$0x1A400] =	vst v63  }
0x2a5: {  	s21 =	simm.s32 $0x12400  }
0x2a6: {  	[tilespmem:s21], [sflag:$0x2] =	stream.indirect_vreg.gather [hbm4b:s7+s4], $0x80, v4, vm0, $0xb8;
	[tilespmem:$0x1A400] =	vst v63  }
0x2a7: {  	s24 =	simm.s32 $0x12C00  }
0x2a8: {  	[tilespmem:s24], [sflag:$0x2] =	stream.indirect_vreg.gather [hbm4b:s3+s4], $0x80, v3, vm0, $0xb8;
	[tilespmem:$0x1A400] =	vst v63  }
0x2a9: {  	s17 =	simm.s32 $0x13400  }
0x2aa: {  	[tilespmem:s17], [sflag:$0x2] =	stream.indirect_vreg.gather [hbm4b:s6+s4], $0x80, v3, vm0, $0xb8;
	[tilespmem:$0x1A400] =	vst v63  }
0x2ab: {  	s21 =	simm.s32 $0x13C00  }
0x2ac: {  	[tilespmem:s21], [sflag:$0x2] =	stream.indirect_vreg.gather [hbm4b:s7+s4], $0x80, v3, vm0, $0xb8;
	[tilespmem:$0x1A400] =	vst v63  }
0x2ad: {  	_ =	swait.ge [sflag:s0], $0x6000  }
0x2ae: {  	[sflag:s0] =	ssyncset.done $0x0  }
0x2af: {  	s24 =	rddreg [dreg:$0x16];
	[sflag:s0] =	ssyncadd.s32 $0xFFFFA000  }
0x2b0: {  	[hbm4b:s24+s4] =	stream.linear.scatter [tilespmem:s2], [sflag:$0x4], $0x6000, $0x38;
	[tilespmem:$0x1A400] =	vst v63  }
0x2b1: {  	_ =	swait.ge [sflag:s9], $0x6000  }
0x2b2: {  	[sflag:s9] =	ssyncset.done $0x0  }
0x2b3: {  	[sflag:s9] =	ssyncadd.s32 $0xFFFFA000  }
0x2b4: {  	v3 =	vld [tilespmem:$0x3C0];
	_ =	sdelay $0x4  }
0x2b5: {  	v60 =	vshrl.u32 v3, $0x3  }
0x2b6: {  	v4 =	vmul.u32 $0x30, v60  }
0x2b7: {  	v3 =	vand.u32 $0x7, v3  }
0x2b8: {  	v3 =	vor.u32 v3, v4  }
0x2b9: {  	v4 =	vperm.xlane v3, v0;
	_ =	sdelay $0x1  }
0x2ba: {  	v4 =	vadd.s32 v1, v4;
	_ =	sdelay $0x3  }
0x2bb: {  	v3 =	vperm.xlane v3, v2  }
0x2bc: {  	[tilespmem:s2], [sflag:$0x3] =	stream.indirect_vreg.gather [hbm4b:s3+s4], $0x80, v4, vm0, $0xb8;
	[tilespmem:$0x1A400] =	vst v63  }
0x2bd: {  	s22 =	simm.s32 $0x14C00;
	v3 =	vadd.s32 v1, v3  }
0x2be: {  	[tilespmem:s22], [sflag:$0x3] =	stream.indirect_vreg.gather [hbm4b:s6+s4], $0x80, v4, vm0, $0xb8;
	[tilespmem:$0x1A400] =	vst v63  }
0x2bf: {  	s26 =	simm.s32 $0x15400  }
0x2c0: {  	[tilespmem:s26], [sflag:$0x3] =	stream.indirect_vreg.gather [hbm4b:s7+s4], $0x80, v4, vm0, $0xb8;
	[tilespmem:$0x1A400] =	vst v63  }
0x2c1: {  	s29 =	simm.s32 $0x15C00  }
0x2c2: {  	[tilespmem:s29], [sflag:$0x3] =	stream.indirect_vreg.gather [hbm4b:s3+s4], $0x80, v3, vm0, $0xb8;
	[tilespmem:$0x1A400] =	vst v63  }
0x2c3: {  	s31 =	simm.s32 $0x16400  }
0x2c4: {  	[tilespmem:s31], [sflag:$0x3] =	stream.indirect_vreg.gather [hbm4b:s6+s4], $0x80, v3, vm0, $0xb8;
	[tilespmem:$0x1A400] =	vst v63  }
0x2c5: {  	s26 =	simm.s32 $0x16C00  }
0x2c6: {  	[tilespmem:s26], [sflag:$0x3] =	stream.indirect_vreg.gather [hbm4b:s7+s4], $0x80, v3, vm0, $0xb8;
	[tilespmem:$0x1A400] =	vst v63  }
0x2c7: {  	v3 =	vld [tilespmem:$0x3D0];
	_ =	sdelay $0x4  }
0x2c8: {  	v61 =	vshrl.u32 v3, $0x3  }
0x2c9: {  	v4 =	vmul.u32 $0x30, v61  }
0x2ca: {  	v3 =	vand.u32 $0x7, v3  }
0x2cb: {  	v3 =	vor.u32 v3, v4  }
0x2cc: {  	v4 =	vperm.xlane v3, v0;
	_ =	sdelay $0x1  }
0x2cd: {  	v4 =	vadd.s32 v1, v4;
	_ =	sdelay $0x3  }
0x2ce: {  	s29 =	simm.s32 $0x17400;
	v3 =	vperm.xlane v3, v2  }
0x2cf: {  	[tilespmem:s29], [sflag:$0x3] =	stream.indirect_vreg.gather [hbm4b:s3+s4], $0x80, v4, vm0, $0xb8;
	[tilespmem:$0x1A400] =	vst v63  }
0x2d0: {  	s31 =	simm.s32 $0x17C00;
	v3 =	vadd.s32 v1, v3  }
0x2d1: {  	[tilespmem:s31], [sflag:$0x3] =	stream.indirect_vreg.gather [hbm4b:s6+s4], $0x80, v4, vm0, $0xb8;
	[tilespmem:$0x1A400] =	vst v63  }
0x2d2: {  	s17 =	simm.s32 $0x18400  }
0x2d3: {  	[tilespmem:s17], [sflag:$0x3] =	stream.indirect_vreg.gather [hbm4b:s7+s4], $0x80, v4, vm0, $0xb8;
	[tilespmem:$0x1A400] =	vst v63  }
0x2d4: {  	s21 =	simm.s32 $0x18C00  }
0x2d5: {  	[tilespmem:s21], [sflag:$0x3] =	stream.indirect_vreg.gather [hbm4b:s3+s4], $0x80, v3, vm0, $0xb8;
	[tilespmem:$0x1A400] =	vst v63  }
0x2d6: {  	s22 =	simm.s32 $0x19400  }
0x2d7: {  	[tilespmem:s22], [sflag:$0x3] =	stream.indirect_vreg.gather [hbm4b:s6+s4], $0x80, v3, vm0, $0xb8;
	[tilespmem:$0x1A400] =	vst v63  }
0x2d8: {  	s24 =	simm.s32 $0x19C00  }
0x2d9: {  	[tilespmem:s24], [sflag:$0x3] =	stream.indirect_vreg.gather [hbm4b:s7+s4], $0x80, v3, vm0, $0xb8;
	[tilespmem:$0x1A400] =	vst v63  }
0x2da: {  	_ =	swait.ge [sflag:s13], $0x6000  }
0x2db: {  	[sflag:s13] =	ssyncset.done $0x0  }
0x2dc: {  	s26 =	rddreg [dreg:$0x17];
	[sflag:s13] =	ssyncadd.s32 $0xFFFFA000  }
0x2dd: {  	[hbm4b:s26+s4] =	stream.linear.scatter [tilespmem:s15], [sflag:$0x4], $0x6000, $0x38;
	[tilespmem:$0x1A400] =	vst v63  }
0x2de: {  	_ =	swait.ge [sflag:s9], $0x6000  }
0x2df: {  	[sflag:s9] =	ssyncset.done $0x0  }
0x2e0: {  	[sflag:s9] =	ssyncadd.s32 $0xFFFFA000  }
0x2e1: {  	v3 =	vld [tilespmem:$0x3E0];
	_ =	sdelay $0x4  }
0x2e2: {  	v62 =	vshrl.u32 v3, $0x3  }
0x2e3: {  	v4 =	vmul.u32 $0x30, v62  }
0x2e4: {  	v3 =	vand.u32 $0x7, v3  }
0x2e5: {  	v3 =	vor.u32 v3, v4  }
0x2e6: {  	v4 =	vperm.xlane v3, v0;
	_ =	sdelay $0x1  }
0x2e7: {  	v4 =	vadd.s32 v1, v4;
	_ =	sdelay $0x3  }
0x2e8: {  	v3 =	vperm.xlane v3, v2  }
0x2e9: {  	[tilespmem:s15], [sflag:$0x1] =	stream.indirect_vreg.gather [hbm4b:s3+s4], $0x80, v4, vm0, $0xb8;
	[tilespmem:$0x1A400] =	vst v63  }
0x2ea: {  	s25 =	simm.s32 $0x8C00;
	v3 =	vadd.s32 v1, v3  }
0x2eb: {  	[tilespmem:s25], [sflag:$0x1] =	stream.indirect_vreg.gather [hbm4b:s6+s4], $0x80, v4, vm0, $0xb8;
	[tilespmem:$0x1A400] =	vst v63  }
0x2ec: {  	s18 =	simm.s32 $0x9400  }
0x2ed: {  	[tilespmem:s18], [sflag:$0x1] =	stream.indirect_vreg.gather [hbm4b:s7+s4], $0x80, v4, vm0, $0xb8;
	[tilespmem:$0x1A400] =	vst v63  }
0x2ee: {  	s28 =	simm.s32 $0x9C00  }
0x2ef: {  	[tilespmem:s28], [sflag:$0x1] =	stream.indirect_vreg.gather [hbm4b:s3+s4], $0x80, v3, vm0, $0xb8;
	[tilespmem:$0x1A400] =	vst v63  }
0x2f0: {  	s20 =	simm.s32 $0xA400  }
0x2f1: {  	[tilespmem:s20], [sflag:$0x1] =	stream.indirect_vreg.gather [hbm4b:s6+s4], $0x80, v3, vm0, $0xb8;
	[tilespmem:$0x1A400] =	vst v63  }
0x2f2: {  	s19 =	simm.s32 $0xAC00  }
0x2f3: {  	[tilespmem:s19], [sflag:$0x1] =	stream.indirect_vreg.gather [hbm4b:s7+s4], $0x80, v3, vm0, $0xb8;
	[tilespmem:$0x1A400] =	vst v63  }
0x2f4: {  	v3 =	vld [tilespmem:$0x3F0];
	_ =	sdelay $0x4  }
0x2f5: {  	v63 =	vshrl.u32 v3, $0x3  }
0x2f6: {  	v4 =	vmul.u32 $0x30, v63  }
0x2f7: {  	v3 =	vand.u32 $0x7, v3  }
0x2f8: {  	v3 =	vor.u32 v3, v4  }
0x2f9: {  	v4 =	vperm.xlane v3, v0;
	_ =	sdelay $0x1  }
0x2fa: {  	v4 =	vadd.s32 v1, v4;
	_ =	sdelay $0x3  }
0x2fb: {  	s23 =	simm.s32 $0xB400;
	v3 =	vperm.xlane v3, v2  }
0x2fc: {  	[tilespmem:s23], [sflag:$0x1] =	stream.indirect_vreg.gather [hbm4b:s3+s4], $0x80, v4, vm0, $0xb8;
	[tilespmem:$0x1A400] =	vst v63  }
0x2fd: {  	s5 =	simm.s32 $0xBC00;
	v3 =	vadd.s32 v1, v3  }
0x2fe: {  	[tilespmem:s5], [sflag:$0x1] =	stream.indirect_vreg.gather [hbm4b:s6+s4], $0x80, v4, vm0, $0xb8;
	[tilespmem:$0x1A400] =	vst v63  }
0x2ff: {  	s10 =	simm.s32 $0xC400  }
0x300: {  	[tilespmem:s10], [sflag:$0x1] =	stream.indirect_vreg.gather [hbm4b:s7+s4], $0x80, v4, vm0, $0xb8;
	[tilespmem:$0x1A400] =	vst v63  }
0x301: {  	s11 =	simm.s32 $0xCC00  }
0x302: {  	[tilespmem:s11], [sflag:$0x1] =	stream.indirect_vreg.gather [hbm4b:s3+s4], $0x80, v3, vm0, $0xb8;
	[tilespmem:$0x1A400] =	vst v63  }
0x303: {  	s12 =	simm.s32 $0xD400  }
0x304: {  	[tilespmem:s12], [sflag:$0x1] =	stream.indirect_vreg.gather [hbm4b:s6+s4], $0x80, v3, vm0, $0xb8;
	[tilespmem:$0x1A400] =	vst v63  }
0x305: {  	s16 =	simm.s32 $0xDC00  }
0x306: {  	[tilespmem:s16], [sflag:$0x1] =	stream.indirect_vreg.gather [hbm4b:s7+s4], $0x80, v3, vm0, $0xb8;
	[tilespmem:$0x1A400] =	vst v63  }
0x307: {  	_ =	swait.ge [sflag:s14], $0x6000  }
0x308: {  	[sflag:s14] =	ssyncset.done $0x0  }
0x309: {  	s28 =	rddreg [dreg:$0x18];
	[sflag:s14] =	ssyncadd.s32 $0xFFFFA000  }
0x30a: {  	[hbm4b:s28+s4] =	stream.linear.scatter [tilespmem:s30], [sflag:$0x4], $0x6000, $0x38;
	[tilespmem:$0x1A400] =	vst v63  }
0x30b: {  	_ =	swait.ge [sflag:s9], $0x6000  }
0x30c: {  	[sflag:s9] =	ssyncset.done $0x0  }
0x30d: {  	[sflag:s9] =	ssyncadd.s32 $0xFFFFA000  }
0x30e: {  	_ =	swait.ge [sflag:s0], $0x6000  }
0x30f: {  	[sflag:s0] =	ssyncset.done $0x0  }
0x310: {  	s29 =	rddreg [dreg:$0x19];
	[sflag:s0] =	ssyncadd.s32 $0xFFFFA000  }
0x311: {  	[hbm4b:s29+s4] =	stream.linear.scatter [tilespmem:s2], [sflag:$0x4], $0x6000, $0x38;
	[tilespmem:$0x1A400] =	vst v63  }
0x312: {  	_ =	swait.ge [sflag:s9], $0x6000  }
0x313: {  	[sflag:s9] =	ssyncset.done $0x0  }
0x314: {  	[sflag:s9] =	ssyncadd.s32 $0xFFFFA000  }
0x315: {  	_ =	swait.ge [sflag:s13], $0x6000  }
0x316: {  	p0 =	sne.s32 s8, $0x1;
	[sflag:s13] =	ssyncset.done $0x0  }
.Ltmp0:
0x317: {  	s31 =	rddreg [dreg:$0x1a];
	[sflag:s13] =	ssyncadd.s32 $0xFFFFA000;
	(pc) =	sbr.rel @p0 .LBB2_1-.Ltmp0, $4  }
0x318: {  	[hbm4b:s31+s4] =	stream.linear.scatter [tilespmem:s15], [sflag:$0x4], $0x6000, $0x38;
	[tilespmem:$0x1A400] =	vst v63  }
0x319: {  	_ =	swait.ge [sflag:s9], $0x6000  }
0x31a: {  	[sflag:s9] =	ssyncset.done $0x0  }
0x31b: {  	s8 =	sadd.s32 $0xFFFFFFFF, s8;
	[sflag:s9] =	ssyncadd.s32 $0xFFFFA000  }
0x31c: {  	_ =	sfence.sel $0x180000  }
0x31d: {  	[bflag:$0x0] =	sbarrier.arrive $0xFFFF  }
0x31e: {  	_ =	strace $0x9000004A  }
0x31f: {  	s0 =	stileid.u32;
	[bflag:$0x2] =	sbarrier.arrive $0xFFFF  }
0x320: {  	p0 =	sne.s32 s0, $0x0;
	s0 =	rddreg [dreg:$0x5]  }
0x321: {  	s0 =	sadd.s32 @!p0 $0x100000, s0  }
0x322: {  	[sflag:s0] =	ssyncadd.tile.s32 @!p0 $0x1;
	_ =	shalt  }
.Lfunc_end2:
_tile_overlayer_lowered:
.L_overlay_start_2:
0x323: {  	(tag) =	ssettag $0x2  }
0x324: {  	s0 =	rddreg [dreg:$0x0];
	s2 =	stileid.u32  }
0x325: {  	s1 =	rddreg [dreg:$0x1];
	p0 =	sne.s32 s2, $0x0  }
0x326: {  	s3 =	rddreg [dreg:$0x2];
	[bflag:$0x3] =	sbarrier.arrive $0xFFFF;
	s2 =	simm.s32 @!p0 $0x1C04  }
0x327: {  	[timem:s3], [sflag:s2] =	dma.local @!p0 [hbm:s0], s1  }
0x328: {  	s0 =	simm.s32 @!p0 $0x4  }
0x329: {  	_ =	swait.ge @!p0 [sflag:s0], s1  }
0x32a: {  	s1 =	ssub.s32 @!p0 $0x0, s1;
	[sflag:s0] =	ssyncset.done @!p0 $0x0  }
0x32b: {  	[sflag:s0] =	ssyncadd.s32 @!p0 s1  }
0x32c: {  	[bflag:$0x3] =	sbarrier.arrive $0xFFFF  }
0x32d: {  	_ =	shalt  }

// kernel: kernel.8.cloned.1.call-start
scs
__scs_entry_jumppad:
0x0: {  	(pc) =	sbr.rel $0x88, $3  }
0x1: {  	(tag) =	ssettag $0x0;
	lr =	simm.s32 $0x1  }
0x2: {  	[smem:$0x3F93] =	sst lr;
	_ =	strace $0xD0000000  }
0x3: {  	_ = 	snop  }
0x4: {  	_ = 	snop  }
0x5: {  	_ = 	snop  }
0x6: {  	_ = 	snop  }
0x7: {  	_ = 	snop  }
__scs_overlays_trampoline_lowered:
0x8: {  	[smem:$0x3FA2] =	sst s0  }
0x9: {  	[smem:$0x3FA3] =	sst s1  }
0xa: {  	[smem:$0x3FA4] =	sst s2  }
0xb: {  	[smem:$0x3FA5] =	sst s3  }
0xc: {  	[smem:$0x3FA6] =	sst s4  }
0xd: {  	[smem:$0x3FA7] =	sst s5  }
0xe: {  	[smem:$0x3FA8] =	sst s6  }
0xf: {  	[smem:$0x3FA9] =	sst s7  }
0x10: {  	[smem:$0x3FAA] =	sst s8  }
0x11: {  	[smem:$0x3FAB] =	sst s9;
	s0 =	simm.s32 @!p0 $0x0  }
0x12: {  	s1 =	sld [smem:$0x3F91];
	s0 =	simm.s32 @p0 $0x1  }
0x13: {  	[smem:$0x3FAC] =	sst s0;
	s0 =	simm.s32 @!p1 $0x0  }
0x14: {  	s2 =	sld [smem:$0x3F90];
	s0 =	simm.s32 @p1 $0x1  }
0x15: {  	[smem:$0x3FAD] =	sst s0;
	s0 =	simm.s32 @!p2 $0x0  }
0x16: {  	s3 =	sld [smem:$0x3FDB];
	s0 =	simm.s32 @p2 $0x1  }
0x17: {  	s4 =	simm.s32 $0x1BF5;
	[smem:$0x3FAF] =	sst s0  }
0x18: {  	s0 =	sld [smem:$0x3F92];
	_ =	swait.ge [sflag:s4], $0x0  }
0x19: {  	s7 =	sld [smem:$0x3F93]  }
0x1a: {  	s8 =	sadd.s32 $0xFFFFE003, lr  }
0x1b: {  	s9 =	sadd.s32 $0xFFFFFEF7, lr;
	s5 =	simm.s32 $0xFFFFFFFF;
	p2 =	slt.u32 s8, $0xFFFFF086  }
0x1c: {  	p1 =	slt.u32 s9, $0xF7A;
	s5 =	simm.s32 @!p2 $0x0  }
0x1d: {  	s5 =	simm.s32 @p1 $0x1;
	p0 =	seq.s32 s7, s2  }
0x1e: {  	s7 =	smul.u32 @!p0 $0xF7A, s2;
	p2 =	seq.s32 @!p0 s5, $0x0  }
0x1f: {  	s9 =	smul.u32 $0xF7A, s1;
	s8 =	simm.s32 @!p0 $0x1BF5;
	p2 =	por !p2, p0  }
0x20: {  	[sflag:s8] =	ssyncset.s32 @!p0 $0xFFFFF086;
	s6 =	sadd.s32 @!p0 s3, s7;
	s7 =	simm.s32 @!p0 $0x108  }
0x21: {  	s3 =	sadd.s32 s3, s9;
	s6 =	sadd.s32 @!p0 $0x88, s6;
	s7 =	simm.s32 @p2 $0x1082  }
0x22: {  	[simem:s7], [sflag:s8] =	dma.local @!p0 [hbm:s6], $0xF7A  }
0x23: {  	s9 =	sor.u32 $0xD0000000, s2;
	s6 =	simm.s32 $0x108;
	_ =	swait.ge @!p0 [sflag:s8], $0x0  }
0x24: {  	s3 =	sadd.s32 $0x88, s3;
	s6 =	simm.s32 @!p1 $0x1082;
	[sflag:s4] =	ssyncset.s32 $0xFFFFF086  }
0x25: {  	[simem:s6], [sflag:s4] =	dma.local [hbm:s3], $0xF7A  }
0x26: {  	[smem:$0x3F93] =	sst s1;
	(tag) =	ssettag s2;
	_ =	strace s9  }
0x27: {  	s1 =	sld [smem:$0x3FA3]  }
0x28: {  	s2 =	sld [smem:$0x3FA4]  }
0x29: {  	s4 =	sld [smem:$0x3FA6]  }
0x2a: {  	p0 =	seq.s32 s5, $0x0;
	s5 =	sld [smem:$0x3FA7]  }
0x2b: {  	s6 =	sld [smem:$0x3FA8]  }
0x2c: {  	s7 =	sld [smem:$0x3FA9]  }
0x2d: {  	s3 =	simm.s32 $0x108;
	s8 =	sld [smem:$0x3FAA]  }
0x2e: {  	s3 =	simm.s32 @!p0 $0x1082;
	s9 =	sld [smem:$0x3FAB]  }
0x2f: {  	lr =	sadd.s32 s0, s3;
	s0 =	sld [smem:$0x3FA2]  }
0x30: {  	s3 =	sld [smem:$0x3FA5]  }
0x31: {  	[smem:$0x3FAE] =	sst s10  }
0x32: {  	s10 =	sld [smem:$0x3FAC];
	_ =	sdelay $0x3  }
0x33: {  	p0 =	seq.s32 s10, $0x1;
	s10 =	sld [smem:$0x3FAE];
	_ =	sdelay $0x3  }
0x34: {  	[smem:$0x3FAE] =	sst s10  }
0x35: {  	s10 =	sld [smem:$0x3FAD];
	_ =	sdelay $0x3  }
0x36: {  	p1 =	seq.s32 s10, $0x1;
	s10 =	sld [smem:$0x3FAE];
	_ =	sdelay $0x3  }
0x37: {  	[smem:$0x3FAE] =	sst s10  }
0x38: {  	s10 =	sld [smem:$0x3FAF]  }
0x39: {  	_ = 	snop;
	(pc) =	sbr.ind lr, $3  }
0x3a: {  	_ = 	snop  }
0x3b: {  	_ = 	snop  }
0x3c: {  	p2 =	seq.s32 s10, $0x1;
	s10 =	sld [smem:$0x3FAE]  }
0x3d: {  	_ =	shalt  }
0x3e: {  	_ =	shalt  }
0x3f: {  	_ =	shalt  }
0x40: {  	_ =	shalt  }
0x41: {  	_ =	shalt  }
0x42: {  	_ =	shalt  }
0x43: {  	_ =	shalt  }
0x44: {  	_ =	shalt  }
0x45: {  	_ =	shalt  }
0x46: {  	_ =	shalt  }
0x47: {  	_ =	shalt  }
0x48: {  	_ =	shalt  }
0x49: {  	_ =	shalt  }
0x4a: {  	_ =	shalt  }
0x4b: {  	_ =	shalt  }
0x4c: {  	_ =	shalt  }
0x4d: {  	_ =	shalt  }
0x4e: {  	_ =	shalt  }
0x4f: {  	_ =	shalt  }
0x50: {  	_ =	shalt  }
0x51: {  	_ =	shalt  }
0x52: {  	_ =	shalt  }
0x53: {  	_ =	shalt  }
0x54: {  	_ =	shalt  }
0x55: {  	_ =	shalt  }
0x56: {  	_ =	shalt  }
0x57: {  	_ =	shalt  }
0x58: {  	_ =	shalt  }
0x59: {  	_ =	shalt  }
0x5a: {  	_ =	shalt  }
0x5b: {  	_ =	shalt  }
0x5c: {  	_ =	shalt  }
0x5d: {  	_ =	shalt  }
0x5e: {  	_ =	shalt  }
0x5f: {  	_ =	shalt  }
0x60: {  	_ =	shalt  }
0x61: {  	_ =	shalt  }
0x62: {  	_ =	shalt  }
0x63: {  	_ =	shalt  }
0x64: {  	_ =	shalt  }
0x65: {  	_ =	shalt  }
0x66: {  	_ =	shalt  }
0x67: {  	_ =	shalt  }
0x68: {  	_ =	shalt  }
0x69: {  	_ =	shalt  }
0x6a: {  	_ =	shalt  }
0x6b: {  	_ =	shalt  }
0x6c: {  	_ =	shalt  }
0x6d: {  	_ =	shalt  }
0x6e: {  	_ =	shalt  }
0x6f: {  	_ =	shalt  }
0x70: {  	_ =	shalt  }
0x71: {  	_ =	shalt  }
0x72: {  	_ =	shalt  }
0x73: {  	_ =	shalt  }
0x74: {  	_ =	shalt  }
0x75: {  	_ =	shalt  }
0x76: {  	_ =	shalt  }
0x77: {  	_ =	shalt  }
0x78: {  	_ =	shalt  }
0x79: {  	_ =	shalt  }
0x7a: {  	_ =	shalt  }
0x7b: {  	_ =	shalt  }
0x7c: {  	_ =	shalt  }
0x7d: {  	_ =	shalt  }
0x7e: {  	_ =	shalt  }
0x7f: {  	_ =	shalt  }
0x80: {  	_ =	shalt  }
0x81: {  	_ =	shalt  }
0x82: {  	_ =	shalt  }
0x83: {  	_ =	shalt  }
0x84: {  	_ =	shalt  }
0x85: {  	_ =	shalt  }
0x86: {  	_ =	shalt  }
0x87: {  	_ =	shalt  }
.Lfunc_end0:
.L_simem_size_0:
called_computation_lowered:
.L_overlay_start_0:
0x88: {  	s2 =	sld [smem:$0x3FD9]  }
0x89: {  	s3 =	sld [smem:$0x3FFE];
	_ =	sdelay $0x1  }
0x8a: {  	s1 =	srdreg.scid  }
0x8b: {  	s0 =	sand.u32 $0x1, s1  }
0x8c: {  	s17 =	sshll.u32 s0, $0xA;
	s2 =	sadd.s32 s3, s2  }
0x8d: {  	s2 =	sadd.s32 s2, s17  }
0x8e: {  	[smem:$0x3FBA] =	sst s2  }
0x8f: {  	_ = 	snop  }
0x90: {  	s2 =	sld [smem:$0x3FC8]  }
0x91: {  	s18 =	sld [smem:$0x3FC7];
	(tm) =	ssettm $0x1  }
0x92: {  	s4 =	sld [smem:$0x3FFB];
	_ =	sdelay $0x3  }
0x93: {  	_ =	strace s4  }
0x94: {  	s4 =	sld [smem:$0x3FFC];
	_ =	sdelay $0x3  }
0x95: {  	_ =	strace s4  }
0x96: {  	s4 =	sld [smem:$0x3FFD];
	_ =	sdelay $0x3  }
0x97: {  	_ =	strace s4  }
0x98: {  	_ =	strace $0x8FFFFFFF  }
0x99: {  	s19 =	sld [smem:$0x3FDB];
	_ =	sdelay $0x1  }
0x9a: {  	s5 =	simm.s32 $_scs_section_size  }
0x9b: {  	s6 =	simm.s32 $_size__tile_overlayer_lowered;
	s7 =	simm.s32 $_tile_overlayer_lowered  }
0x9c: {  	s22 =	simm.s32 $0x1BFF;
	s21 =	sshll.u32 s7, $0x1;
	s4 =	sadd.s32 s5, s19  }
0x9d: {  	s8 =	simm.s32 $0x0;
	s20 =	sshll.u32 s6, $0x1;
	s6 =	sadd.s32 s21, s4  }
0x9e: {  	[timem:s8], [sflag:s22] =	dma.local [hbm:s6], s20  }
0x9f: {  	_ =	swait.ge [sflag:s22], s20  }
0xa0: {  	s5 =	ssub.s32 $0x0, s20;
	[sflag:s22] =	ssyncset.done $0x0  }
0xa1: {  	[sflag:s22] =	ssyncadd.s32 s5;
	_ =	sdelay $0x1  }
0xa2: {  	s23 =	simm.s32 $0x1B8B  }
0xa3: {  	_ =	swait.ge [sflag:s23], $0x1  }
0xa4: {  	[sflag:s23] =	ssyncset.done $0x0  }
0xa5: {  	s25 =	simm.s32 $0x1B8E;
	s24 =	sld [smem:$0x3FFE];
	[sflag:s23] =	ssyncadd.s32 $0xFFFFFFFF  }
0xa6: {  	s26 =	simm.s32 $execute0_lowered;
	[smem:$0x3FD2] =	sst s25  }
0xa7: {  	s6 =	sshll.u32 s26, $0x1;
	_ =	strace $0x80000046;
	[dreg:$0x1] =	wrdreg $0xFFFFFFFF  }
0xa8: {  	s28 =	simm.s32 $_size_execute0_lowered;
	s4 =	sadd.s32 s4, s6;
	[dreg:$0x0] =	wrdreg $0x0  }
0xa9: {  	s6 =	sshll.u32 s28, $0x1;
	[dreg:$0x2] =	wrdreg s4  }
0xaa: {  	[dreg:$0x3] =	wrdreg s6  }
0xab: {  	[dreg:$0x4] =	wrdreg $0xC0  }
0xac: {  	_ =	task [dreg:s8], $0x5FFFF  }
0xad: {  	[dreg:$0x1] =	wrdreg $0xFFFFFFFF  }
0xae: {  	[dreg:$0x0] =	wrdreg $0x60  }
0xaf: {  	[dreg:$0x2] =	wrdreg s2  }
0xb0: {  	[dreg:$0x3] =	wrdreg s18  }
0xb1: {  	[dreg:$0x4] =	wrdreg s24  }
0xb2: {  	[dreg:$0x5] =	wrdreg $0x9  }
0xb3: {  	_ =	task.clear_ibuf [dreg:s8], $0x6FFFF;
	_ =	strace $0x90000046  }
0xb4: {  	s29 =	simm.s32 $0x9;
	_ =	strace $0x80000048  }
0xb5: {  	_ =	swait.ge [sflag:s29], $0x1  }
0xb6: {  	[sflag:s29] =	ssyncadd.s32 $0xFFFFFFFF  }
0xb7: {  	_ =	strace $0x90000048  }
0xb8: {  	_ =	sfence  }
0xb9: {  	s30 =	sld [smem:$0x0];
	_ =	sdelay $0x2  }
0xba: {  	s31 =	sshll.u32 s1, $0xD;
	s1 =	sshrl.u32 s1, $0x2  }
0xbb: {  	s3 =	sand.u32 $0x4000, s31;
	s1 =	sadd.s32 s1, s30  }
0xbc: {  	s0 =	sor.u32 s3, s0;
	s1 =	sshll.u32 s1, $0x11  }
0xbd: {  	s0 =	sor.u32 s1, s0  }
0xbe: {  	s0 =	sadd.s32 $0x8F2B, s0  }
0xbf: {  	[sflag:s0] =	ssyncadd.remote.s32 $0x1  }
0xc0: {  	_ =	sfence.sel $0xFFFF  }
0xc1: {  	[dreg:$0x0] =	wrdreg $0xFFFFFFFF;
	(pc) =	sbr.abs _section_cstart, $3  }
0xc2: {  	[dreg:$0x1] =	wrdreg $0xFFFFFFFF  }
0xc3: {  	_ =	task.clear_ibuf [dreg:s8], $0x2FFFF;
	_ =	strace $0x9FFFFFFF  }
0xc4: {  	(tm) =	ssettm $0x7FFFFFFF  }
0xc5: {  	_ =	shalt  }
tec
execute0_lowered:
.L_overlay_start_1:
0x0: {  	(tag) =	ssettag $0x1  }
0x1: {  	s3 =	rddreg [dreg:$0x0];
	s1 =	srdreg.scid  }
0x2: {  	s5 =	rddreg [dreg:$0x1];
	s0 =	stileid.u32;
	s28 =	sand.u32 $0x1, s1  }
0x3: {  	s22 =	rddreg [dreg:$0x2];
	s4 =	sshll.u32 s0, $0xA;
	s6 =	sshll.u32 s28, $0x9  }
0x4: {  	s2 =	simm.s32 $0x0;
	s1 =	rddreg [dreg:$0x3];
	s12 =	sor.u32 s6, s4  }
0x5: {  	[smem:$0x7FF] =	sst s2;
	s6 =	sshrl.u32 s12, $0x3  }
0x6: {  	_ =	strace $0x80000047;
	s4 =	sadd.s32 s3, s6;
	s3 =	simm.s32 $0x3  }
0x7: {  	[tilespmem:s2], [sflag:$0x3] =	stream.linear.gather [hbm4b:s4+s2], $0x200, $0x38;
	[tilespmem:$0x10400] =	vst v63  }
0x8: {  	_ =	swait.ge [sflag:s3], $0x200  }
0x9: {  	[sflag:s3] =	ssyncset.done $0x0  }
0xa: {  	s5 =	sadd.s32 s5, s6;
	s6 =	simm.s32 $0x200;
	[sflag:s3] =	ssyncadd.s32 $0xFFFFFE00  }
0xb: {  	[tilespmem:s6], [sflag:$0x3] =	stream.linear.gather [hbm4b:s5+s2], $0x200, $0x38;
	[tilespmem:$0x10400] =	vst v63  }
0xc: {  	_ =	swait.ge [sflag:s3], $0x200  }
0xd: {  	s8 =	simm.s32 $0x80;
	[sflag:s3] =	ssyncset.done $0x0  }
0xe: {  	s9 =	simm.s32 $0x400;
	s7 =	sadd.s32 $0x3000, s22;
	[sflag:s3] =	ssyncadd.s32 $0xFFFFFE00  }
0xf: {  	[tilespmem:s9], [sflag:$0x1] =	stream.indirect.gather [hbm4b:s7+s8], $0x80, s2, s8, $0xb8;
	[tilespmem:$0x10400] =	vst v63  }
0x10: {  	s10 =	simm.s32 $0x4400;
	s11 =	simm.s32 $0x1  }
0x11: {  	[tilespmem:s10], [sflag:$0x2] =	stream.indirect.gather [hbm4b:s7+s8], $0x80, s8, s8, $0xb8;
	[tilespmem:$0x10400] =	vst v63  }
0x12: {  	_ =	swait.ge [sflag:s11], $0x4000  }
0x13: {  	s18 =	sadd.s32 $0xC6600, s22;
	s23 =	sshll.u32 s12, $0x4;
	[sflag:s11] =	ssyncset.done $0x0  }
0x14: {  	s12 =	sadd.s32 s18, s23;
	[sflag:s11] =	ssyncadd.s32 $0xFFFFC000  }
0x15: {  	[hbm4b:s12+s2] =	stream.linear.scatter [tilespmem:s9], [sflag:$0x3], $0x4000, $0x38;
	[tilespmem:$0x10400] =	vst v63  }
0x16: {  	_ =	swait.ge [sflag:s3], $0x4000  }
0x17: {  	[sflag:s3] =	ssyncset.done $0x0  }
0x18: {  	s13 =	simm.s32 $0x100;
	s14 =	simm.s32 $0x2;
	[sflag:s3] =	ssyncadd.s32 $0xFFFFC000  }
0x19: {  	[tilespmem:s9], [sflag:$0x1] =	stream.indirect.gather [hbm4b:s7+s8], $0x80, s13, s8, $0xb8;
	[tilespmem:$0x10400] =	vst v63  }
0x1a: {  	_ =	swait.ge [sflag:s14], $0x4000  }
0x1b: {  	s24 =	sor.u32 $0x800, s23;
	[sflag:s14] =	ssyncset.done $0x0  }
0x1c: {  	s15 =	sadd.s32 s18, s24;
	[sflag:s14] =	ssyncadd.s32 $0xFFFFC000  }
0x1d: {  	[hbm4b:s15+s2] =	stream.linear.scatter [tilespmem:s10], [sflag:$0x3], $0x4000, $0x38;
	[tilespmem:$0x10400] =	vst v63  }
0x1e: {  	_ =	swait.ge [sflag:s3], $0x4000  }
0x1f: {  	[sflag:s3] =	ssyncset.done $0x0  }
0x20: {  	s16 =	simm.s32 $0x180;
	[sflag:s3] =	ssyncadd.s32 $0xFFFFC000  }
0x21: {  	[tilespmem:s10], [sflag:$0x2] =	stream.indirect.gather [hbm4b:s7+s8], $0x80, s16, s8, $0xb8;
	[tilespmem:$0x10400] =	vst v63  }
0x22: {  	_ =	swait.ge [sflag:s11], $0x4000  }
0x23: {  	s26 =	sor.u32 $0x1000, s23;
	[sflag:s11] =	ssyncset.done $0x0  }
0x24: {  	s17 =	sadd.s32 s18, s26;
	[sflag:s11] =	ssyncadd.s32 $0xFFFFC000  }
0x25: {  	[hbm4b:s17+s2] =	stream.linear.scatter [tilespmem:s9], [sflag:$0x3], $0x4000, $0x38;
	[tilespmem:$0x10400] =	vst v63  }
0x26: {  	_ =	swait.ge [sflag:s3], $0x4000  }
0x27: {  	[sflag:s3] =	ssyncset.done $0x0  }
0x28: {  	[sflag:s3] =	ssyncadd.s32 $0xFFFFC000  }
0x29: {  	_ =	swait.ge [sflag:s14], $0x4000  }
0x2a: {  	s29 =	sor.u32 $0x1800, s23;
	[sflag:s14] =	ssyncset.done $0x0  }
0x2b: {  	s18 =	sadd.s32 s18, s29;
	[sflag:s14] =	ssyncadd.s32 $0xFFFFC000  }
0x2c: {  	[hbm4b:s18+s2] =	stream.linear.scatter [tilespmem:s10], [sflag:$0x3], $0x4000, $0x38;
	[tilespmem:$0x10400] =	vst v63  }
0x2d: {  	_ =	swait.ge [sflag:s3], $0x4000  }
0x2e: {  	[sflag:s3] =	ssyncset.done $0x0  }
0x2f: {  	s19 =	simm.s32 $0x8400;
	[sflag:s3] =	ssyncadd.s32 $0xFFFFC000  }
0x30: {  	[tilespmem:s19], [sflag:$0x1] =	stream.indirect.gather [hbm4b:s7+s8], $0x80, s6, s8, $0xb8;
	[tilespmem:$0x10400] =	vst v63  }
0x31: {  	s20 =	simm.s32 $0x280;
	s21 =	simm.s32 $0xC400  }
0x32: {  	[tilespmem:s21], [sflag:$0x2] =	stream.indirect.gather [hbm4b:s7+s8], $0x80, s20, s8, $0xb8;
	[tilespmem:$0x10400] =	vst v63  }
0x33: {  	_ =	swait.ge [sflag:s11], $0x4000  }
0x34: {  	s30 =	sadd.s32 $0x106600, s22;
	[sflag:s11] =	ssyncset.done $0x0  }
0x35: {  	s22 =	sadd.s32 s30, s23;
	[sflag:s11] =	ssyncadd.s32 $0xFFFFC000  }
0x36: {  	[hbm4b:s22+s2] =	stream.linear.scatter [tilespmem:s19], [sflag:$0x3], $0x4000, $0x38;
	[tilespmem:$0x10400] =	vst v63  }
0x37: {  	_ =	swait.ge [sflag:s3], $0x4000  }
0x38: {  	[sflag:s3] =	ssyncset.done $0x0  }
0x39: {  	s23 =	simm.s32 $0x300;
	[sflag:s3] =	ssyncadd.s32 $0xFFFFC000  }
0x3a: {  	[tilespmem:s19], [sflag:$0x1] =	stream.indirect.gather [hbm4b:s7+s8], $0x80, s23, s8, $0xb8;
	[tilespmem:$0x10400] =	vst v63  }
0x3b: {  	_ =	swait.ge [sflag:s14], $0x4000  }
0x3c: {  	[sflag:s14] =	ssyncset.done $0x0  }
0x3d: {  	s24 =	sadd.s32 s30, s24;
	[sflag:s14] =	ssyncadd.s32 $0xFFFFC000  }
0x3e: {  	[hbm4b:s24+s2] =	stream.linear.scatter [tilespmem:s21], [sflag:$0x3], $0x4000, $0x38;
	[tilespmem:$0x10400] =	vst v63  }
0x3f: {  	_ =	swait.ge [sflag:s3], $0x4000  }
0x40: {  	[sflag:s3] =	ssyncset.done $0x0  }
0x41: {  	s25 =	simm.s32 $0x380;
	[sflag:s3] =	ssyncadd.s32 $0xFFFFC000  }
0x42: {  	[tilespmem:s21], [sflag:$0x2] =	stream.indirect.gather [hbm4b:s7+s8], $0x80, s25, s8, $0xb8;
	[tilespmem:$0x10400] =	vst v63  }
0x43: {  	_ =	swait.ge [sflag:s11], $0x4000  }
0x44: {  	[sflag:s11] =	ssyncset.done $0x0  }
0x45: {  	s28 =	ssub.s32 $0x2, s28;
	s26 =	sadd.s32 s30, s26;
	[sflag:s11] =	ssyncadd.s32 $0xFFFFC000  }
0x46: {  	[hbm4b:s26+s2] =	stream.linear.scatter [tilespmem:s19], [sflag:$0x3], $0x4000, $0x38;
	[tilespmem:$0x10400] =	vst v63  }
0x47: {  	s31 =	sshrl.u32 s28, $0x1;
	_ =	swait.ge [sflag:s3], $0x4000  }
0x48: {  	s31 =	ssub.s32 s28, s31;
	[sflag:s3] =	ssyncset.done $0x0  }
0x49: {  	s28 =	sadd.s32 s30, s29;
	s29 =	smax.u32 s31, $0x1;
	[sflag:s3] =	ssyncadd.s32 $0xFFFFC000  }
0x4a: {  	p0 =	sne.s32 s29, $0x1;
	_ =	swait.ge [sflag:s14], $0x4000  }
.Ltmp0:
0x4b: {  	[sflag:s14] =	ssyncset.done $0x0;
	(pc) =	sbr.rel @!p0 .LBB2_2-.Ltmp0, $4  }
0x4c: {  	[sflag:s14] =	ssyncadd.s32 $0xFFFFC000  }
0x4d: {  	[hbm4b:s28+s2] =	stream.linear.scatter [tilespmem:s21], [sflag:$0x3], $0x4000, $0x38;
	[tilespmem:$0x10400] =	vst v63  }
0x4e: {  	_ =	swait.ge [sflag:s3], $0x4000  }
0x4f: {  	s29 =	sadd.s32 $0xFFFFFFFF, s29;
	[sflag:s3] =	ssyncset.done $0x0  }
.LBB2_1:
0x50: {  	p0 =	sne.s32 s29, $0x1;
	s29 =	sadd.s32 $0xFFFFFFFF, s29;
	[sflag:s3] =	ssyncadd.s32 $0xFFFFC000  }
0x51: {  	[tilespmem:s2], [sflag:$0x3] =	stream.linear.gather [hbm4b:s4+s2], $0x200, $0x38;
	[tilespmem:$0x10400] =	vst v63  }
0x52: {  	_ =	swait.ge [sflag:s3], $0x200  }
0x53: {  	[sflag:s3] =	ssyncset.done $0x0  }
0x54: {  	[sflag:s3] =	ssyncadd.s32 $0xFFFFFE00  }
0x55: {  	[tilespmem:s6], [sflag:$0x3] =	stream.linear.gather [hbm4b:s5+s2], $0x200, $0x38;
	[tilespmem:$0x10400] =	vst v63  }
0x56: {  	_ =	swait.ge [sflag:s3], $0x200  }
0x57: {  	[sflag:s3] =	ssyncset.done $0x0  }
0x58: {  	[sflag:s3] =	ssyncadd.s32 $0xFFFFFE00  }
0x59: {  	[tilespmem:s9], [sflag:$0x1] =	stream.indirect.gather [hbm4b:s7+s8], $0x80, s2, s8, $0xb8;
	[tilespmem:$0x10400] =	vst v63  }
0x5a: {  	_ = 	snop  }
0x5b: {  	[tilespmem:s10], [sflag:$0x2] =	stream.indirect.gather [hbm4b:s7+s8], $0x80, s8, s8, $0xb8;
	[tilespmem:$0x10400] =	vst v63  }
0x5c: {  	_ =	swait.ge [sflag:s11], $0x4000  }
0x5d: {  	[sflag:s11] =	ssyncset.done $0x0  }
0x5e: {  	[sflag:s11] =	ssyncadd.s32 $0xFFFFC000  }
0x5f: {  	[hbm4b:s12+s2] =	stream.linear.scatter [tilespmem:s9], [sflag:$0x3], $0x4000, $0x38;
	[tilespmem:$0x10400] =	vst v63  }
0x60: {  	_ =	swait.ge [sflag:s3], $0x4000  }
0x61: {  	[sflag:s3] =	ssyncset.done $0x0  }
0x62: {  	[sflag:s3] =	ssyncadd.s32 $0xFFFFC000  }
0x63: {  	[tilespmem:s9], [sflag:$0x1] =	stream.indirect.gather [hbm4b:s7+s8], $0x80, s13, s8, $0xb8;
	[tilespmem:$0x10400] =	vst v63  }
0x64: {  	_ =	swait.ge [sflag:s14], $0x4000  }
0x65: {  	[sflag:s14] =	ssyncset.done $0x0  }
0x66: {  	[sflag:s14] =	ssyncadd.s32 $0xFFFFC000  }
0x67: {  	[hbm4b:s15+s2] =	stream.linear.scatter [tilespmem:s10], [sflag:$0x3], $0x4000, $0x38;
	[tilespmem:$0x10400] =	vst v63  }
0x68: {  	_ =	swait.ge [sflag:s3], $0x4000  }
0x69: {  	[sflag:s3] =	ssyncset.done $0x0  }
0x6a: {  	[sflag:s3] =	ssyncadd.s32 $0xFFFFC000  }
0x6b: {  	[tilespmem:s10], [sflag:$0x2] =	stream.indirect.gather [hbm4b:s7+s8], $0x80, s16, s8, $0xb8;
	[tilespmem:$0x10400] =	vst v63  }
0x6c: {  	_ =	swait.ge [sflag:s11], $0x4000  }
0x6d: {  	[sflag:s11] =	ssyncset.done $0x0  }
0x6e: {  	[sflag:s11] =	ssyncadd.s32 $0xFFFFC000  }
0x6f: {  	[hbm4b:s17+s2] =	stream.linear.scatter [tilespmem:s9], [sflag:$0x3], $0x4000, $0x38;
	[tilespmem:$0x10400] =	vst v63  }
0x70: {  	_ =	swait.ge [sflag:s3], $0x4000  }
0x71: {  	[sflag:s3] =	ssyncset.done $0x0  }
0x72: {  	[sflag:s3] =	ssyncadd.s32 $0xFFFFC000  }
0x73: {  	_ =	swait.ge [sflag:s14], $0x4000  }
0x74: {  	[sflag:s14] =	ssyncset.done $0x0  }
0x75: {  	[sflag:s14] =	ssyncadd.s32 $0xFFFFC000  }
0x76: {  	[hbm4b:s18+s2] =	stream.linear.scatter [tilespmem:s10], [sflag:$0x3], $0x4000, $0x38;
	[tilespmem:$0x10400] =	vst v63  }
0x77: {  	_ =	swait.ge [sflag:s3], $0x4000  }
0x78: {  	[sflag:s3] =	ssyncset.done $0x0  }
0x79: {  	[sflag:s3] =	ssyncadd.s32 $0xFFFFC000  }
0x7a: {  	[tilespmem:s19], [sflag:$0x1] =	stream.indirect.gather [hbm4b:s7+s8], $0x80, s6, s8, $0xb8;
	[tilespmem:$0x10400] =	vst v63  }
0x7b: {  	_ = 	snop  }
0x7c: {  	[tilespmem:s21], [sflag:$0x2] =	stream.indirect.gather [hbm4b:s7+s8], $0x80, s20, s8, $0xb8;
	[tilespmem:$0x10400] =	vst v63  }
0x7d: {  	_ =	swait.ge [sflag:s11], $0x4000  }
0x7e: {  	[sflag:s11] =	ssyncset.done $0x0  }
0x7f: {  	[sflag:s11] =	ssyncadd.s32 $0xFFFFC000  }
0x80: {  	[hbm4b:s22+s2] =	stream.linear.scatter [tilespmem:s19], [sflag:$0x3], $0x4000, $0x38;
	[tilespmem:$0x10400] =	vst v63  }
0x81: {  	_ =	swait.ge [sflag:s3], $0x4000  }
0x82: {  	[sflag:s3] =	ssyncset.done $0x0  }
0x83: {  	[sflag:s3] =	ssyncadd.s32 $0xFFFFC000  }
0x84: {  	[tilespmem:s19], [sflag:$0x1] =	stream.indirect.gather [hbm4b:s7+s8], $0x80, s23, s8, $0xb8;
	[tilespmem:$0x10400] =	vst v63  }
0x85: {  	_ =	swait.ge [sflag:s14], $0x4000  }
0x86: {  	[sflag:s14] =	ssyncset.done $0x0  }
0x87: {  	[sflag:s14] =	ssyncadd.s32 $0xFFFFC000  }
0x88: {  	[hbm4b:s24+s2] =	stream.linear.scatter [tilespmem:s21], [sflag:$0x3], $0x4000, $0x38;
	[tilespmem:$0x10400] =	vst v63  }
0x89: {  	_ =	swait.ge [sflag:s3], $0x4000  }
0x8a: {  	[sflag:s3] =	ssyncset.done $0x0  }
0x8b: {  	[sflag:s3] =	ssyncadd.s32 $0xFFFFC000  }
0x8c: {  	[tilespmem:s21], [sflag:$0x2] =	stream.indirect.gather [hbm4b:s7+s8], $0x80, s25, s8, $0xb8;
	[tilespmem:$0x10400] =	vst v63  }
0x8d: {  	_ =	swait.ge [sflag:s11], $0x4000  }
0x8e: {  	[sflag:s11] =	ssyncset.done $0x0  }
0x8f: {  	[sflag:s11] =	ssyncadd.s32 $0xFFFFC000  }
0x90: {  	[hbm4b:s26+s2] =	stream.linear.scatter [tilespmem:s19], [sflag:$0x3], $0x4000, $0x38;
	[tilespmem:$0x10400] =	vst v63  }
0x91: {  	_ =	swait.ge [sflag:s3], $0x4000  }
0x92: {  	[sflag:s3] =	ssyncset.done $0x0  }
0x93: {  	[sflag:s3] =	ssyncadd.s32 $0xFFFFC000  }
0x94: {  	_ =	swait.ge [sflag:s14], $0x4000  }
.Ltmp1:
0x95: {  	[sflag:s14] =	ssyncset.done $0x0;
	(pc) =	sbr.rel @p0 .LBB2_1-.Ltmp1, $4  }
0x96: {  	[sflag:s14] =	ssyncadd.s32 $0xFFFFC000  }
0x97: {  	[hbm4b:s28+s2] =	stream.linear.scatter [tilespmem:s21], [sflag:$0x3], $0x4000, $0x38;
	[tilespmem:$0x10400] =	vst v63  }
0x98: {  	_ =	swait.ge [sflag:s3], $0x4000  }
0x99: {  	[sflag:s3] =	ssyncset.done $0x0  }
.LBB2_2:
0x9a: {  	[sflag:s3] =	ssyncadd.s32 $0xFFFFC000  }
0x9b: {  	_ =	sfence.sel $0x180000  }
0x9c: {  	[bflag:$0x0] =	sbarrier.arrive $0xFFFF  }
0x9d: {  	p0 =	sne.s32 s0, $0x0;
	_ =	strace $0x90000047  }
0x9e: {  	s0 =	sadd.s32 @!p0 $0x100000, s1;
	[bflag:$0x2] =	sbarrier.arrive $0xFFFF  }
0x9f: {  	[sflag:s0] =	ssyncadd.tile.s32 @!p0 $0x1;
	_ =	shalt  }
.Lfunc_end2:
_tile_overlayer_lowered:
.L_overlay_start_2:
0xa0: {  	(tag) =	ssettag $0x2  }
0xa1: {  	s0 =	rddreg [dreg:$0x0];
	s2 =	stileid.u32  }
0xa2: {  	s1 =	rddreg [dreg:$0x1];
	p0 =	sne.s32 s2, $0x0  }
0xa3: {  	s3 =	rddreg [dreg:$0x2];
	[bflag:$0x3] =	sbarrier.arrive $0xFFFF;
	s2 =	simm.s32 @!p0 $0x1C03  }
0xa4: {  	[timem:s3], [sflag:s2] =	dma.local @!p0 [hbm:s0], s1  }
0xa5: {  	s0 =	simm.s32 @!p0 $0x3  }
0xa6: {  	_ =	swait.ge @!p0 [sflag:s0], s1  }
0xa7: {  	s1 =	ssub.s32 @!p0 $0x0, s1;
	[sflag:s0] =	ssyncset.done @!p0 $0x0  }
0xa8: {  	[sflag:s0] =	ssyncadd.s32 @!p0 s1  }
0xa9: {  	[bflag:$0x3] =	sbarrier.arrive $0xFFFF  }
0xaa: {  	_ =	shalt  }

</sc_bundles>
